<compile_context>
chip_gen: v7x
topology: tpu7x:2x2x1
jax: 0.10.2.dev20260603
libtpu: 0.0.44.dev20260713+nightly
codegen_flags: <defaults>
</compile_context>

<pallas_src>
import functools

import jax
import jax.numpy as jnp
from jax import lax
from jax.experimental import pallas as pl
from jax.experimental.pallas import tpu as pltpu
from jax.experimental.pallas import tpu_sc as plsc

_NUM_CORES = 2
_NUM_SUBCORES = 16
_LANES = 16
_NW = _NUM_CORES * _NUM_SUBCORES

_CHUNK = 8192


def _fold(x):
    u = jnp.abs(lax.rem(x, jnp.float32(2.0)))
    return jnp.where(u <= jnp.float32(1.0), u, jnp.float32(2.0) - u)


def _sc_body(n_rays, table_hbm, r_hbm, g_hbm, b_hbm, idx_hbm,
             o0_hbm, o1_hbm, o2_hbm,
             table_v, idx_v, r_v, g_v, b_v, o0_v, o1_v, o2_v,
             in_sems, out_sems):
    rays_per_worker = n_rays // _NW
    chunks = rays_per_worker // _CHUNK
    groups = _CHUNK // _LANES

    wid = lax.axis_index("s") * _NUM_CORES + lax.axis_index("c")
    worker_base = wid * rays_per_worker

    def run_groups(buf):
        @plsc.parallel_loop(0, groups, step=1, unroll=4)
        def _(g):
            s = pl.ds(g * _LANES, _LANES)
            vidx = idx_v[buf][s]
            base = vidx * 12
            p = [plsc.load_gather(table_v, [base + k]) for k in range(12)]
            r = r_v[buf][s]
            gg = g_v[buf][s]
            b = b_v[buf][s]
            o0_v[buf][s] = _fold(p[0] * r + p[1] * gg + p[2] * b + p[9])
            o1_v[buf][s] = _fold(p[3] * r + p[4] * gg + p[5] * b + p[10])
            o2_v[buf][s] = _fold(p[6] * r + p[7] * gg + p[8] * b + p[11])

    def start_in(j, buf):
        cs = pl.ds(worker_base + j * _CHUNK, _CHUNK)
        return [pltpu.async_copy(idx_hbm.at[cs], idx_v[buf], in_sems[buf]),
                pltpu.async_copy(r_hbm.at[cs], r_v[buf], in_sems[buf]),
                pltpu.async_copy(g_hbm.at[cs], g_v[buf], in_sems[buf]),
                pltpu.async_copy(b_hbm.at[cs], b_v[buf], in_sems[buf])]

    def start_out(j, buf):
        cs = pl.ds(worker_base + j * _CHUNK, _CHUNK)
        return [pltpu.async_copy(o0_v[buf], o0_hbm.at[cs], out_sems[buf]),
                pltpu.async_copy(o1_v[buf], o1_hbm.at[cs], out_sems[buf]),
                pltpu.async_copy(o2_v[buf], o2_hbm.at[cs], out_sems[buf])]

    in_flight = start_in(0, 0)
    pltpu.sync_copy(table_hbm, table_v)
    out_flight = [None, None]
    for j in range(chunks):
        buf = j % 2
        cur_in = in_flight
        if j + 1 < chunks:
            in_flight = start_in(j + 1, 1 - buf)
        for h in cur_in:
            h.wait()
        if out_flight[buf] is not None:
            for h in out_flight[buf]:
                h.wait()
        run_groups(buf)
        out_flight[buf] = start_out(j, buf)
    for hs in out_flight:
        if hs is not None:
            for h in hs:
                h.wait()


def kernel(rgb, image_indices, imageids_to_bias, imageids_to_full_matrix):
    n = rgb.shape[0]
    m = imageids_to_full_matrix.shape[0]
    table = jnp.concatenate(
        [imageids_to_full_matrix.reshape(m, 9),
         imageids_to_bias.reshape(m, 3)], axis=1).reshape(-1)
    idx = image_indices.astype(jnp.int32)

    mesh = plsc.VectorSubcoreMesh(core_axis_name="c", subcore_axis_name="s")
    plane = jax.ShapeDtypeStruct((n,), jnp.float32)
    run = pl.kernel(
        functools.partial(_sc_body, n),
        out_type=(plane, plane, plane),
        mesh=mesh,
        scratch_types=[
            pltpu.VMEM((12 * m,), jnp.float32),
            [pltpu.VMEM((_CHUNK,), jnp.int32)] * 2,
        ] + [[pltpu.VMEM((_CHUNK,), jnp.float32)] * 2] * 6
          + [[pltpu.SemaphoreType.DMA] * 2] * 2,
        compiler_params=pltpu.CompilerParams(needs_layout_passes=False),
    )
    o0, o1, o2 = run(table, rgb[:, 0], rgb[:, 1], rgb[:, 2], idx)
    return jnp.stack([o0, o1, o2], axis=1)

# --- scband reference (transcript-rebuilt; emitter-appended) ---
"""Pipeline reference for scband-color-calibration-80444737454426 (READ-ONLY COPY).

The authoritative reference and input builder live on the scoring server;
editing this copy changes nothing except your own understanding.
"""

import jax, jax.numpy as jnp
import numpy as np


def project_to_correct_range(x, mode='zick_zack'):
    # zick-zack (triangle-wave) folding of values into [0, 1]
    t = jnp.mod(x, 2.0)
    return jnp.where(t <= 1.0, t, 2.0 - t)


def setup_inputs(seed: int = 0) -> dict:
    key = jax.random.key(seed)
    k1, k2, k3, k4 = jax.random.split(key, 4)
    N = 1048576          # number of rays / pixels in the batch
    M = 1000             # num_train_images (training set size)
    rgb = jax.random.uniform(k1, (N, 3), dtype=jnp.float32)
    image_indices = jax.random.randint(k2, (N,), 0, M)
    # learned per-image calibration params: identity matrices + small perturbation,
    # near-zero biases (module inits to exact identity / zeros)
    eye = jnp.broadcast_to(jnp.eye(3, dtype=jnp.float32), (M, 3, 3))
    imageids_to_full_matrix = eye + 0.01 * jax.random.normal(k3, (M, 3, 3), dtype=jnp.float32)
    imageids_to_bias = 0.01 * jax.random.normal(k4, (M, 3, 1), dtype=jnp.float32)
    return {
        'rgb': rgb,
        'image_indices': image_indices,
        'imageids_to_bias': imageids_to_bias,
        'imageids_to_full_matrix': imageids_to_full_matrix,
    }


def reference(rgb, image_indices, imageids_to_bias, imageids_to_full_matrix):
    # embedding-style gather of per-image calibration params
    biases = jnp.take(imageids_to_bias, image_indices, axis=0)          # [N, 3, 1]
    matrices = jnp.take(imageids_to_full_matrix, image_indices, axis=0)  # [N, 3, 3]
    out = jnp.matmul(matrices, rgb.reshape(-1, 3, 1)) + biases           # [N, 3, 1]
    out = out.reshape(-1, 3)
    out = project_to_correct_range(out, mode='zick_zack')
    return out

if __name__ == "__main__":
    import jax
    _d = setup_inputs()
    print(jax.jit(kernel)(*tuple(_d.values())))

</pallas_src>

<mosaic_0001>
#map = affine_map<(d0, d1) -> (0)>
module attributes {stable_mosaic.version = 14 : i64} {
  func.func @_sc_body(%arg0: i32, %arg1: i32, %arg2: memref<12000xf32, #tpu.memory_space<hbm>>, %arg3: memref<1048576xf32, #tpu.memory_space<hbm>>, %arg4: memref<1048576xf32, #tpu.memory_space<hbm>>, %arg5: memref<1048576xf32, #tpu.memory_space<hbm>>, %arg6: memref<1048576xi32, #tpu.memory_space<hbm>>, %arg7: memref<1048576xf32, #tpu.memory_space<hbm>>, %arg8: memref<1048576xf32, #tpu.memory_space<hbm>>, %arg9: memref<1048576xf32, #tpu.memory_space<hbm>>, %arg10: memref<12000xf32, #tpu.memory_space<vmem>>, %arg11: memref<8192xi32, #tpu.memory_space<vmem>>, %arg12: memref<8192xi32, #tpu.memory_space<vmem>>, %arg13: memref<8192xf32, #tpu.memory_space<vmem>>, %arg14: memref<8192xf32, #tpu.memory_space<vmem>>, %arg15: memref<8192xf32, #tpu.memory_space<vmem>>, %arg16: memref<8192xf32, #tpu.memory_space<vmem>>, %arg17: memref<8192xf32, #tpu.memory_space<vmem>>, %arg18: memref<8192xf32, #tpu.memory_space<vmem>>, %arg19: memref<8192xf32, #tpu.memory_space<vmem>>, %arg20: memref<8192xf32, #tpu.memory_space<vmem>>, %arg21: memref<8192xf32, #tpu.memory_space<vmem>>, %arg22: memref<8192xf32, #tpu.memory_space<vmem>>, %arg23: memref<8192xf32, #tpu.memory_space<vmem>>, %arg24: memref<8192xf32, #tpu.memory_space<vmem>>, %arg25: memref<!tpu.dma_semaphore, #tpu.memory_space<semaphore_mem>>, %arg26: memref<!tpu.dma_semaphore, #tpu.memory_space<semaphore_mem>>, %arg27: memref<!tpu.dma_semaphore, #tpu.memory_space<semaphore_mem>>, %arg28: memref<!tpu.dma_semaphore, #tpu.memory_space<semaphore_mem>>) attributes {dimension_semantics = [#tpu.dimension_semantics<core_parallel>, #tpu.dimension_semantics<subcore_parallel>], iteration_bounds = array<i64: 2, 16>, scalar_prefetch = 0 : i64, scratch_operands = 19 : i64, tpu.core_type = #tpu.core_type<sc_vector_subcore>, window_params = [{transform_indices = #map}, {transform_indices = #map}, {transform_indices = #map}, {transform_indices = #map}, {transform_indices = #map}, {transform_indices = #map}, {transform_indices = #map}, {transform_indices = #map}]} {
    %mul3A = arith.constant 2 : i32
    %mul3A_0 = arith.muli %arg1, %mul3A : i32
    %add3A = arith.addi %mul3A_0, %arg0 : i32
    %mul3A_1 = arith.constant 32768 : i32
    %mul3A_2 = arith.muli %add3A, %mul3A_1 : i32
    %add3A_3 = arith.constant 0 : i32
    %add3A_4 = arith.addi %mul3A_2, %add3A_3 : i32
    %dma_start3A = tpu.memref_slice %arg6[%add3A_4] : memref<1048576xi32, #tpu.memory_space<hbm>> -> memref<8192xi32, #tpu.memory_space<hbm>>
    %dma_start3A_5 = tpu.memref_slice %arg6[%add3A_4] : memref<1048576xi32, #tpu.memory_space<hbm>> -> memref<8192xi32, #tpu.memory_space<hbm>>
    tpu.enqueue_dma source(%dma_start3A_5 : memref<8192xi32, #tpu.memory_space<hbm>>) target(%arg11 : memref<8192xi32, #tpu.memory_space<vmem>>) target_semaphore(%arg25 : memref<!tpu.dma_semaphore, #tpu.memory_space<semaphore_mem>>)
    %dma_start3A_6 = tpu.memref_slice %arg3[%add3A_4] : memref<1048576xf32, #tpu.memory_space<hbm>> -> memref<8192xf32, #tpu.memory_space<hbm>>
    %dma_start3A_7 = tpu.memref_slice %arg3[%add3A_4] : memref<1048576xf32, #tpu.memory_space<hbm>> -> memref<8192xf32, #tpu.memory_space<hbm>>
    tpu.enqueue_dma source(%dma_start3A_7 : memref<8192xf32, #tpu.memory_space<hbm>>) target(%arg13 : memref<8192xf32, #tpu.memory_space<vmem>>) target_semaphore(%arg25 : memref<!tpu.dma_semaphore, #tpu.memory_space<semaphore_mem>>)
    %dma_start3A_8 = tpu.memref_slice %arg4[%add3A_4] : memref<1048576xf32, #tpu.memory_space<hbm>> -> memref<8192xf32, #tpu.memory_space<hbm>>
    %dma_start3A_9 = tpu.memref_slice %arg4[%add3A_4] : memref<1048576xf32, #tpu.memory_space<hbm>> -> memref<8192xf32, #tpu.memory_space<hbm>>
    tpu.enqueue_dma source(%dma_start3A_9 : memref<8192xf32, #tpu.memory_space<hbm>>) target(%arg15 : memref<8192xf32, #tpu.memory_space<vmem>>) target_semaphore(%arg25 : memref<!tpu.dma_semaphore, #tpu.memory_space<semaphore_mem>>)
    %dma_start3A_10 = tpu.memref_slice %arg5[%add3A_4] : memref<1048576xf32, #tpu.memory_space<hbm>> -> memref<8192xf32, #tpu.memory_space<hbm>>
    %dma_start3A_11 = tpu.memref_slice %arg5[%add3A_4] : memref<1048576xf32, #tpu.memory_space<hbm>> -> memref<8192xf32, #tpu.memory_space<hbm>>
    tpu.enqueue_dma source(%dma_start3A_11 : memref<8192xf32, #tpu.memory_space<hbm>>) target(%arg17 : memref<8192xf32, #tpu.memory_space<vmem>>) target_semaphore(%arg25 : memref<!tpu.dma_semaphore, #tpu.memory_space<semaphore_mem>>)
    "tpu.region"() ({
      %run_scoped3A = tpu.sem_alloc : memref<!tpu.dma_semaphore, #tpu.memory_space<semaphore_mem>>
      tpu.enqueue_dma source(%arg2 : memref<12000xf32, #tpu.memory_space<hbm>>) target(%arg10 : memref<12000xf32, #tpu.memory_space<vmem>>) target_semaphore(%run_scoped3A : memref<!tpu.dma_semaphore, #tpu.memory_space<semaphore_mem>>)
      tpu.wait_dma2 semaphore(%run_scoped3A : memref<!tpu.dma_semaphore, #tpu.memory_space<semaphore_mem>>) src(%arg2 : memref<12000xf32, #tpu.memory_space<hbm>>) dst(%arg10 : memref<12000xf32, #tpu.memory_space<vmem>>)
      tpu.yield
    }) : () -> ()
    %add3A_12 = arith.constant 8192 : i32
    %add3A_13 = arith.addi %mul3A_2, %add3A_12 : i32
    %dma_start3A_14 = tpu.memref_slice %arg6[%add3A_13] : memref<1048576xi32, #tpu.memory_space<hbm>> -> memref<8192xi32, #tpu.memory_space<hbm>>
    %dma_start3A_15 = tpu.memref_slice %arg6[%add3A_13] : memref<1048576xi32, #tpu.memory_space<hbm>> -> memref<8192xi32, #tpu.memory_space<hbm>>
    tpu.enqueue_dma source(%dma_start3A_15 : memref<8192xi32, #tpu.memory_space<hbm>>) target(%arg12 : memref<8192xi32, #tpu.memory_space<vmem>>) target_semaphore(%arg26 : memref<!tpu.dma_semaphore, #tpu.memory_space<semaphore_mem>>)
    %dma_start3A_16 = tpu.memref_slice %arg3[%add3A_13] : memref<1048576xf32, #tpu.memory_space<hbm>> -> memref<8192xf32, #tpu.memory_space<hbm>>
    %dma_start3A_17 = tpu.memref_slice %arg3[%add3A_13] : memref<1048576xf32, #tpu.memory_space<hbm>> -> memref<8192xf32, #tpu.memory_space<hbm>>
    tpu.enqueue_dma source(%dma_start3A_17 : memref<8192xf32, #tpu.memory_space<hbm>>) target(%arg14 : memref<8192xf32, #tpu.memory_space<vmem>>) target_semaphore(%arg26 : memref<!tpu.dma_semaphore, #tpu.memory_space<semaphore_mem>>)
    %dma_start3A_18 = tpu.memref_slice %arg4[%add3A_13] : memref<1048576xf32, #tpu.memory_space<hbm>> -> memref<8192xf32, #tpu.memory_space<hbm>>
    %dma_start3A_19 = tpu.memref_slice %arg4[%add3A_13] : memref<1048576xf32, #tpu.memory_space<hbm>> -> memref<8192xf32, #tpu.memory_space<hbm>>
    tpu.enqueue_dma source(%dma_start3A_19 : memref<8192xf32, #tpu.memory_space<hbm>>) target(%arg16 : memref<8192xf32, #tpu.memory_space<vmem>>) target_semaphore(%arg26 : memref<!tpu.dma_semaphore, #tpu.memory_space<semaphore_mem>>)
    %dma_start3A_20 = tpu.memref_slice %arg5[%add3A_13] : memref<1048576xf32, #tpu.memory_space<hbm>> -> memref<8192xf32, #tpu.memory_space<hbm>>
    %dma_start3A_21 = tpu.memref_slice %arg5[%add3A_13] : memref<1048576xf32, #tpu.memory_space<hbm>> -> memref<8192xf32, #tpu.memory_space<hbm>>
    tpu.enqueue_dma source(%dma_start3A_21 : memref<8192xf32, #tpu.memory_space<hbm>>) target(%arg18 : memref<8192xf32, #tpu.memory_space<vmem>>) target_semaphore(%arg26 : memref<!tpu.dma_semaphore, #tpu.memory_space<semaphore_mem>>)
    %dma_wait3A = tpu.memref_slice %arg6[%add3A_4] : memref<1048576xi32, #tpu.memory_space<hbm>> -> memref<8192xi32, #tpu.memory_space<hbm>>
    %dma_wait3A_22 = tpu.memref_slice %arg6[%add3A_4] : memref<1048576xi32, #tpu.memory_space<hbm>> -> memref<8192xi32, #tpu.memory_space<hbm>>
    tpu.wait_dma2 semaphore(%arg25 : memref<!tpu.dma_semaphore, #tpu.memory_space<semaphore_mem>>) src(%dma_wait3A_22 : memref<8192xi32, #tpu.memory_space<hbm>>) dst(%arg11 : memref<8192xi32, #tpu.memory_space<vmem>>)
    %dma_wait3A_23 = tpu.memref_slice %arg3[%add3A_4] : memref<1048576xf32, #tpu.memory_space<hbm>> -> memref<8192xf32, #tpu.memory_space<hbm>>
    %dma_wait3A_24 = tpu.memref_slice %arg3[%add3A_4] : memref<1048576xf32, #tpu.memory_space<hbm>> -> memref<8192xf32, #tpu.memory_space<hbm>>
    tpu.wait_dma2 semaphore(%arg25 : memref<!tpu.dma_semaphore, #tpu.memory_space<semaphore_mem>>) src(%dma_wait3A_24 : memref<8192xf32, #tpu.memory_space<hbm>>) dst(%arg13 : memref<8192xf32, #tpu.memory_space<vmem>>)
    %dma_wait3A_25 = tpu.memref_slice %arg4[%add3A_4] : memref<1048576xf32, #tpu.memory_space<hbm>> -> memref<8192xf32, #tpu.memory_space<hbm>>
    %dma_wait3A_26 = tpu.memref_slice %arg4[%add3A_4] : memref<1048576xf32, #tpu.memory_space<hbm>> -> memref<8192xf32, #tpu.memory_space<hbm>>
    tpu.wait_dma2 semaphore(%arg25 : memref<!tpu.dma_semaphore, #tpu.memory_space<semaphore_mem>>) src(%dma_wait3A_26 : memref<8192xf32, #tpu.memory_space<hbm>>) dst(%arg15 : memref<8192xf32, #tpu.memory_space<vmem>>)
    %dma_wait3A_27 = tpu.memref_slice %arg5[%add3A_4] : memref<1048576xf32, #tpu.memory_space<hbm>> -> memref<8192xf32, #tpu.memory_space<hbm>>
    %dma_wait3A_28 = tpu.memref_slice %arg5[%add3A_4] : memref<1048576xf32, #tpu.memory_space<hbm>> -> memref<8192xf32, #tpu.memory_space<hbm>>
    tpu.wait_dma2 semaphore(%arg25 : memref<!tpu.dma_semaphore, #tpu.memory_space<semaphore_mem>>) src(%dma_wait3A_28 : memref<8192xf32, #tpu.memory_space<hbm>>) dst(%arg17 : memref<8192xf32, #tpu.memory_space<vmem>>)
    %parallel_loop3A = arith.constant 0 : i32
    %parallel_loop3A_29 = arith.constant 512 : i32
    %parallel_loop3A_30 = arith.constant 1 : i32
    scf.for %parallel_loop3A_140 = %parallel_loop3A to %parallel_loop3A_29 step %parallel_loop3A_30  : i32 {
      %parallel_loop3A_141 = arith.constant 16 : i32
      %parallel_loop3A_142 = arith.muli %parallel_loop3A_140, %parallel_loop3A_141 : i32
      %parallel_loop3A_143 = arith.index_cast %parallel_loop3A_142 : i32 to index
      %parallel_loop3A_144 = tpu.vector_load %arg11[%parallel_loop3A_143] {strides = array<i32>} : memref<8192xi32, #tpu.memory_space<vmem>>, vector<16xi32>,
      %parallel_loop3A_145 = arith.constant 12 : i32
      %parallel_loop3A_146 = vector.broadcast %parallel_loop3A_145 : i32 to vector<16xi32>
      %parallel_loop3A_147 = arith.muli %parallel_loop3A_144, %parallel_loop3A_146 : vector<16xi32>
      %parallel_loop3A_148 = arith.constant 0 : i32
      %parallel_loop3A_149 = vector.broadcast %parallel_loop3A_148 : i32 to vector<16xi32>
      %parallel_loop3A_150 = arith.addi %parallel_loop3A_147, %parallel_loop3A_149 : vector<16xi32>
      %parallel_loop3A_151 = tpu.vector_load_idx %arg10[%parallel_loop3A_150] : memref<12000xf32, #tpu.memory_space<vmem>>[vector<16xi32>], vector<16xf32>,
      %parallel_loop3A_152 = arith.constant 1 : i32
      %parallel_loop3A_153 = vector.broadcast %parallel_loop3A_152 : i32 to vector<16xi32>
      %parallel_loop3A_154 = arith.addi %parallel_loop3A_147, %parallel_loop3A_153 : vector<16xi32>
      %parallel_loop3A_155 = tpu.vector_load_idx %arg10[%parallel_loop3A_154] : memref<12000xf32, #tpu.memory_space<vmem>>[vector<16xi32>], vector<16xf32>,
      %parallel_loop3A_156 = arith.constant 2 : i32
      %parallel_loop3A_157 = vector.broadcast %parallel_loop3A_156 : i32 to vector<16xi32>
      %parallel_loop3A_158 = arith.addi %parallel_loop3A_147, %parallel_loop3A_157 : vector<16xi32>
      %parallel_loop3A_159 = tpu.vector_load_idx %arg10[%parallel_loop3A_158] : memref<12000xf32, #tpu.memory_space<vmem>>[vector<16xi32>], vector<16xf32>,
      %parallel_loop3A_160 = arith.constant 3 : i32
      %parallel_loop3A_161 = vector.broadcast %parallel_loop3A_160 : i32 to vector<16xi32>
      %parallel_loop3A_162 = arith.addi %parallel_loop3A_147, %parallel_loop3A_161 : vector<16xi32>
      %parallel_loop3A_163 = tpu.vector_load_idx %arg10[%parallel_loop3A_162] : memref<12000xf32, #tpu.memory_space<vmem>>[vector<16xi32>], vector<16xf32>,
      %parallel_loop3A_164 = arith.constant 4 : i32
      %parallel_loop3A_165 = vector.broadcast %parallel_loop3A_164 : i32 to vector<16xi32>
      %parallel_loop3A_166 = arith.addi %parallel_loop3A_147, %parallel_loop3A_165 : vector<16xi32>
      %parallel_loop3A_167 = tpu.vector_load_idx %arg10[%parallel_loop3A_166] : memref<12000xf32, #tpu.memory_space<vmem>>[vector<16xi32>], vector<16xf32>,
      %parallel_loop3A_168 = arith.constant 5 : i32
      %parallel_loop3A_169 = vector.broadcast %parallel_loop3A_168 : i32 to vector<16xi32>
      %parallel_loop3A_170 = arith.addi %parallel_loop3A_147, %parallel_loop3A_169 : vector<16xi32>
      %parallel_loop3A_171 = tpu.vector_load_idx %arg10[%parallel_loop3A_170] : memref<12000xf32, #tpu.memory_space<vmem>>[vector<16xi32>], vector<16xf32>,
      %parallel_loop3A_172 = arith.constant 6 : i32
      %parallel_loop3A_173 = vector.broadcast %parallel_loop3A_172 : i32 to vector<16xi32>
      %parallel_loop3A_174 = arith.addi %parallel_loop3A_147, %parallel_loop3A_173 : vector<16xi32>
      %parallel_loop3A_175 = tpu.vector_load_idx %arg10[%parallel_loop3A_174] : memref<12000xf32, #tpu.memory_space<vmem>>[vector<16xi32>], vector<16xf32>,
      %parallel_loop3A_176 = arith.constant 7 : i32
      %parallel_loop3A_177 = vector.broadcast %parallel_loop3A_176 : i32 to vector<16xi32>
      %parallel_loop3A_178 = arith.addi %parallel_loop3A_147, %parallel_loop3A_177 : vector<16xi32>
      %parallel_loop3A_179 = tpu.vector_load_idx %arg10[%parallel_loop3A_178] : memref<12000xf32, #tpu.memory_space<vmem>>[vector<16xi32>], vector<16xf32>,
      %parallel_loop3A_180 = arith.constant 8 : i32
      %parallel_loop3A_181 = vector.broadcast %parallel_loop3A_180 : i32 to vector<16xi32>
      %parallel_loop3A_182 = arith.addi %parallel_loop3A_147, %parallel_loop3A_181 : vector<16xi32>
      %parallel_loop3A_183 = tpu.vector_load_idx %arg10[%parallel_loop3A_182] : memref<12000xf32, #tpu.memory_space<vmem>>[vector<16xi32>], vector<16xf32>,
      %parallel_loop3A_184 = arith.constant 9 : i32
      %parallel_loop3A_185 = vector.broadcast %parallel_loop3A_184 : i32 to vector<16xi32>
      %parallel_loop3A_186 = arith.addi %parallel_loop3A_147, %parallel_loop3A_185 : vector<16xi32>
      %parallel_loop3A_187 = tpu.vector_load_idx %arg10[%parallel_loop3A_186] : memref<12000xf32, #tpu.memory_space<vmem>>[vector<16xi32>], vector<16xf32>,
      %parallel_loop3A_188 = arith.constant 10 : i32
      %parallel_loop3A_189 = vector.broadcast %parallel_loop3A_188 : i32 to vector<16xi32>
      %parallel_loop3A_190 = arith.addi %parallel_loop3A_147, %parallel_loop3A_189 : vector<16xi32>
      %parallel_loop3A_191 = tpu.vector_load_idx %arg10[%parallel_loop3A_190] : memref<12000xf32, #tpu.memory_space<vmem>>[vector<16xi32>], vector<16xf32>,
      %parallel_loop3A_192 = arith.constant 11 : i32
      %parallel_loop3A_193 = vector.broadcast %parallel_loop3A_192 : i32 to vector<16xi32>
      %parallel_loop3A_194 = arith.addi %parallel_loop3A_147, %parallel_loop3A_193 : vector<16xi32>
      %parallel_loop3A_195 = tpu.vector_load_idx %arg10[%parallel_loop3A_194] : memref<12000xf32, #tpu.memory_space<vmem>>[vector<16xi32>], vector<16xf32>,
      %parallel_loop3A_196 = arith.index_cast %parallel_loop3A_142 : i32 to index
      %parallel_loop3A_197 = tpu.vector_load %arg13[%parallel_loop3A_196] {strides = array<i32>} : memref<8192xf32, #tpu.memory_space<vmem>>, vector<16xf32>,
      %parallel_loop3A_198 = arith.index_cast %parallel_loop3A_142 : i32 to index
      %parallel_loop3A_199 = tpu.vector_load %arg15[%parallel_loop3A_198] {strides = array<i32>} : memref<8192xf32, #tpu.memory_space<vmem>>, vector<16xf32>,
      %parallel_loop3A_200 = arith.index_cast %parallel_loop3A_142 : i32 to index
      %parallel_loop3A_201 = tpu.vector_load %arg17[%parallel_loop3A_200] {strides = array<i32>} : memref<8192xf32, #tpu.memory_space<vmem>>, vector<16xf32>,
      %parallel_loop3A_202 = arith.mulf %parallel_loop3A_151, %parallel_loop3A_197 : vector<16xf32>
      %parallel_loop3A_203 = arith.mulf %parallel_loop3A_155, %parallel_loop3A_199 : vector<16xf32>
      %parallel_loop3A_204 = arith.addf %parallel_loop3A_202, %parallel_loop3A_203 : vector<16xf32>
      %parallel_loop3A_205 = arith.mulf %parallel_loop3A_159, %parallel_loop3A_201 : vector<16xf32>
      %parallel_loop3A_206 = arith.addf %parallel_loop3A_204, %parallel_loop3A_205 : vector<16xf32>
      %parallel_loop3A_207 = arith.addf %parallel_loop3A_206, %parallel_loop3A_187 : vector<16xf32>
      %parallel_loop3A_208 = arith.constant 2.000000e+00 : f32
      %parallel_loop3A_209 = vector.broadcast %parallel_loop3A_208 : f32 to vector<16xf32>
      %parallel_loop3A_210 = arith.remf %parallel_loop3A_207, %parallel_loop3A_209 : vector<16xf32>
      %parallel_loop3A_211 = math.absf %parallel_loop3A_210 : vector<16xf32>
      %parallel_loop3A_212 = arith.constant 1.000000e+00 : f32
      %parallel_loop3A_213 = vector.broadcast %parallel_loop3A_212 : f32 to vector<16xf32>
      %parallel_loop3A_214 = arith.cmpf ole, %parallel_loop3A_211, %parallel_loop3A_213 : vector<16xf32>
      %parallel_loop3A_215 = arith.constant 2.000000e+00 : f32
      %parallel_loop3A_216 = vector.broadcast %parallel_loop3A_215 : f32 to vector<16xf32>
      %parallel_loop3A_217 = arith.subf %parallel_loop3A_216, %parallel_loop3A_211 : vector<16xf32>
      %parallel_loop3A_218 = arith.select %parallel_loop3A_214, %parallel_loop3A_211, %parallel_loop3A_217 : vector<16xi1>, vector<16xf32>
      %parallel_loop3A_219 = arith.index_cast %parallel_loop3A_142 : i32 to index
      %parallel_loop3A_220 = tpu.vector_load %arg19[%parallel_loop3A_219] {strides = array<i32>} : memref<8192xf32, #tpu.memory_space<vmem>>, vector<16xf32>,
      tpu.vector_store %arg19[%parallel_loop3A_219], %parallel_loop3A_218 {strides = array<i32>} : memref<8192xf32, #tpu.memory_space<vmem>>, vector<16xf32>,
      %parallel_loop3A_221 = arith.mulf %parallel_loop3A_163, %parallel_loop3A_197 : vector<16xf32>
      %parallel_loop3A_222 = arith.mulf %parallel_loop3A_167, %parallel_loop3A_199 : vector<16xf32>
      %parallel_loop3A_223 = arith.addf %parallel_loop3A_221, %parallel_loop3A_222 : vector<16xf32>
      %parallel_loop3A_224 = arith.mulf %parallel_loop3A_171, %parallel_loop3A_201 : vector<16xf32>
      %parallel_loop3A_225 = arith.addf %parallel_loop3A_223, %parallel_loop3A_224 : vector<16xf32>
      %parallel_loop3A_226 = arith.addf %parallel_loop3A_225, %parallel_loop3A_191 : vector<16xf32>
      %parallel_loop3A_227 = arith.constant 2.000000e+00 : f32
      %parallel_loop3A_228 = vector.broadcast %parallel_loop3A_227 : f32 to vector<16xf32>
      %parallel_loop3A_229 = arith.remf %parallel_loop3A_226, %parallel_loop3A_228 : vector<16xf32>
      %parallel_loop3A_230 = math.absf %parallel_loop3A_229 : vector<16xf32>
      %parallel_loop3A_231 = arith.constant 1.000000e+00 : f32
      %parallel_loop3A_232 = vector.broadcast %parallel_loop3A_231 : f32 to vector<16xf32>
      %parallel_loop3A_233 = arith.cmpf ole, %parallel_loop3A_230, %parallel_loop3A_232 : vector<16xf32>
      %parallel_loop3A_234 = arith.constant 2.000000e+00 : f32
      %parallel_loop3A_235 = vector.broadcast %parallel_loop3A_234 : f32 to vector<16xf32>
      %parallel_loop3A_236 = arith.subf %parallel_loop3A_235, %parallel_loop3A_230 : vector<16xf32>
      %parallel_loop3A_237 = arith.select %parallel_loop3A_233, %parallel_loop3A_230, %parallel_loop3A_236 : vector<16xi1>, vector<16xf32>
      %parallel_loop3A_238 = arith.index_cast %parallel_loop3A_142 : i32 to index
      %parallel_loop3A_239 = tpu.vector_load %arg21[%parallel_loop3A_238] {strides = array<i32>} : memref<8192xf32, #tpu.memory_space<vmem>>, vector<16xf32>,
      tpu.vector_store %arg21[%parallel_loop3A_238], %parallel_loop3A_237 {strides = array<i32>} : memref<8192xf32, #tpu.memory_space<vmem>>, vector<16xf32>,
      %parallel_loop3A_240 = arith.mulf %parallel_loop3A_175, %parallel_loop3A_197 : vector<16xf32>
      %parallel_loop3A_241 = arith.mulf %parallel_loop3A_179, %parallel_loop3A_199 : vector<16xf32>
      %parallel_loop3A_242 = arith.addf %parallel_loop3A_240, %parallel_loop3A_241 : vector<16xf32>
      %parallel_loop3A_243 = arith.mulf %parallel_loop3A_183, %parallel_loop3A_201 : vector<16xf32>
      %parallel_loop3A_244 = arith.addf %parallel_loop3A_242, %parallel_loop3A_243 : vector<16xf32>
      %parallel_loop3A_245 = arith.addf %parallel_loop3A_244, %parallel_loop3A_195 : vector<16xf32>
      %parallel_loop3A_246 = arith.constant 2.000000e+00 : f32
      %parallel_loop3A_247 = vector.broadcast %parallel_loop3A_246 : f32 to vector<16xf32>
      %parallel_loop3A_248 = arith.remf %parallel_loop3A_245, %parallel_loop3A_247 : vector<16xf32>
      %parallel_loop3A_249 = math.absf %parallel_loop3A_248 : vector<16xf32>
      %parallel_loop3A_250 = arith.constant 1.000000e+00 : f32
      %parallel_loop3A_251 = vector.broadcast %parallel_loop3A_250 : f32 to vector<16xf32>
      %parallel_loop3A_252 = arith.cmpf ole, %parallel_loop3A_249, %parallel_loop3A_251 : vector<16xf32>
      %parallel_loop3A_253 = arith.constant 2.000000e+00 : f32
      %parallel_loop3A_254 = vector.broadcast %parallel_loop3A_253 : f32 to vector<16xf32>
      %parallel_loop3A_255 = arith.subf %parallel_loop3A_254, %parallel_loop3A_249 : vector<16xf32>
      %parallel_loop3A_256 = arith.select %parallel_loop3A_252, %parallel_loop3A_249, %parallel_loop3A_255 : vector<16xi1>, vector<16xf32>
      %parallel_loop3A_257 = arith.index_cast %parallel_loop3A_142 : i32 to index
      %parallel_loop3A_258 = tpu.vector_load %arg23[%parallel_loop3A_257] {strides = array<i32>} : memref<8192xf32, #tpu.memory_space<vmem>>, vector<16xf32>,
      tpu.vector_store %arg23[%parallel_loop3A_257], %parallel_loop3A_256 {strides = array<i32>} : memref<8192xf32, #tpu.memory_space<vmem>>, vector<16xf32>,
    } {sc.loop_unroll_factor = 4 : i64, sc.parallel_access}
    %add3A_31 = arith.constant 0 : i32
    %add3A_32 = arith.addi %mul3A_2, %add3A_31 : i32
    %dma_start3A_33 = tpu.memref_slice %arg7[%add3A_32] : memref<1048576xf32, #tpu.memory_space<hbm>> -> memref<8192xf32, #tpu.memory_space<hbm>>
    %dma_start3A_34 = tpu.memref_slice %arg7[%add3A_32] : memref<1048576xf32, #tpu.memory_space<hbm>> -> memref<8192xf32, #tpu.memory_space<hbm>>
    tpu.enqueue_dma source(%arg19 : memref<8192xf32, #tpu.memory_space<vmem>>) target(%dma_start3A_34 : memref<8192xf32, #tpu.memory_space<hbm>>) target_semaphore(%arg27 : memref<!tpu.dma_semaphore, #tpu.memory_space<semaphore_mem>>)
    %dma_start3A_35 = tpu.memref_slice %arg8[%add3A_32] : memref<1048576xf32, #tpu.memory_space<hbm>> -> memref<8192xf32, #tpu.memory_space<hbm>>
    %dma_start3A_36 = tpu.memref_slice %arg8[%add3A_32] : memref<1048576xf32, #tpu.memory_space<hbm>> -> memref<8192xf32, #tpu.memory_space<hbm>>
    tpu.enqueue_dma source(%arg21 : memref<8192xf32, #tpu.memory_space<vmem>>) target(%dma_start3A_36 : memref<8192xf32, #tpu.memory_space<hbm>>) target_semaphore(%arg27 : memref<!tpu.dma_semaphore, #tpu.memory_space<semaphore_mem>>)
    %dma_start3A_37 = tpu.memref_slice %arg9[%add3A_32] : memref<1048576xf32, #tpu.memory_space<hbm>> -> memref<8192xf32, #tpu.memory_space<hbm>>
    %dma_start3A_38 = tpu.memref_slice %arg9[%add3A_32] : memref<1048576xf32, #tpu.memory_space<hbm>> -> memref<8192xf32, #tpu.memory_space<hbm>>
    tpu.enqueue_dma source(%arg23 : memref<8192xf32, #tpu.memory_space<vmem>>) target(%dma_start3A_38 : memref<8192xf32, #tpu.memory_space<hbm>>) target_semaphore(%arg27 : memref<!tpu.dma_semaphore, #tpu.memory_space<semaphore_mem>>)
    %add3A_39 = arith.constant 16384 : i32
    %add3A_40 = arith.addi %mul3A_2, %add3A_39 : i32
    %dma_start3A_41 = tpu.memref_slice %arg6[%add3A_40] : memref<1048576xi32, #tpu.memory_space<hbm>> -> memref<8192xi32, #tpu.memory_space<hbm>>
    %dma_start3A_42 = tpu.memref_slice %arg6[%add3A_40] : memref<1048576xi32, #tpu.memory_space<hbm>> -> memref<8192xi32, #tpu.memory_space<hbm>>
    tpu.enqueue_dma source(%dma_start3A_42 : memref<8192xi32, #tpu.memory_space<hbm>>) target(%arg11 : memref<8192xi32, #tpu.memory_space<vmem>>) target_semaphore(%arg25 : memref<!tpu.dma_semaphore, #tpu.memory_space<semaphore_mem>>)
    %dma_start3A_43 = tpu.memref_slice %arg3[%add3A_40] : memref<1048576xf32, #tpu.memory_space<hbm>> -> memref<8192xf32, #tpu.memory_space<hbm>>
    %dma_start3A_44 = tpu.memref_slice %arg3[%add3A_40] : memref<1048576xf32, #tpu.memory_space<hbm>> -> memref<8192xf32, #tpu.memory_space<hbm>>
    tpu.enqueue_dma source(%dma_start3A_44 : memref<8192xf32, #tpu.memory_space<hbm>>) target(%arg13 : memref<8192xf32, #tpu.memory_space<vmem>>) target_semaphore(%arg25 : memref<!tpu.dma_semaphore, #tpu.memory_space<semaphore_mem>>)
    %dma_start3A_45 = tpu.memref_slice %arg4[%add3A_40] : memref<1048576xf32, #tpu.memory_space<hbm>> -> memref<8192xf32, #tpu.memory_space<hbm>>
    %dma_start3A_46 = tpu.memref_slice %arg4[%add3A_40] : memref<1048576xf32, #tpu.memory_space<hbm>> -> memref<8192xf32, #tpu.memory_space<hbm>>
    tpu.enqueue_dma source(%dma_start3A_46 : memref<8192xf32, #tpu.memory_space<hbm>>) target(%arg15 : memref<8192xf32, #tpu.memory_space<vmem>>) target_semaphore(%arg25 : memref<!tpu.dma_semaphore, #tpu.memory_space<semaphore_mem>>)
    %dma_start3A_47 = tpu.memref_slice %arg5[%add3A_40] : memref<1048576xf32, #tpu.memory_space<hbm>> -> memref<8192xf32, #tpu.memory_space<hbm>>
    %dma_start3A_48 = tpu.memref_slice %arg5[%add3A_40] : memref<1048576xf32, #tpu.memory_space<hbm>> -> memref<8192xf32, #tpu.memory_space<hbm>>
    tpu.enqueue_dma source(%dma_start3A_48 : memref<8192xf32, #tpu.memory_space<hbm>>) target(%arg17 : memref<8192xf32, #tpu.memory_space<vmem>>) target_semaphore(%arg25 : memref<!tpu.dma_semaphore, #tpu.memory_space<semaphore_mem>>)
    %dma_wait3A_49 = tpu.memref_slice %arg6[%add3A_13] : memref<1048576xi32, #tpu.memory_space<hbm>> -> memref<8192xi32, #tpu.memory_space<hbm>>
    %dma_wait3A_50 = tpu.memref_slice %arg6[%add3A_13] : memref<1048576xi32, #tpu.memory_space<hbm>> -> memref<8192xi32, #tpu.memory_space<hbm>>
    tpu.wait_dma2 semaphore(%arg26 : memref<!tpu.dma_semaphore, #tpu.memory_space<semaphore_mem>>) src(%dma_wait3A_50 : memref<8192xi32, #tpu.memory_space<hbm>>) dst(%arg12 : memref<8192xi32, #tpu.memory_space<vmem>>)
    %dma_wait3A_51 = tpu.memref_slice %arg3[%add3A_13] : memref<1048576xf32, #tpu.memory_space<hbm>> -> memref<8192xf32, #tpu.memory_space<hbm>>
    %dma_wait3A_52 = tpu.memref_slice %arg3[%add3A_13] : memref<1048576xf32, #tpu.memory_space<hbm>> -> memref<8192xf32, #tpu.memory_space<hbm>>
    tpu.wait_dma2 semaphore(%arg26 : memref<!tpu.dma_semaphore, #tpu.memory_space<semaphore_mem>>) src(%dma_wait3A_52 : memref<8192xf32, #tpu.memory_space<hbm>>) dst(%arg14 : memref<8192xf32, #tpu.memory_space<vmem>>)
    %dma_wait3A_53 = tpu.memref_slice %arg4[%add3A_13] : memref<1048576xf32, #tpu.memory_space<hbm>> -> memref<8192xf32, #tpu.memory_space<hbm>>
    %dma_wait3A_54 = tpu.memref_slice %arg4[%add3A_13] : memref<1048576xf32, #tpu.memory_space<hbm>> -> memref<8192xf32, #tpu.memory_space<hbm>>
    tpu.wait_dma2 semaphore(%arg26 : memref<!tpu.dma_semaphore, #tpu.memory_space<semaphore_mem>>) src(%dma_wait3A_54 : memref<8192xf32, #tpu.memory_space<hbm>>) dst(%arg16 : memref<8192xf32, #tpu.memory_space<vmem>>)
    %dma_wait3A_55 = tpu.memref_slice %arg5[%add3A_13] : memref<1048576xf32, #tpu.memory_space<hbm>> -> memref<8192xf32, #tpu.memory_space<hbm>>
    %dma_wait3A_56 = tpu.memref_slice %arg5[%add3A_13] : memref<1048576xf32, #tpu.memory_space<hbm>> -> memref<8192xf32, #tpu.memory_space<hbm>>
    tpu.wait_dma2 semaphore(%arg26 : memref<!tpu.dma_semaphore, #tpu.memory_space<semaphore_mem>>) src(%dma_wait3A_56 : memref<8192xf32, #tpu.memory_space<hbm>>) dst(%arg18 : memref<8192xf32, #tpu.memory_space<vmem>>)
    %parallel_loop3A_57 = arith.constant 0 : i32
    %parallel_loop3A_58 = arith.constant 512 : i32
    %parallel_loop3A_59 = arith.constant 1 : i32
    scf.for %parallel_loop3A_140 = %parallel_loop3A_57 to %parallel_loop3A_58 step %parallel_loop3A_59  : i32 {
      %parallel_loop3A_141 = arith.constant 16 : i32
      %parallel_loop3A_142 = arith.muli %parallel_loop3A_140, %parallel_loop3A_141 : i32
      %parallel_loop3A_143 = arith.index_cast %parallel_loop3A_142 : i32 to index
      %parallel_loop3A_144 = tpu.vector_load %arg12[%parallel_loop3A_143] {strides = array<i32>} : memref<8192xi32, #tpu.memory_space<vmem>>, vector<16xi32>,
      %parallel_loop3A_145 = arith.constant 12 : i32
      %parallel_loop3A_146 = vector.broadcast %parallel_loop3A_145 : i32 to vector<16xi32>
      %parallel_loop3A_147 = arith.muli %parallel_loop3A_144, %parallel_loop3A_146 : vector<16xi32>
      %parallel_loop3A_148 = arith.constant 0 : i32
      %parallel_loop3A_149 = vector.broadcast %parallel_loop3A_148 : i32 to vector<16xi32>
      %parallel_loop3A_150 = arith.addi %parallel_loop3A_147, %parallel_loop3A_149 : vector<16xi32>
      %parallel_loop3A_151 = tpu.vector_load_idx %arg10[%parallel_loop3A_150] : memref<12000xf32, #tpu.memory_space<vmem>>[vector<16xi32>], vector<16xf32>,
      %parallel_loop3A_152 = arith.constant 1 : i32
      %parallel_loop3A_153 = vector.broadcast %parallel_loop3A_152 : i32 to vector<16xi32>
      %parallel_loop3A_154 = arith.addi %parallel_loop3A_147, %parallel_loop3A_153 : vector<16xi32>
      %parallel_loop3A_155 = tpu.vector_load_idx %arg10[%parallel_loop3A_154] : memref<12000xf32, #tpu.memory_space<vmem>>[vector<16xi32>], vector<16xf32>,
      %parallel_loop3A_156 = arith.constant 2 : i32
      %parallel_loop3A_157 = vector.broadcast %parallel_loop3A_156 : i32 to vector<16xi32>
      %parallel_loop3A_158 = arith.addi %parallel_loop3A_147, %parallel_loop3A_157 : vector<16xi32>
      %parallel_loop3A_159 = tpu.vector_load_idx %arg10[%parallel_loop3A_158] : memref<12000xf32, #tpu.memory_space<vmem>>[vector<16xi32>], vector<16xf32>,
      %parallel_loop3A_160 = arith.constant 3 : i32
      %parallel_loop3A_161 = vector.broadcast %parallel_loop3A_160 : i32 to vector<16xi32>
      %parallel_loop3A_162 = arith.addi %parallel_loop3A_147, %parallel_loop3A_161 : vector<16xi32>
      %parallel_loop3A_163 = tpu.vector_load_idx %arg10[%parallel_loop3A_162] : memref<12000xf32, #tpu.memory_space<vmem>>[vector<16xi32>], vector<16xf32>,
      %parallel_loop3A_164 = arith.constant 4 : i32
      %parallel_loop3A_165 = vector.broadcast %parallel_loop3A_164 : i32 to vector<16xi32>
      %parallel_loop3A_166 = arith.addi %parallel_loop3A_147, %parallel_loop3A_165 : vector<16xi32>
      %parallel_loop3A_167 = tpu.vector_load_idx %arg10[%parallel_loop3A_166] : memref<12000xf32, #tpu.memory_space<vmem>>[vector<16xi32>], vector<16xf32>,
      %parallel_loop3A_168 = arith.constant 5 : i32
      %parallel_loop3A_169 = vector.broadcast %parallel_loop3A_168 : i32 to vector<16xi32>
      %parallel_loop3A_170 = arith.addi %parallel_loop3A_147, %parallel_loop3A_169 : vector<16xi32>
      %parallel_loop3A_171 = tpu.vector_load_idx %arg10[%parallel_loop3A_170] : memref<12000xf32, #tpu.memory_space<vmem>>[vector<16xi32>], vector<16xf32>,
      %parallel_loop3A_172 = arith.constant 6 : i32
      %parallel_loop3A_173 = vector.broadcast %parallel_loop3A_172 : i32 to vector<16xi32>
      %parallel_loop3A_174 = arith.addi %parallel_loop3A_147, %parallel_loop3A_173 : vector<16xi32>
      %parallel_loop3A_175 = tpu.vector_load_idx %arg10[%parallel_loop3A_174] : memref<12000xf32, #tpu.memory_space<vmem>>[vector<16xi32>], vector<16xf32>,
      %parallel_loop3A_176 = arith.constant 7 : i32
      %parallel_loop3A_177 = vector.broadcast %parallel_loop3A_176 : i32 to vector<16xi32>
      %parallel_loop3A_178 = arith.addi %parallel_loop3A_147, %parallel_loop3A_177 : vector<16xi32>
      %parallel_loop3A_179 = tpu.vector_load_idx %arg10[%parallel_loop3A_178] : memref<12000xf32, #tpu.memory_space<vmem>>[vector<16xi32>], vector<16xf32>,
      %parallel_loop3A_180 = arith.constant 8 : i32
      %parallel_loop3A_181 = vector.broadcast %parallel_loop3A_180 : i32 to vector<16xi32>
      %parallel_loop3A_182 = arith.addi %parallel_loop3A_147, %parallel_loop3A_181 : vector<16xi32>
      %parallel_loop3A_183 = tpu.vector_load_idx %arg10[%parallel_loop3A_182] : memref<12000xf32, #tpu.memory_space<vmem>>[vector<16xi32>], vector<16xf32>,
      %parallel_loop3A_184 = arith.constant 9 : i32
      %parallel_loop3A_185 = vector.broadcast %parallel_loop3A_184 : i32 to vector<16xi32>
      %parallel_loop3A_186 = arith.addi %parallel_loop3A_147, %parallel_loop3A_185 : vector<16xi32>
      %parallel_loop3A_187 = tpu.vector_load_idx %arg10[%parallel_loop3A_186] : memref<12000xf32, #tpu.memory_space<vmem>>[vector<16xi32>], vector<16xf32>,
      %parallel_loop3A_188 = arith.constant 10 : i32
      %parallel_loop3A_189 = vector.broadcast %parallel_loop3A_188 : i32 to vector<16xi32>
      %parallel_loop3A_190 = arith.addi %parallel_loop3A_147, %parallel_loop3A_189 : vector<16xi32>
      %parallel_loop3A_191 = tpu.vector_load_idx %arg10[%parallel_loop3A_190] : memref<12000xf32, #tpu.memory_space<vmem>>[vector<16xi32>], vector<16xf32>,
      %parallel_loop3A_192 = arith.constant 11 : i32
      %parallel_loop3A_193 = vector.broadcast %parallel_loop3A_192 : i32 to vector<16xi32>
      %parallel_loop3A_194 = arith.addi %parallel_loop3A_147, %parallel_loop3A_193 : vector<16xi32>
      %parallel_loop3A_195 = tpu.vector_load_idx %arg10[%parallel_loop3A_194] : memref<12000xf32, #tpu.memory_space<vmem>>[vector<16xi32>], vector<16xf32>,
      %parallel_loop3A_196 = arith.index_cast %parallel_loop3A_142 : i32 to index
      %parallel_loop3A_197 = tpu.vector_load %arg14[%parallel_loop3A_196] {strides = array<i32>} : memref<8192xf32, #tpu.memory_space<vmem>>, vector<16xf32>,
      %parallel_loop3A_198 = arith.index_cast %parallel_loop3A_142 : i32 to index
      %parallel_loop3A_199 = tpu.vector_load %arg16[%parallel_loop3A_198] {strides = array<i32>} : memref<8192xf32, #tpu.memory_space<vmem>>, vector<16xf32>,
      %parallel_loop3A_200 = arith.index_cast %parallel_loop3A_142 : i32 to index
      %parallel_loop3A_201 = tpu.vector_load %arg18[%parallel_loop3A_200] {strides = array<i32>} : memref<8192xf32, #tpu.memory_space<vmem>>, vector<16xf32>,
      %parallel_loop3A_202 = arith.mulf %parallel_loop3A_151, %parallel_loop3A_197 : vector<16xf32>
      %parallel_loop3A_203 = arith.mulf %parallel_loop3A_155, %parallel_loop3A_199 : vector<16xf32>
      %parallel_loop3A_204 = arith.addf %parallel_loop3A_202, %parallel_loop3A_203 : vector<16xf32>
      %parallel_loop3A_205 = arith.mulf %parallel_loop3A_159, %parallel_loop3A_201 : vector<16xf32>
      %parallel_loop3A_206 = arith.addf %parallel_loop3A_204, %parallel_loop3A_205 : vector<16xf32>
      %parallel_loop3A_207 = arith.addf %parallel_loop3A_206, %parallel_loop3A_187 : vector<16xf32>
      %parallel_loop3A_208 = arith.constant 2.000000e+00 : f32
      %parallel_loop3A_209 = vector.broadcast %parallel_loop3A_208 : f32 to vector<16xf32>
      %parallel_loop3A_210 = arith.remf %parallel_loop3A_207, %parallel_loop3A_209 : vector<16xf32>
      %parallel_loop3A_211 = math.absf %parallel_loop3A_210 : vector<16xf32>
      %parallel_loop3A_212 = arith.constant 1.000000e+00 : f32
      %parallel_loop3A_213 = vector.broadcast %parallel_loop3A_212 : f32 to vector<16xf32>
      %parallel_loop3A_214 = arith.cmpf ole, %parallel_loop3A_211, %parallel_loop3A_213 : vector<16xf32>
      %parallel_loop3A_215 = arith.constant 2.000000e+00 : f32
      %parallel_loop3A_216 = vector.broadcast %parallel_loop3A_215 : f32 to vector<16xf32>
      %parallel_loop3A_217 = arith.subf %parallel_loop3A_216, %parallel_loop3A_211 : vector<16xf32>
      %parallel_loop3A_218 = arith.select %parallel_loop3A_214, %parallel_loop3A_211, %parallel_loop3A_217 : vector<16xi1>, vector<16xf32>
      %parallel_loop3A_219 = arith.index_cast %parallel_loop3A_142 : i32 to index
      %parallel_loop3A_220 = tpu.vector_load %arg20[%parallel_loop3A_219] {strides = array<i32>} : memref<8192xf32, #tpu.memory_space<vmem>>, vector<16xf32>,
      tpu.vector_store %arg20[%parallel_loop3A_219], %parallel_loop3A_218 {strides = array<i32>} : memref<8192xf32, #tpu.memory_space<vmem>>, vector<16xf32>,
      %parallel_loop3A_221 = arith.mulf %parallel_loop3A_163, %parallel_loop3A_197 : vector<16xf32>
      %parallel_loop3A_222 = arith.mulf %parallel_loop3A_167, %parallel_loop3A_199 : vector<16xf32>
      %parallel_loop3A_223 = arith.addf %parallel_loop3A_221, %parallel_loop3A_222 : vector<16xf32>
      %parallel_loop3A_224 = arith.mulf %parallel_loop3A_171, %parallel_loop3A_201 : vector<16xf32>
      %parallel_loop3A_225 = arith.addf %parallel_loop3A_223, %parallel_loop3A_224 : vector<16xf32>
      %parallel_loop3A_226 = arith.addf %parallel_loop3A_225, %parallel_loop3A_191 : vector<16xf32>
      %parallel_loop3A_227 = arith.constant 2.000000e+00 : f32
      %parallel_loop3A_228 = vector.broadcast %parallel_loop3A_227 : f32 to vector<16xf32>
      %parallel_loop3A_229 = arith.remf %parallel_loop3A_226, %parallel_loop3A_228 : vector<16xf32>
      %parallel_loop3A_230 = math.absf %parallel_loop3A_229 : vector<16xf32>
      %parallel_loop3A_231 = arith.constant 1.000000e+00 : f32
      %parallel_loop3A_232 = vector.broadcast %parallel_loop3A_231 : f32 to vector<16xf32>
      %parallel_loop3A_233 = arith.cmpf ole, %parallel_loop3A_230, %parallel_loop3A_232 : vector<16xf32>
      %parallel_loop3A_234 = arith.constant 2.000000e+00 : f32
      %parallel_loop3A_235 = vector.broadcast %parallel_loop3A_234 : f32 to vector<16xf32>
      %parallel_loop3A_236 = arith.subf %parallel_loop3A_235, %parallel_loop3A_230 : vector<16xf32>
      %parallel_loop3A_237 = arith.select %parallel_loop3A_233, %parallel_loop3A_230, %parallel_loop3A_236 : vector<16xi1>, vector<16xf32>
      %parallel_loop3A_238 = arith.index_cast %parallel_loop3A_142 : i32 to index
      %parallel_loop3A_239 = tpu.vector_load %arg22[%parallel_loop3A_238] {strides = array<i32>} : memref<8192xf32, #tpu.memory_space<vmem>>, vector<16xf32>,
      tpu.vector_store %arg22[%parallel_loop3A_238], %parallel_loop3A_237 {strides = array<i32>} : memref<8192xf32, #tpu.memory_space<vmem>>, vector<16xf32>,
      %parallel_loop3A_240 = arith.mulf %parallel_loop3A_175, %parallel_loop3A_197 : vector<16xf32>
      %parallel_loop3A_241 = arith.mulf %parallel_loop3A_179, %parallel_loop3A_199 : vector<16xf32>
      %parallel_loop3A_242 = arith.addf %parallel_loop3A_240, %parallel_loop3A_241 : vector<16xf32>
      %parallel_loop3A_243 = arith.mulf %parallel_loop3A_183, %parallel_loop3A_201 : vector<16xf32>
      %parallel_loop3A_244 = arith.addf %parallel_loop3A_242, %parallel_loop3A_243 : vector<16xf32>
      %parallel_loop3A_245 = arith.addf %parallel_loop3A_244, %parallel_loop3A_195 : vector<16xf32>
      %parallel_loop3A_246 = arith.constant 2.000000e+00 : f32
      %parallel_loop3A_247 = vector.broadcast %parallel_loop3A_246 : f32 to vector<16xf32>
      %parallel_loop3A_248 = arith.remf %parallel_loop3A_245, %parallel_loop3A_247 : vector<16xf32>
      %parallel_loop3A_249 = math.absf %parallel_loop3A_248 : vector<16xf32>
      %parallel_loop3A_250 = arith.constant 1.000000e+00 : f32
      %parallel_loop3A_251 = vector.broadcast %parallel_loop3A_250 : f32 to vector<16xf32>
      %parallel_loop3A_252 = arith.cmpf ole, %parallel_loop3A_249, %parallel_loop3A_251 : vector<16xf32>
      %parallel_loop3A_253 = arith.constant 2.000000e+00 : f32
      %parallel_loop3A_254 = vector.broadcast %parallel_loop3A_253 : f32 to vector<16xf32>
      %parallel_loop3A_255 = arith.subf %parallel_loop3A_254, %parallel_loop3A_249 : vector<16xf32>
      %parallel_loop3A_256 = arith.select %parallel_loop3A_252, %parallel_loop3A_249, %parallel_loop3A_255 : vector<16xi1>, vector<16xf32>
      %parallel_loop3A_257 = arith.index_cast %parallel_loop3A_142 : i32 to index
      %parallel_loop3A_258 = tpu.vector_load %arg24[%parallel_loop3A_257] {strides = array<i32>} : memref<8192xf32, #tpu.memory_space<vmem>>, vector<16xf32>,
      tpu.vector_store %arg24[%parallel_loop3A_257], %parallel_loop3A_256 {strides = array<i32>} : memref<8192xf32, #tpu.memory_space<vmem>>, vector<16xf32>,
    } {sc.loop_unroll_factor = 4 : i64, sc.parallel_access}
    %add3A_60 = arith.constant 8192 : i32
    %add3A_61 = arith.addi %mul3A_2, %add3A_60 : i32
    %dma_start3A_62 = tpu.memref_slice %arg7[%add3A_61] : memref<1048576xf32, #tpu.memory_space<hbm>> -> memref<8192xf32, #tpu.memory_space<hbm>>
    %dma_start3A_63 = tpu.memref_slice %arg7[%add3A_61] : memref<1048576xf32, #tpu.memory_space<hbm>> -> memref<8192xf32, #tpu.memory_space<hbm>>
    tpu.enqueue_dma source(%arg20 : memref<8192xf32, #tpu.memory_space<vmem>>) target(%dma_start3A_63 : memref<8192xf32, #tpu.memory_space<hbm>>) target_semaphore(%arg28 : memref<!tpu.dma_semaphore, #tpu.memory_space<semaphore_mem>>)
    %dma_start3A_64 = tpu.memref_slice %arg8[%add3A_61] : memref<1048576xf32, #tpu.memory_space<hbm>> -> memref<8192xf32, #tpu.memory_space<hbm>>
    %dma_start3A_65 = tpu.memref_slice %arg8[%add3A_61] : memref<1048576xf32, #tpu.memory_space<hbm>> -> memref<8192xf32, #tpu.memory_space<hbm>>
    tpu.enqueue_dma source(%arg22 : memref<8192xf32, #tpu.memory_space<vmem>>) target(%dma_start3A_65 : memref<8192xf32, #tpu.memory_space<hbm>>) target_semaphore(%arg28 : memref<!tpu.dma_semaphore, #tpu.memory_space<semaphore_mem>>)
    %dma_start3A_66 = tpu.memref_slice %arg9[%add3A_61] : memref<1048576xf32, #tpu.memory_space<hbm>> -> memref<8192xf32, #tpu.memory_space<hbm>>
    %dma_start3A_67 = tpu.memref_slice %arg9[%add3A_61] : memref<1048576xf32, #tpu.memory_space<hbm>> -> memref<8192xf32, #tpu.memory_space<hbm>>
    tpu.enqueue_dma source(%arg24 : memref<8192xf32, #tpu.memory_space<vmem>>) target(%dma_start3A_67 : memref<8192xf32, #tpu.memory_space<hbm>>) target_semaphore(%arg28 : memref<!tpu.dma_semaphore, #tpu.memory_space<semaphore_mem>>)
    %add3A_68 = arith.constant 24576 : i32
    %add3A_69 = arith.addi %mul3A_2, %add3A_68 : i32
    %dma_start3A_70 = tpu.memref_slice %arg6[%add3A_69] : memref<1048576xi32, #tpu.memory_space<hbm>> -> memref<8192xi32, #tpu.memory_space<hbm>>
    %dma_start3A_71 = tpu.memref_slice %arg6[%add3A_69] : memref<1048576xi32, #tpu.memory_space<hbm>> -> memref<8192xi32, #tpu.memory_space<hbm>>
    tpu.enqueue_dma source(%dma_start3A_71 : memref<8192xi32, #tpu.memory_space<hbm>>) target(%arg12 : memref<8192xi32, #tpu.memory_space<vmem>>) target_semaphore(%arg26 : memref<!tpu.dma_semaphore, #tpu.memory_space<semaphore_mem>>)
    %dma_start3A_72 = tpu.memref_slice %arg3[%add3A_69] : memref<1048576xf32, #tpu.memory_space<hbm>> -> memref<8192xf32, #tpu.memory_space<hbm>>
    %dma_start3A_73 = tpu.memref_slice %arg3[%add3A_69] : memref<1048576xf32, #tpu.memory_space<hbm>> -> memref<8192xf32, #tpu.memory_space<hbm>>
    tpu.enqueue_dma source(%dma_start3A_73 : memref<8192xf32, #tpu.memory_space<hbm>>) target(%arg14 : memref<8192xf32, #tpu.memory_space<vmem>>) target_semaphore(%arg26 : memref<!tpu.dma_semaphore, #tpu.memory_space<semaphore_mem>>)
    %dma_start3A_74 = tpu.memref_slice %arg4[%add3A_69] : memref<1048576xf32, #tpu.memory_space<hbm>> -> memref<8192xf32, #tpu.memory_space<hbm>>
    %dma_start3A_75 = tpu.memref_slice %arg4[%add3A_69] : memref<1048576xf32, #tpu.memory_space<hbm>> -> memref<8192xf32, #tpu.memory_space<hbm>>
    tpu.enqueue_dma source(%dma_start3A_75 : memref<8192xf32, #tpu.memory_space<hbm>>) target(%arg16 : memref<8192xf32, #tpu.memory_space<vmem>>) target_semaphore(%arg26 : memref<!tpu.dma_semaphore, #tpu.memory_space<semaphore_mem>>)
    %dma_start3A_76 = tpu.memref_slice %arg5[%add3A_69] : memref<1048576xf32, #tpu.memory_space<hbm>> -> memref<8192xf32, #tpu.memory_space<hbm>>
    %dma_start3A_77 = tpu.memref_slice %arg5[%add3A_69] : memref<1048576xf32, #tpu.memory_space<hbm>> -> memref<8192xf32, #tpu.memory_space<hbm>>
    tpu.enqueue_dma source(%dma_start3A_77 : memref<8192xf32, #tpu.memory_space<hbm>>) target(%arg18 : memref<8192xf32, #tpu.memory_space<vmem>>) target_semaphore(%arg26 : memref<!tpu.dma_semaphore, #tpu.memory_space<semaphore_mem>>)
    %dma_wait3A_78 = tpu.memref_slice %arg6[%add3A_40] : memref<1048576xi32, #tpu.memory_space<hbm>> -> memref<8192xi32, #tpu.memory_space<hbm>>
    %dma_wait3A_79 = tpu.memref_slice %arg6[%add3A_40] : memref<1048576xi32, #tpu.memory_space<hbm>> -> memref<8192xi32, #tpu.memory_space<hbm>>
    tpu.wait_dma2 semaphore(%arg25 : memref<!tpu.dma_semaphore, #tpu.memory_space<semaphore_mem>>) src(%dma_wait3A_79 : memref<8192xi32, #tpu.memory_space<hbm>>) dst(%arg11 : memref<8192xi32, #tpu.memory_space<vmem>>)
    %dma_wait3A_80 = tpu.memref_slice %arg3[%add3A_40] : memref<1048576xf32, #tpu.memory_space<hbm>> -> memref<8192xf32, #tpu.memory_space<hbm>>
    %dma_wait3A_81 = tpu.memref_slice %arg3[%add3A_40] : memref<1048576xf32, #tpu.memory_space<hbm>> -> memref<8192xf32, #tpu.memory_space<hbm>>
    tpu.wait_dma2 semaphore(%arg25 : memref<!tpu.dma_semaphore, #tpu.memory_space<semaphore_mem>>) src(%dma_wait3A_81 : memref<8192xf32, #tpu.memory_space<hbm>>) dst(%arg13 : memref<8192xf32, #tpu.memory_space<vmem>>)
    %dma_wait3A_82 = tpu.memref_slice %arg4[%add3A_40] : memref<1048576xf32, #tpu.memory_space<hbm>> -> memref<8192xf32, #tpu.memory_space<hbm>>
    %dma_wait3A_83 = tpu.memref_slice %arg4[%add3A_40] : memref<1048576xf32, #tpu.memory_space<hbm>> -> memref<8192xf32, #tpu.memory_space<hbm>>
    tpu.wait_dma2 semaphore(%arg25 : memref<!tpu.dma_semaphore, #tpu.memory_space<semaphore_mem>>) src(%dma_wait3A_83 : memref<8192xf32, #tpu.memory_space<hbm>>) dst(%arg15 : memref<8192xf32, #tpu.memory_space<vmem>>)
    %dma_wait3A_84 = tpu.memref_slice %arg5[%add3A_40] : memref<1048576xf32, #tpu.memory_space<hbm>> -> memref<8192xf32, #tpu.memory_space<hbm>>
    %dma_wait3A_85 = tpu.memref_slice %arg5[%add3A_40] : memref<1048576xf32, #tpu.memory_space<hbm>> -> memref<8192xf32, #tpu.memory_space<hbm>>
    tpu.wait_dma2 semaphore(%arg25 : memref<!tpu.dma_semaphore, #tpu.memory_space<semaphore_mem>>) src(%dma_wait3A_85 : memref<8192xf32, #tpu.memory_space<hbm>>) dst(%arg17 : memref<8192xf32, #tpu.memory_space<vmem>>)
    %dma_wait3A_86 = tpu.memref_slice %arg7[%add3A_32] : memref<1048576xf32, #tpu.memory_space<hbm>> -> memref<8192xf32, #tpu.memory_space<hbm>>
    %dma_wait3A_87 = tpu.memref_slice %arg7[%add3A_32] : memref<1048576xf32, #tpu.memory_space<hbm>> -> memref<8192xf32, #tpu.memory_space<hbm>>
    tpu.wait_dma2 semaphore(%arg27 : memref<!tpu.dma_semaphore, #tpu.memory_space<semaphore_mem>>) src(%arg19 : memref<8192xf32, #tpu.memory_space<vmem>>) dst(%dma_wait3A_87 : memref<8192xf32, #tpu.memory_space<hbm>>)
    %dma_wait3A_88 = tpu.memref_slice %arg8[%add3A_32] : memref<1048576xf32, #tpu.memory_space<hbm>> -> memref<8192xf32, #tpu.memory_space<hbm>>
    %dma_wait3A_89 = tpu.memref_slice %arg8[%add3A_32] : memref<1048576xf32, #tpu.memory_space<hbm>> -> memref<8192xf32, #tpu.memory_space<hbm>>
    tpu.wait_dma2 semaphore(%arg27 : memref<!tpu.dma_semaphore, #tpu.memory_space<semaphore_mem>>) src(%arg21 : memref<8192xf32, #tpu.memory_space<vmem>>) dst(%dma_wait3A_89 : memref<8192xf32, #tpu.memory_space<hbm>>)
    %dma_wait3A_90 = tpu.memref_slice %arg9[%add3A_32] : memref<1048576xf32, #tpu.memory_space<hbm>> -> memref<8192xf32, #tpu.memory_space<hbm>>
    %dma_wait3A_91 = tpu.memref_slice %arg9[%add3A_32] : memref<1048576xf32, #tpu.memory_space<hbm>> -> memref<8192xf32, #tpu.memory_space<hbm>>
    tpu.wait_dma2 semaphore(%arg27 : memref<!tpu.dma_semaphore, #tpu.memory_space<semaphore_mem>>) src(%arg23 : memref<8192xf32, #tpu.memory_space<vmem>>) dst(%dma_wait3A_91 : memref<8192xf32, #tpu.memory_space<hbm>>)
    %parallel_loop3A_92 = arith.constant 0 : i32
    %parallel_loop3A_93 = arith.constant 512 : i32
    %parallel_loop3A_94 = arith.constant 1 : i32
    scf.for %parallel_loop3A_140 = %parallel_loop3A_92 to %parallel_loop3A_93 step %parallel_loop3A_94  : i32 {
      %parallel_loop3A_141 = arith.constant 16 : i32
      %parallel_loop3A_142 = arith.muli %parallel_loop3A_140, %parallel_loop3A_141 : i32
      %parallel_loop3A_143 = arith.index_cast %parallel_loop3A_142 : i32 to index
      %parallel_loop3A_144 = tpu.vector_load %arg11[%parallel_loop3A_143] {strides = array<i32>} : memref<8192xi32, #tpu.memory_space<vmem>>, vector<16xi32>,
      %parallel_loop3A_145 = arith.constant 12 : i32
      %parallel_loop3A_146 = vector.broadcast %parallel_loop3A_145 : i32 to vector<16xi32>
      %parallel_loop3A_147 = arith.muli %parallel_loop3A_144, %parallel_loop3A_146 : vector<16xi32>
      %parallel_loop3A_148 = arith.constant 0 : i32
      %parallel_loop3A_149 = vector.broadcast %parallel_loop3A_148 : i32 to vector<16xi32>
      %parallel_loop3A_150 = arith.addi %parallel_loop3A_147, %parallel_loop3A_149 : vector<16xi32>
      %parallel_loop3A_151 = tpu.vector_load_idx %arg10[%parallel_loop3A_150] : memref<12000xf32, #tpu.memory_space<vmem>>[vector<16xi32>], vector<16xf32>,
      %parallel_loop3A_152 = arith.constant 1 : i32
      %parallel_loop3A_153 = vector.broadcast %parallel_loop3A_152 : i32 to vector<16xi32>
      %parallel_loop3A_154 = arith.addi %parallel_loop3A_147, %parallel_loop3A_153 : vector<16xi32>
      %parallel_loop3A_155 = tpu.vector_load_idx %arg10[%parallel_loop3A_154] : memref<12000xf32, #tpu.memory_space<vmem>>[vector<16xi32>], vector<16xf32>,
      %parallel_loop3A_156 = arith.constant 2 : i32
      %parallel_loop3A_157 = vector.broadcast %parallel_loop3A_156 : i32 to vector<16xi32>
      %parallel_loop3A_158 = arith.addi %parallel_loop3A_147, %parallel_loop3A_157 : vector<16xi32>
      %parallel_loop3A_159 = tpu.vector_load_idx %arg10[%parallel_loop3A_158] : memref<12000xf32, #tpu.memory_space<vmem>>[vector<16xi32>], vector<16xf32>,
      %parallel_loop3A_160 = arith.constant 3 : i32
      %parallel_loop3A_161 = vector.broadcast %parallel_loop3A_160 : i32 to vector<16xi32>
      %parallel_loop3A_162 = arith.addi %parallel_loop3A_147, %parallel_loop3A_161 : vector<16xi32>
      %parallel_loop3A_163 = tpu.vector_load_idx %arg10[%parallel_loop3A_162] : memref<12000xf32, #tpu.memory_space<vmem>>[vector<16xi32>], vector<16xf32>,
      %parallel_loop3A_164 = arith.constant 4 : i32
      %parallel_loop3A_165 = vector.broadcast %parallel_loop3A_164 : i32 to vector<16xi32>
      %parallel_loop3A_166 = arith.addi %parallel_loop3A_147, %parallel_loop3A_165 : vector<16xi32>
      %parallel_loop3A_167 = tpu.vector_load_idx %arg10[%parallel_loop3A_166] : memref<12000xf32, #tpu.memory_space<vmem>>[vector<16xi32>], vector<16xf32>,
      %parallel_loop3A_168 = arith.constant 5 : i32
      %parallel_loop3A_169 = vector.broadcast %parallel_loop3A_168 : i32 to vector<16xi32>
      %parallel_loop3A_170 = arith.addi %parallel_loop3A_147, %parallel_loop3A_169 : vector<16xi32>
      %parallel_loop3A_171 = tpu.vector_load_idx %arg10[%parallel_loop3A_170] : memref<12000xf32, #tpu.memory_space<vmem>>[vector<16xi32>], vector<16xf32>,
      %parallel_loop3A_172 = arith.constant 6 : i32
      %parallel_loop3A_173 = vector.broadcast %parallel_loop3A_172 : i32 to vector<16xi32>
      %parallel_loop3A_174 = arith.addi %parallel_loop3A_147, %parallel_loop3A_173 : vector<16xi32>
      %parallel_loop3A_175 = tpu.vector_load_idx %arg10[%parallel_loop3A_174] : memref<12000xf32, #tpu.memory_space<vmem>>[vector<16xi32>], vector<16xf32>,
      %parallel_loop3A_176 = arith.constant 7 : i32
      %parallel_loop3A_177 = vector.broadcast %parallel_loop3A_176 : i32 to vector<16xi32>
      %parallel_loop3A_178 = arith.addi %parallel_loop3A_147, %parallel_loop3A_177 : vector<16xi32>
      %parallel_loop3A_179 = tpu.vector_load_idx %arg10[%parallel_loop3A_178] : memref<12000xf32, #tpu.memory_space<vmem>>[vector<16xi32>], vector<16xf32>,
      %parallel_loop3A_180 = arith.constant 8 : i32
      %parallel_loop3A_181 = vector.broadcast %parallel_loop3A_180 : i32 to vector<16xi32>
      %parallel_loop3A_182 = arith.addi %parallel_loop3A_147, %parallel_loop3A_181 : vector<16xi32>
      %parallel_loop3A_183 = tpu.vector_load_idx %arg10[%parallel_loop3A_182] : memref<12000xf32, #tpu.memory_space<vmem>>[vector<16xi32>], vector<16xf32>,
      %parallel_loop3A_184 = arith.constant 9 : i32
      %parallel_loop3A_185 = vector.broadcast %parallel_loop3A_184 : i32 to vector<16xi32>
      %parallel_loop3A_186 = arith.addi %parallel_loop3A_147, %parallel_loop3A_185 : vector<16xi32>
      %parallel_loop3A_187 = tpu.vector_load_idx %arg10[%parallel_loop3A_186] : memref<12000xf32, #tpu.memory_space<vmem>>[vector<16xi32>], vector<16xf32>,
      %parallel_loop3A_188 = arith.constant 10 : i32
      %parallel_loop3A_189 = vector.broadcast %parallel_loop3A_188 : i32 to vector<16xi32>
      %parallel_loop3A_190 = arith.addi %parallel_loop3A_147, %parallel_loop3A_189 : vector<16xi32>
      %parallel_loop3A_191 = tpu.vector_load_idx %arg10[%parallel_loop3A_190] : memref<12000xf32, #tpu.memory_space<vmem>>[vector<16xi32>], vector<16xf32>,
      %parallel_loop3A_192 = arith.constant 11 : i32
      %parallel_loop3A_193 = vector.broadcast %parallel_loop3A_192 : i32 to vector<16xi32>
      %parallel_loop3A_194 = arith.addi %parallel_loop3A_147, %parallel_loop3A_193 : vector<16xi32>
      %parallel_loop3A_195 = tpu.vector_load_idx %arg10[%parallel_loop3A_194] : memref<12000xf32, #tpu.memory_space<vmem>>[vector<16xi32>], vector<16xf32>,
      %parallel_loop3A_196 = arith.index_cast %parallel_loop3A_142 : i32 to index
      %parallel_loop3A_197 = tpu.vector_load %arg13[%parallel_loop3A_196] {strides = array<i32>} : memref<8192xf32, #tpu.memory_space<vmem>>, vector<16xf32>,
      %parallel_loop3A_198 = arith.index_cast %parallel_loop3A_142 : i32 to index
      %parallel_loop3A_199 = tpu.vector_load %arg15[%parallel_loop3A_198] {strides = array<i32>} : memref<8192xf32, #tpu.memory_space<vmem>>, vector<16xf32>,
      %parallel_loop3A_200 = arith.index_cast %parallel_loop3A_142 : i32 to index
      %parallel_loop3A_201 = tpu.vector_load %arg17[%parallel_loop3A_200] {strides = array<i32>} : memref<8192xf32, #tpu.memory_space<vmem>>, vector<16xf32>,
      %parallel_loop3A_202 = arith.mulf %parallel_loop3A_151, %parallel_loop3A_197 : vector<16xf32>
      %parallel_loop3A_203 = arith.mulf %parallel_loop3A_155, %parallel_loop3A_199 : vector<16xf32>
      %parallel_loop3A_204 = arith.addf %parallel_loop3A_202, %parallel_loop3A_203 : vector<16xf32>
      %parallel_loop3A_205 = arith.mulf %parallel_loop3A_159, %parallel_loop3A_201 : vector<16xf32>
      %parallel_loop3A_206 = arith.addf %parallel_loop3A_204, %parallel_loop3A_205 : vector<16xf32>
      %parallel_loop3A_207 = arith.addf %parallel_loop3A_206, %parallel_loop3A_187 : vector<16xf32>
      %parallel_loop3A_208 = arith.constant 2.000000e+00 : f32
      %parallel_loop3A_209 = vector.broadcast %parallel_loop3A_208 : f32 to vector<16xf32>
      %parallel_loop3A_210 = arith.remf %parallel_loop3A_207, %parallel_loop3A_209 : vector<16xf32>
      %parallel_loop3A_211 = math.absf %parallel_loop3A_210 : vector<16xf32>
      %parallel_loop3A_212 = arith.constant 1.000000e+00 : f32
      %parallel_loop3A_213 = vector.broadcast %parallel_loop3A_212 : f32 to vector<16xf32>
      %parallel_loop3A_214 = arith.cmpf ole, %parallel_loop3A_211, %parallel_loop3A_213 : vector<16xf32>
      %parallel_loop3A_215 = arith.constant 2.000000e+00 : f32
      %parallel_loop3A_216 = vector.broadcast %parallel_loop3A_215 : f32 to vector<16xf32>
      %parallel_loop3A_217 = arith.subf %parallel_loop3A_216, %parallel_loop3A_211 : vector<16xf32>
      %parallel_loop3A_218 = arith.select %parallel_loop3A_214, %parallel_loop3A_211, %parallel_loop3A_217 : vector<16xi1>, vector<16xf32>
      %parallel_loop3A_219 = arith.index_cast %parallel_loop3A_142 : i32 to index
      %parallel_loop3A_220 = tpu.vector_load %arg19[%parallel_loop3A_219] {strides = array<i32>} : memref<8192xf32, #tpu.memory_space<vmem>>, vector<16xf32>,
      tpu.vector_store %arg19[%parallel_loop3A_219], %parallel_loop3A_218 {strides = array<i32>} : memref<8192xf32, #tpu.memory_space<vmem>>, vector<16xf32>,
      %parallel_loop3A_221 = arith.mulf %parallel_loop3A_163, %parallel_loop3A_197 : vector<16xf32>
      %parallel_loop3A_222 = arith.mulf %parallel_loop3A_167, %parallel_loop3A_199 : vector<16xf32>
      %parallel_loop3A_223 = arith.addf %parallel_loop3A_221, %parallel_loop3A_222 : vector<16xf32>
      %parallel_loop3A_224 = arith.mulf %parallel_loop3A_171, %parallel_loop3A_201 : vector<16xf32>
      %parallel_loop3A_225 = arith.addf %parallel_loop3A_223, %parallel_loop3A_224 : vector<16xf32>
      %parallel_loop3A_226 = arith.addf %parallel_loop3A_225, %parallel_loop3A_191 : vector<16xf32>
      %parallel_loop3A_227 = arith.constant 2.000000e+00 : f32
      %parallel_loop3A_228 = vector.broadcast %parallel_loop3A_227 : f32 to vector<16xf32>
      %parallel_loop3A_229 = arith.remf %parallel_loop3A_226, %parallel_loop3A_228 : vector<16xf32>
      %parallel_loop3A_230 = math.absf %parallel_loop3A_229 : vector<16xf32>
      %parallel_loop3A_231 = arith.constant 1.000000e+00 : f32
      %parallel_loop3A_232 = vector.broadcast %parallel_loop3A_231 : f32 to vector<16xf32>
      %parallel_loop3A_233 = arith.cmpf ole, %parallel_loop3A_230, %parallel_loop3A_232 : vector<16xf32>
      %parallel_loop3A_234 = arith.constant 2.000000e+00 : f32
      %parallel_loop3A_235 = vector.broadcast %parallel_loop3A_234 : f32 to vector<16xf32>
      %parallel_loop3A_236 = arith.subf %parallel_loop3A_235, %parallel_loop3A_230 : vector<16xf32>
      %parallel_loop3A_237 = arith.select %parallel_loop3A_233, %parallel_loop3A_230, %parallel_loop3A_236 : vector<16xi1>, vector<16xf32>
      %parallel_loop3A_238 = arith.index_cast %parallel_loop3A_142 : i32 to index
      %parallel_loop3A_239 = tpu.vector_load %arg21[%parallel_loop3A_238] {strides = array<i32>} : memref<8192xf32, #tpu.memory_space<vmem>>, vector<16xf32>,
      tpu.vector_store %arg21[%parallel_loop3A_238], %parallel_loop3A_237 {strides = array<i32>} : memref<8192xf32, #tpu.memory_space<vmem>>, vector<16xf32>,
      %parallel_loop3A_240 = arith.mulf %parallel_loop3A_175, %parallel_loop3A_197 : vector<16xf32>
      %parallel_loop3A_241 = arith.mulf %parallel_loop3A_179, %parallel_loop3A_199 : vector<16xf32>
      %parallel_loop3A_242 = arith.addf %parallel_loop3A_240, %parallel_loop3A_241 : vector<16xf32>
      %parallel_loop3A_243 = arith.mulf %parallel_loop3A_183, %parallel_loop3A_201 : vector<16xf32>
      %parallel_loop3A_244 = arith.addf %parallel_loop3A_242, %parallel_loop3A_243 : vector<16xf32>
      %parallel_loop3A_245 = arith.addf %parallel_loop3A_244, %parallel_loop3A_195 : vector<16xf32>
      %parallel_loop3A_246 = arith.constant 2.000000e+00 : f32
      %parallel_loop3A_247 = vector.broadcast %parallel_loop3A_246 : f32 to vector<16xf32>
      %parallel_loop3A_248 = arith.remf %parallel_loop3A_245, %parallel_loop3A_247 : vector<16xf32>
      %parallel_loop3A_249 = math.absf %parallel_loop3A_248 : vector<16xf32>
      %parallel_loop3A_250 = arith.constant 1.000000e+00 : f32
      %parallel_loop3A_251 = vector.broadcast %parallel_loop3A_250 : f32 to vector<16xf32>
      %parallel_loop3A_252 = arith.cmpf ole, %parallel_loop3A_249, %parallel_loop3A_251 : vector<16xf32>
      %parallel_loop3A_253 = arith.constant 2.000000e+00 : f32
      %parallel_loop3A_254 = vector.broadcast %parallel_loop3A_253 : f32 to vector<16xf32>
      %parallel_loop3A_255 = arith.subf %parallel_loop3A_254, %parallel_loop3A_249 : vector<16xf32>
      %parallel_loop3A_256 = arith.select %parallel_loop3A_252, %parallel_loop3A_249, %parallel_loop3A_255 : vector<16xi1>, vector<16xf32>
      %parallel_loop3A_257 = arith.index_cast %parallel_loop3A_142 : i32 to index
      %parallel_loop3A_258 = tpu.vector_load %arg23[%parallel_loop3A_257] {strides = array<i32>} : memref<8192xf32, #tpu.memory_space<vmem>>, vector<16xf32>,
      tpu.vector_store %arg23[%parallel_loop3A_257], %parallel_loop3A_256 {strides = array<i32>} : memref<8192xf32, #tpu.memory_space<vmem>>, vector<16xf32>,
    } {sc.loop_unroll_factor = 4 : i64, sc.parallel_access}
    %add3A_95 = arith.constant 16384 : i32
    %add3A_96 = arith.addi %mul3A_2, %add3A_95 : i32
    %dma_start3A_97 = tpu.memref_slice %arg7[%add3A_96] : memref<1048576xf32, #tpu.memory_space<hbm>> -> memref<8192xf32, #tpu.memory_space<hbm>>
    %dma_start3A_98 = tpu.memref_slice %arg7[%add3A_96] : memref<1048576xf32, #tpu.memory_space<hbm>> -> memref<8192xf32, #tpu.memory_space<hbm>>
    tpu.enqueue_dma source(%arg19 : memref<8192xf32, #tpu.memory_space<vmem>>) target(%dma_start3A_98 : memref<8192xf32, #tpu.memory_space<hbm>>) target_semaphore(%arg27 : memref<!tpu.dma_semaphore, #tpu.memory_space<semaphore_mem>>)
    %dma_start3A_99 = tpu.memref_slice %arg8[%add3A_96] : memref<1048576xf32, #tpu.memory_space<hbm>> -> memref<8192xf32, #tpu.memory_space<hbm>>
    %dma_start3A_100 = tpu.memref_slice %arg8[%add3A_96] : memref<1048576xf32, #tpu.memory_space<hbm>> -> memref<8192xf32, #tpu.memory_space<hbm>>
    tpu.enqueue_dma source(%arg21 : memref<8192xf32, #tpu.memory_space<vmem>>) target(%dma_start3A_100 : memref<8192xf32, #tpu.memory_space<hbm>>) target_semaphore(%arg27 : memref<!tpu.dma_semaphore, #tpu.memory_space<semaphore_mem>>)
    %dma_start3A_101 = tpu.memref_slice %arg9[%add3A_96] : memref<1048576xf32, #tpu.memory_space<hbm>> -> memref<8192xf32, #tpu.memory_space<hbm>>
    %dma_start3A_102 = tpu.memref_slice %arg9[%add3A_96] : memref<1048576xf32, #tpu.memory_space<hbm>> -> memref<8192xf32, #tpu.memory_space<hbm>>
    tpu.enqueue_dma source(%arg23 : memref<8192xf32, #tpu.memory_space<vmem>>) target(%dma_start3A_102 : memref<8192xf32, #tpu.memory_space<hbm>>) target_semaphore(%arg27 : memref<!tpu.dma_semaphore, #tpu.memory_space<semaphore_mem>>)
    %dma_wait3A_103 = tpu.memref_slice %arg6[%add3A_69] : memref<1048576xi32, #tpu.memory_space<hbm>> -> memref<8192xi32, #tpu.memory_space<hbm>>
    %dma_wait3A_104 = tpu.memref_slice %arg6[%add3A_69] : memref<1048576xi32, #tpu.memory_space<hbm>> -> memref<8192xi32, #tpu.memory_space<hbm>>
    tpu.wait_dma2 semaphore(%arg26 : memref<!tpu.dma_semaphore, #tpu.memory_space<semaphore_mem>>) src(%dma_wait3A_104 : memref<8192xi32, #tpu.memory_space<hbm>>) dst(%arg12 : memref<8192xi32, #tpu.memory_space<vmem>>)
    %dma_wait3A_105 = tpu.memref_slice %arg3[%add3A_69] : memref<1048576xf32, #tpu.memory_space<hbm>> -> memref<8192xf32, #tpu.memory_space<hbm>>
    %dma_wait3A_106 = tpu.memref_slice %arg3[%add3A_69] : memref<1048576xf32, #tpu.memory_space<hbm>> -> memref<8192xf32, #tpu.memory_space<hbm>>
    tpu.wait_dma2 semaphore(%arg26 : memref<!tpu.dma_semaphore, #tpu.memory_space<semaphore_mem>>) src(%dma_wait3A_106 : memref<8192xf32, #tpu.memory_space<hbm>>) dst(%arg14 : memref<8192xf32, #tpu.memory_space<vmem>>)
    %dma_wait3A_107 = tpu.memref_slice %arg4[%add3A_69] : memref<1048576xf32, #tpu.memory_space<hbm>> -> memref<8192xf32, #tpu.memory_space<hbm>>
    %dma_wait3A_108 = tpu.memref_slice %arg4[%add3A_69] : memref<1048576xf32, #tpu.memory_space<hbm>> -> memref<8192xf32, #tpu.memory_space<hbm>>
    tpu.wait_dma2 semaphore(%arg26 : memref<!tpu.dma_semaphore, #tpu.memory_space<semaphore_mem>>) src(%dma_wait3A_108 : memref<8192xf32, #tpu.memory_space<hbm>>) dst(%arg16 : memref<8192xf32, #tpu.memory_space<vmem>>)
    %dma_wait3A_109 = tpu.memref_slice %arg5[%add3A_69] : memref<1048576xf32, #tpu.memory_space<hbm>> -> memref<8192xf32, #tpu.memory_space<hbm>>
    %dma_wait3A_110 = tpu.memref_slice %arg5[%add3A_69] : memref<1048576xf32, #tpu.memory_space<hbm>> -> memref<8192xf32, #tpu.memory_space<hbm>>
    tpu.wait_dma2 semaphore(%arg26 : memref<!tpu.dma_semaphore, #tpu.memory_space<semaphore_mem>>) src(%dma_wait3A_110 : memref<8192xf32, #tpu.memory_space<hbm>>) dst(%arg18 : memref<8192xf32, #tpu.memory_space<vmem>>)
    %dma_wait3A_111 = tpu.memref_slice %arg7[%add3A_61] : memref<1048576xf32, #tpu.memory_space<hbm>> -> memref<8192xf32, #tpu.memory_space<hbm>>
    %dma_wait3A_112 = tpu.memref_slice %arg7[%add3A_61] : memref<1048576xf32, #tpu.memory_space<hbm>> -> memref<8192xf32, #tpu.memory_space<hbm>>
    tpu.wait_dma2 semaphore(%arg28 : memref<!tpu.dma_semaphore, #tpu.memory_space<semaphore_mem>>) src(%arg20 : memref<8192xf32, #tpu.memory_space<vmem>>) dst(%dma_wait3A_112 : memref<8192xf32, #tpu.memory_space<hbm>>)
    %dma_wait3A_113 = tpu.memref_slice %arg8[%add3A_61] : memref<1048576xf32, #tpu.memory_space<hbm>> -> memref<8192xf32, #tpu.memory_space<hbm>>
    %dma_wait3A_114 = tpu.memref_slice %arg8[%add3A_61] : memref<1048576xf32, #tpu.memory_space<hbm>> -> memref<8192xf32, #tpu.memory_space<hbm>>
    tpu.wait_dma2 semaphore(%arg28 : memref<!tpu.dma_semaphore, #tpu.memory_space<semaphore_mem>>) src(%arg22 : memref<8192xf32, #tpu.memory_space<vmem>>) dst(%dma_wait3A_114 : memref<8192xf32, #tpu.memory_space<hbm>>)
    %dma_wait3A_115 = tpu.memref_slice %arg9[%add3A_61] : memref<1048576xf32, #tpu.memory_space<hbm>> -> memref<8192xf32, #tpu.memory_space<hbm>>
    %dma_wait3A_116 = tpu.memref_slice %arg9[%add3A_61] : memref<1048576xf32, #tpu.memory_space<hbm>> -> memref<8192xf32, #tpu.memory_space<hbm>>
    tpu.wait_dma2 semaphore(%arg28 : memref<!tpu.dma_semaphore, #tpu.memory_space<semaphore_mem>>) src(%arg24 : memref<8192xf32, #tpu.memory_space<vmem>>) dst(%dma_wait3A_116 : memref<8192xf32, #tpu.memory_space<hbm>>)
    %parallel_loop3A_117 = arith.constant 0 : i32
    %parallel_loop3A_118 = arith.constant 512 : i32
    %parallel_loop3A_119 = arith.constant 1 : i32
    scf.for %parallel_loop3A_140 = %parallel_loop3A_117 to %parallel_loop3A_118 step %parallel_loop3A_119  : i32 {
      %parallel_loop3A_141 = arith.constant 16 : i32
      %parallel_loop3A_142 = arith.muli %parallel_loop3A_140, %parallel_loop3A_141 : i32
      %parallel_loop3A_143 = arith.index_cast %parallel_loop3A_142 : i32 to index
      %parallel_loop3A_144 = tpu.vector_load %arg12[%parallel_loop3A_143] {strides = array<i32>} : memref<8192xi32, #tpu.memory_space<vmem>>, vector<16xi32>,
      %parallel_loop3A_145 = arith.constant 12 : i32
      %parallel_loop3A_146 = vector.broadcast %parallel_loop3A_145 : i32 to vector<16xi32>
      %parallel_loop3A_147 = arith.muli %parallel_loop3A_144, %parallel_loop3A_146 : vector<16xi32>
      %parallel_loop3A_148 = arith.constant 0 : i32
      %parallel_loop3A_149 = vector.broadcast %parallel_loop3A_148 : i32 to vector<16xi32>
      %parallel_loop3A_150 = arith.addi %parallel_loop3A_147, %parallel_loop3A_149 : vector<16xi32>
      %parallel_loop3A_151 = tpu.vector_load_idx %arg10[%parallel_loop3A_150] : memref<12000xf32, #tpu.memory_space<vmem>>[vector<16xi32>], vector<16xf32>,
      %parallel_loop3A_152 = arith.constant 1 : i32
      %parallel_loop3A_153 = vector.broadcast %parallel_loop3A_152 : i32 to vector<16xi32>
      %parallel_loop3A_154 = arith.addi %parallel_loop3A_147, %parallel_loop3A_153 : vector<16xi32>
      %parallel_loop3A_155 = tpu.vector_load_idx %arg10[%parallel_loop3A_154] : memref<12000xf32, #tpu.memory_space<vmem>>[vector<16xi32>], vector<16xf32>,
      %parallel_loop3A_156 = arith.constant 2 : i32
      %parallel_loop3A_157 = vector.broadcast %parallel_loop3A_156 : i32 to vector<16xi32>
      %parallel_loop3A_158 = arith.addi %parallel_loop3A_147, %parallel_loop3A_157 : vector<16xi32>
      %parallel_loop3A_159 = tpu.vector_load_idx %arg10[%parallel_loop3A_158] : memref<12000xf32, #tpu.memory_space<vmem>>[vector<16xi32>], vector<16xf32>,
      %parallel_loop3A_160 = arith.constant 3 : i32
      %parallel_loop3A_161 = vector.broadcast %parallel_loop3A_160 : i32 to vector<16xi32>
      %parallel_loop3A_162 = arith.addi %parallel_loop3A_147, %parallel_loop3A_161 : vector<16xi32>
      %parallel_loop3A_163 = tpu.vector_load_idx %arg10[%parallel_loop3A_162] : memref<12000xf32, #tpu.memory_space<vmem>>[vector<16xi32>], vector<16xf32>,
      %parallel_loop3A_164 = arith.constant 4 : i32
      %parallel_loop3A_165 = vector.broadcast %parallel_loop3A_164 : i32 to vector<16xi32>
      %parallel_loop3A_166 = arith.addi %parallel_loop3A_147, %parallel_loop3A_165 : vector<16xi32>
      %parallel_loop3A_167 = tpu.vector_load_idx %arg10[%parallel_loop3A_166] : memref<12000xf32, #tpu.memory_space<vmem>>[vector<16xi32>], vector<16xf32>,
      %parallel_loop3A_168 = arith.constant 5 : i32
      %parallel_loop3A_169 = vector.broadcast %parallel_loop3A_168 : i32 to vector<16xi32>
      %parallel_loop3A_170 = arith.addi %parallel_loop3A_147, %parallel_loop3A_169 : vector<16xi32>
      %parallel_loop3A_171 = tpu.vector_load_idx %arg10[%parallel_loop3A_170] : memref<12000xf32, #tpu.memory_space<vmem>>[vector<16xi32>], vector<16xf32>,
      %parallel_loop3A_172 = arith.constant 6 : i32
      %parallel_loop3A_173 = vector.broadcast %parallel_loop3A_172 : i32 to vector<16xi32>
      %parallel_loop3A_174 = arith.addi %parallel_loop3A_147, %parallel_loop3A_173 : vector<16xi32>
      %parallel_loop3A_175 = tpu.vector_load_idx %arg10[%parallel_loop3A_174] : memref<12000xf32, #tpu.memory_space<vmem>>[vector<16xi32>], vector<16xf32>,
      %parallel_loop3A_176 = arith.constant 7 : i32
      %parallel_loop3A_177 = vector.broadcast %parallel_loop3A_176 : i32 to vector<16xi32>
      %parallel_loop3A_178 = arith.addi %parallel_loop3A_147, %parallel_loop3A_177 : vector<16xi32>
      %parallel_loop3A_179 = tpu.vector_load_idx %arg10[%parallel_loop3A_178] : memref<12000xf32, #tpu.memory_space<vmem>>[vector<16xi32>], vector<16xf32>,
      %parallel_loop3A_180 = arith.constant 8 : i32
      %parallel_loop3A_181 = vector.broadcast %parallel_loop3A_180 : i32 to vector<16xi32>
      %parallel_loop3A_182 = arith.addi %parallel_loop3A_147, %parallel_loop3A_181 : vector<16xi32>
      %parallel_loop3A_183 = tpu.vector_load_idx %arg10[%parallel_loop3A_182] : memref<12000xf32, #tpu.memory_space<vmem>>[vector<16xi32>], vector<16xf32>,
      %parallel_loop3A_184 = arith.constant 9 : i32
      %parallel_loop3A_185 = vector.broadcast %parallel_loop3A_184 : i32 to vector<16xi32>
      %parallel_loop3A_186 = arith.addi %parallel_loop3A_147, %parallel_loop3A_185 : vector<16xi32>
      %parallel_loop3A_187 = tpu.vector_load_idx %arg10[%parallel_loop3A_186] : memref<12000xf32, #tpu.memory_space<vmem>>[vector<16xi32>], vector<16xf32>,
      %parallel_loop3A_188 = arith.constant 10 : i32
      %parallel_loop3A_189 = vector.broadcast %parallel_loop3A_188 : i32 to vector<16xi32>
      %parallel_loop3A_190 = arith.addi %parallel_loop3A_147, %parallel_loop3A_189 : vector<16xi32>
      %parallel_loop3A_191 = tpu.vector_load_idx %arg10[%parallel_loop3A_190] : memref<12000xf32, #tpu.memory_space<vmem>>[vector<16xi32>], vector<16xf32>,
      %parallel_loop3A_192 = arith.constant 11 : i32
      %parallel_loop3A_193 = vector.broadcast %parallel_loop3A_192 : i32 to vector<16xi32>
      %parallel_loop3A_194 = arith.addi %parallel_loop3A_147, %parallel_loop3A_193 : vector<16xi32>
      %parallel_loop3A_195 = tpu.vector_load_idx %arg10[%parallel_loop3A_194] : memref<12000xf32, #tpu.memory_space<vmem>>[vector<16xi32>], vector<16xf32>,
      %parallel_loop3A_196 = arith.index_cast %parallel_loop3A_142 : i32 to index
      %parallel_loop3A_197 = tpu.vector_load %arg14[%parallel_loop3A_196] {strides = array<i32>} : memref<8192xf32, #tpu.memory_space<vmem>>, vector<16xf32>,
      %parallel_loop3A_198 = arith.index_cast %parallel_loop3A_142 : i32 to index
      %parallel_loop3A_199 = tpu.vector_load %arg16[%parallel_loop3A_198] {strides = array<i32>} : memref<8192xf32, #tpu.memory_space<vmem>>, vector<16xf32>,
      %parallel_loop3A_200 = arith.index_cast %parallel_loop3A_142 : i32 to index
      %parallel_loop3A_201 = tpu.vector_load %arg18[%parallel_loop3A_200] {strides = array<i32>} : memref<8192xf32, #tpu.memory_space<vmem>>, vector<16xf32>,
      %parallel_loop3A_202 = arith.mulf %parallel_loop3A_151, %parallel_loop3A_197 : vector<16xf32>
      %parallel_loop3A_203 = arith.mulf %parallel_loop3A_155, %parallel_loop3A_199 : vector<16xf32>
      %parallel_loop3A_204 = arith.addf %parallel_loop3A_202, %parallel_loop3A_203 : vector<16xf32>
      %parallel_loop3A_205 = arith.mulf %parallel_loop3A_159, %parallel_loop3A_201 : vector<16xf32>
      %parallel_loop3A_206 = arith.addf %parallel_loop3A_204, %parallel_loop3A_205 : vector<16xf32>
      %parallel_loop3A_207 = arith.addf %parallel_loop3A_206, %parallel_loop3A_187 : vector<16xf32>
      %parallel_loop3A_208 = arith.constant 2.000000e+00 : f32
      %parallel_loop3A_209 = vector.broadcast %parallel_loop3A_208 : f32 to vector<16xf32>
      %parallel_loop3A_210 = arith.remf %parallel_loop3A_207, %parallel_loop3A_209 : vector<16xf32>
      %parallel_loop3A_211 = math.absf %parallel_loop3A_210 : vector<16xf32>
      %parallel_loop3A_212 = arith.constant 1.000000e+00 : f32
      %parallel_loop3A_213 = vector.broadcast %parallel_loop3A_212 : f32 to vector<16xf32>
      %parallel_loop3A_214 = arith.cmpf ole, %parallel_loop3A_211, %parallel_loop3A_213 : vector<16xf32>
      %parallel_loop3A_215 = arith.constant 2.000000e+00 : f32
      %parallel_loop3A_216 = vector.broadcast %parallel_loop3A_215 : f32 to vector<16xf32>
      %parallel_loop3A_217 = arith.subf %parallel_loop3A_216, %parallel_loop3A_211 : vector<16xf32>
      %parallel_loop3A_218 = arith.select %parallel_loop3A_214, %parallel_loop3A_211, %parallel_loop3A_217 : vector<16xi1>, vector<16xf32>
      %parallel_loop3A_219 = arith.index_cast %parallel_loop3A_142 : i32 to index
      %parallel_loop3A_220 = tpu.vector_load %arg20[%parallel_loop3A_219] {strides = array<i32>} : memref<8192xf32, #tpu.memory_space<vmem>>, vector<16xf32>,
      tpu.vector_store %arg20[%parallel_loop3A_219], %parallel_loop3A_218 {strides = array<i32>} : memref<8192xf32, #tpu.memory_space<vmem>>, vector<16xf32>,
      %parallel_loop3A_221 = arith.mulf %parallel_loop3A_163, %parallel_loop3A_197 : vector<16xf32>
      %parallel_loop3A_222 = arith.mulf %parallel_loop3A_167, %parallel_loop3A_199 : vector<16xf32>
      %parallel_loop3A_223 = arith.addf %parallel_loop3A_221, %parallel_loop3A_222 : vector<16xf32>
      %parallel_loop3A_224 = arith.mulf %parallel_loop3A_171, %parallel_loop3A_201 : vector<16xf32>
      %parallel_loop3A_225 = arith.addf %parallel_loop3A_223, %parallel_loop3A_224 : vector<16xf32>
      %parallel_loop3A_226 = arith.addf %parallel_loop3A_225, %parallel_loop3A_191 : vector<16xf32>
      %parallel_loop3A_227 = arith.constant 2.000000e+00 : f32
      %parallel_loop3A_228 = vector.broadcast %parallel_loop3A_227 : f32 to vector<16xf32>
      %parallel_loop3A_229 = arith.remf %parallel_loop3A_226, %parallel_loop3A_228 : vector<16xf32>
      %parallel_loop3A_230 = math.absf %parallel_loop3A_229 : vector<16xf32>
      %parallel_loop3A_231 = arith.constant 1.000000e+00 : f32
      %parallel_loop3A_232 = vector.broadcast %parallel_loop3A_231 : f32 to vector<16xf32>
      %parallel_loop3A_233 = arith.cmpf ole, %parallel_loop3A_230, %parallel_loop3A_232 : vector<16xf32>
      %parallel_loop3A_234 = arith.constant 2.000000e+00 : f32
      %parallel_loop3A_235 = vector.broadcast %parallel_loop3A_234 : f32 to vector<16xf32>
      %parallel_loop3A_236 = arith.subf %parallel_loop3A_235, %parallel_loop3A_230 : vector<16xf32>
      %parallel_loop3A_237 = arith.select %parallel_loop3A_233, %parallel_loop3A_230, %parallel_loop3A_236 : vector<16xi1>, vector<16xf32>
      %parallel_loop3A_238 = arith.index_cast %parallel_loop3A_142 : i32 to index
      %parallel_loop3A_239 = tpu.vector_load %arg22[%parallel_loop3A_238] {strides = array<i32>} : memref<8192xf32, #tpu.memory_space<vmem>>, vector<16xf32>,
      tpu.vector_store %arg22[%parallel_loop3A_238], %parallel_loop3A_237 {strides = array<i32>} : memref<8192xf32, #tpu.memory_space<vmem>>, vector<16xf32>,
      %parallel_loop3A_240 = arith.mulf %parallel_loop3A_175, %parallel_loop3A_197 : vector<16xf32>
      %parallel_loop3A_241 = arith.mulf %parallel_loop3A_179, %parallel_loop3A_199 : vector<16xf32>
      %parallel_loop3A_242 = arith.addf %parallel_loop3A_240, %parallel_loop3A_241 : vector<16xf32>
      %parallel_loop3A_243 = arith.mulf %parallel_loop3A_183, %parallel_loop3A_201 : vector<16xf32>
      %parallel_loop3A_244 = arith.addf %parallel_loop3A_242, %parallel_loop3A_243 : vector<16xf32>
      %parallel_loop3A_245 = arith.addf %parallel_loop3A_244, %parallel_loop3A_195 : vector<16xf32>
      %parallel_loop3A_246 = arith.constant 2.000000e+00 : f32
      %parallel_loop3A_247 = vector.broadcast %parallel_loop3A_246 : f32 to vector<16xf32>
      %parallel_loop3A_248 = arith.remf %parallel_loop3A_245, %parallel_loop3A_247 : vector<16xf32>
      %parallel_loop3A_249 = math.absf %parallel_loop3A_248 : vector<16xf32>
      %parallel_loop3A_250 = arith.constant 1.000000e+00 : f32
      %parallel_loop3A_251 = vector.broadcast %parallel_loop3A_250 : f32 to vector<16xf32>
      %parallel_loop3A_252 = arith.cmpf ole, %parallel_loop3A_249, %parallel_loop3A_251 : vector<16xf32>
      %parallel_loop3A_253 = arith.constant 2.000000e+00 : f32
      %parallel_loop3A_254 = vector.broadcast %parallel_loop3A_253 : f32 to vector<16xf32>
      %parallel_loop3A_255 = arith.subf %parallel_loop3A_254, %parallel_loop3A_249 : vector<16xf32>
      %parallel_loop3A_256 = arith.select %parallel_loop3A_252, %parallel_loop3A_249, %parallel_loop3A_255 : vector<16xi1>, vector<16xf32>
      %parallel_loop3A_257 = arith.index_cast %parallel_loop3A_142 : i32 to index
      %parallel_loop3A_258 = tpu.vector_load %arg24[%parallel_loop3A_257] {strides = array<i32>} : memref<8192xf32, #tpu.memory_space<vmem>>, vector<16xf32>,
      tpu.vector_store %arg24[%parallel_loop3A_257], %parallel_loop3A_256 {strides = array<i32>} : memref<8192xf32, #tpu.memory_space<vmem>>, vector<16xf32>,
    } {sc.loop_unroll_factor = 4 : i64, sc.parallel_access}
    %add3A_120 = arith.constant 24576 : i32
    %add3A_121 = arith.addi %mul3A_2, %add3A_120 : i32
    %dma_start3A_122 = tpu.memref_slice %arg7[%add3A_121] : memref<1048576xf32, #tpu.memory_space<hbm>> -> memref<8192xf32, #tpu.memory_space<hbm>>
    %dma_start3A_123 = tpu.memref_slice %arg7[%add3A_121] : memref<1048576xf32, #tpu.memory_space<hbm>> -> memref<8192xf32, #tpu.memory_space<hbm>>
    tpu.enqueue_dma source(%arg20 : memref<8192xf32, #tpu.memory_space<vmem>>) target(%dma_start3A_123 : memref<8192xf32, #tpu.memory_space<hbm>>) target_semaphore(%arg28 : memref<!tpu.dma_semaphore, #tpu.memory_space<semaphore_mem>>)
    %dma_start3A_124 = tpu.memref_slice %arg8[%add3A_121] : memref<1048576xf32, #tpu.memory_space<hbm>> -> memref<8192xf32, #tpu.memory_space<hbm>>
    %dma_start3A_125 = tpu.memref_slice %arg8[%add3A_121] : memref<1048576xf32, #tpu.memory_space<hbm>> -> memref<8192xf32, #tpu.memory_space<hbm>>
    tpu.enqueue_dma source(%arg22 : memref<8192xf32, #tpu.memory_space<vmem>>) target(%dma_start3A_125 : memref<8192xf32, #tpu.memory_space<hbm>>) target_semaphore(%arg28 : memref<!tpu.dma_semaphore, #tpu.memory_space<semaphore_mem>>)
    %dma_start3A_126 = tpu.memref_slice %arg9[%add3A_121] : memref<1048576xf32, #tpu.memory_space<hbm>> -> memref<8192xf32, #tpu.memory_space<hbm>>
    %dma_start3A_127 = tpu.memref_slice %arg9[%add3A_121] : memref<1048576xf32, #tpu.memory_space<hbm>> -> memref<8192xf32, #tpu.memory_space<hbm>>
    tpu.enqueue_dma source(%arg24 : memref<8192xf32, #tpu.memory_space<vmem>>) target(%dma_start3A_127 : memref<8192xf32, #tpu.memory_space<hbm>>) target_semaphore(%arg28 : memref<!tpu.dma_semaphore, #tpu.memory_space<semaphore_mem>>)
    %dma_wait3A_128 = tpu.memref_slice %arg7[%add3A_96] : memref<1048576xf32, #tpu.memory_space<hbm>> -> memref<8192xf32, #tpu.memory_space<hbm>>
    %dma_wait3A_129 = tpu.memref_slice %arg7[%add3A_96] : memref<1048576xf32, #tpu.memory_space<hbm>> -> memref<8192xf32, #tpu.memory_space<hbm>>
    tpu.wait_dma2 semaphore(%arg27 : memref<!tpu.dma_semaphore, #tpu.memory_space<semaphore_mem>>) src(%arg19 : memref<8192xf32, #tpu.memory_space<vmem>>) dst(%dma_wait3A_129 : memref<8192xf32, #tpu.memory_space<hbm>>)
    %dma_wait3A_130 = tpu.memref_slice %arg8[%add3A_96] : memref<1048576xf32, #tpu.memory_space<hbm>> -> memref<8192xf32, #tpu.memory_space<hbm>>
    %dma_wait3A_131 = tpu.memref_slice %arg8[%add3A_96] : memref<1048576xf32, #tpu.memory_space<hbm>> -> memref<8192xf32, #tpu.memory_space<hbm>>
    tpu.wait_dma2 semaphore(%arg27 : memref<!tpu.dma_semaphore, #tpu.memory_space<semaphore_mem>>) src(%arg21 : memref<8192xf32, #tpu.memory_space<vmem>>) dst(%dma_wait3A_131 : memref<8192xf32, #tpu.memory_space<hbm>>)
    %dma_wait3A_132 = tpu.memref_slice %arg9[%add3A_96] : memref<1048576xf32, #tpu.memory_space<hbm>> -> memref<8192xf32, #tpu.memory_space<hbm>>
    %dma_wait3A_133 = tpu.memref_slice %arg9[%add3A_96] : memref<1048576xf32, #tpu.memory_space<hbm>> -> memref<8192xf32, #tpu.memory_space<hbm>>
    tpu.wait_dma2 semaphore(%arg27 : memref<!tpu.dma_semaphore, #tpu.memory_space<semaphore_mem>>) src(%arg23 : memref<8192xf32, #tpu.memory_space<vmem>>) dst(%dma_wait3A_133 : memref<8192xf32, #tpu.memory_space<hbm>>)
    %dma_wait3A_134 = tpu.memref_slice %arg7[%add3A_121] : memref<1048576xf32, #tpu.memory_space<hbm>> -> memref<8192xf32, #tpu.memory_space<hbm>>
    %dma_wait3A_135 = tpu.memref_slice %arg7[%add3A_121] : memref<1048576xf32, #tpu.memory_space<hbm>> -> memref<8192xf32, #tpu.memory_space<hbm>>
    tpu.wait_dma2 semaphore(%arg28 : memref<!tpu.dma_semaphore, #tpu.memory_space<semaphore_mem>>) src(%arg20 : memref<8192xf32, #tpu.memory_space<vmem>>) dst(%dma_wait3A_135 : memref<8192xf32, #tpu.memory_space<hbm>>)
    %dma_wait3A_136 = tpu.memref_slice %arg8[%add3A_121] : memref<1048576xf32, #tpu.memory_space<hbm>> -> memref<8192xf32, #tpu.memory_space<hbm>>
    %dma_wait3A_137 = tpu.memref_slice %arg8[%add3A_121] : memref<1048576xf32, #tpu.memory_space<hbm>> -> memref<8192xf32, #tpu.memory_space<hbm>>
    tpu.wait_dma2 semaphore(%arg28 : memref<!tpu.dma_semaphore, #tpu.memory_space<semaphore_mem>>) src(%arg22 : memref<8192xf32, #tpu.memory_space<vmem>>) dst(%dma_wait3A_137 : memref<8192xf32, #tpu.memory_space<hbm>>)
    %dma_wait3A_138 = tpu.memref_slice %arg9[%add3A_121] : memref<1048576xf32, #tpu.memory_space<hbm>> -> memref<8192xf32, #tpu.memory_space<hbm>>
    %dma_wait3A_139 = tpu.memref_slice %arg9[%add3A_121] : memref<1048576xf32, #tpu.memory_space<hbm>> -> memref<8192xf32, #tpu.memory_space<hbm>>
    tpu.wait_dma2 semaphore(%arg28 : memref<!tpu.dma_semaphore, #tpu.memory_space<semaphore_mem>>) src(%arg24 : memref<8192xf32, #tpu.memory_space<vmem>>) dst(%dma_wait3A_139 : memref<8192xf32, #tpu.memory_space<hbm>>)
    return
  }
}

</mosaic_0001>

<sc_bundles>
// kernel: kernel.3.cloned.1.call-start
scs
__scs_entry_jumppad:
0x0: {  	(pc) =	sbr.rel $0x88, $3  }
0x1: {  	(tag) =	ssettag $0x0;
	lr =	simm.s32 $0x1  }
0x2: {  	[smem:$0x3F9D] =	sst lr;
	_ =	strace $0xD0000000  }
0x3: {  	_ = 	snop  }
0x4: {  	_ = 	snop  }
0x5: {  	_ = 	snop  }
0x6: {  	_ = 	snop  }
0x7: {  	_ = 	snop  }
__scs_overlays_trampoline_lowered:
0x8: {  	[smem:$0x3FAC] =	sst s0  }
0x9: {  	[smem:$0x3FAD] =	sst s1  }
0xa: {  	[smem:$0x3FAE] =	sst s2  }
0xb: {  	[smem:$0x3FAF] =	sst s3  }
0xc: {  	[smem:$0x3FB0] =	sst s4  }
0xd: {  	[smem:$0x3FB1] =	sst s5  }
0xe: {  	[smem:$0x3FB2] =	sst s6  }
0xf: {  	[smem:$0x3FB3] =	sst s7  }
0x10: {  	[smem:$0x3FB4] =	sst s8  }
0x11: {  	[smem:$0x3FB5] =	sst s9;
	s0 =	simm.s32 @!p0 $0x0  }
0x12: {  	s1 =	sld [smem:$0x3F9B];
	s0 =	simm.s32 @p0 $0x1  }
0x13: {  	[smem:$0x3FB6] =	sst s0;
	s0 =	simm.s32 @!p1 $0x0  }
0x14: {  	s2 =	sld [smem:$0x3F9A];
	s0 =	simm.s32 @p1 $0x1  }
0x15: {  	[smem:$0x3FB7] =	sst s0;
	s0 =	simm.s32 @!p2 $0x0  }
0x16: {  	s3 =	sld [smem:$0x3FDB];
	s0 =	simm.s32 @p2 $0x1  }
0x17: {  	s4 =	simm.s32 $0x1BF5;
	[smem:$0x3FB9] =	sst s0  }
0x18: {  	s0 =	sld [smem:$0x3F9C];
	_ =	swait.ge [sflag:s4], $0x0  }
0x19: {  	s7 =	sld [smem:$0x3F9D]  }
0x1a: {  	s8 =	sadd.s32 $0xFFFFE003, lr  }
0x1b: {  	s9 =	sadd.s32 $0xFFFFFEF7, lr;
	s5 =	simm.s32 $0xFFFFFFFF;
	p2 =	slt.u32 s8, $0xFFFFF086  }
0x1c: {  	p1 =	slt.u32 s9, $0xF7A;
	s5 =	simm.s32 @!p2 $0x0  }
0x1d: {  	s5 =	simm.s32 @p1 $0x1;
	p0 =	seq.s32 s7, s2  }
0x1e: {  	s7 =	smul.u32 @!p0 $0xF7A, s2;
	p2 =	seq.s32 @!p0 s5, $0x0  }
0x1f: {  	s9 =	smul.u32 $0xF7A, s1;
	s8 =	simm.s32 @!p0 $0x1BF5;
	p2 =	por !p2, p0  }
0x20: {  	[sflag:s8] =	ssyncset.s32 @!p0 $0xFFFFF086;
	s6 =	sadd.s32 @!p0 s3, s7;
	s7 =	simm.s32 @!p0 $0x108  }
0x21: {  	s3 =	sadd.s32 s3, s9;
	s6 =	sadd.s32 @!p0 $0x88, s6;
	s7 =	simm.s32 @p2 $0x1082  }
0x22: {  	[simem:s7], [sflag:s8] =	dma.local @!p0 [hbm:s6], $0xF7A  }
0x23: {  	s9 =	sor.u32 $0xD0000000, s2;
	s6 =	simm.s32 $0x108;
	_ =	swait.ge @!p0 [sflag:s8], $0x0  }
0x24: {  	s3 =	sadd.s32 $0x88, s3;
	s6 =	simm.s32 @!p1 $0x1082;
	[sflag:s4] =	ssyncset.s32 $0xFFFFF086  }
0x25: {  	[simem:s6], [sflag:s4] =	dma.local [hbm:s3], $0xF7A  }
0x26: {  	[smem:$0x3F9D] =	sst s1;
	(tag) =	ssettag s2;
	_ =	strace s9  }
0x27: {  	s1 =	sld [smem:$0x3FAD]  }
0x28: {  	s2 =	sld [smem:$0x3FAE]  }
0x29: {  	s4 =	sld [smem:$0x3FB0]  }
0x2a: {  	p0 =	seq.s32 s5, $0x0;
	s5 =	sld [smem:$0x3FB1]  }
0x2b: {  	s6 =	sld [smem:$0x3FB2]  }
0x2c: {  	s7 =	sld [smem:$0x3FB3]  }
0x2d: {  	s3 =	simm.s32 $0x108;
	s8 =	sld [smem:$0x3FB4]  }
0x2e: {  	s3 =	simm.s32 @!p0 $0x1082;
	s9 =	sld [smem:$0x3FB5]  }
0x2f: {  	lr =	sadd.s32 s0, s3;
	s0 =	sld [smem:$0x3FAC]  }
0x30: {  	s3 =	sld [smem:$0x3FAF]  }
0x31: {  	[smem:$0x3FB8] =	sst s10  }
0x32: {  	s10 =	sld [smem:$0x3FB6];
	_ =	sdelay $0x3  }
0x33: {  	p0 =	seq.s32 s10, $0x1;
	s10 =	sld [smem:$0x3FB8];
	_ =	sdelay $0x3  }
0x34: {  	[smem:$0x3FB8] =	sst s10  }
0x35: {  	s10 =	sld [smem:$0x3FB7];
	_ =	sdelay $0x3  }
0x36: {  	p1 =	seq.s32 s10, $0x1;
	s10 =	sld [smem:$0x3FB8];
	_ =	sdelay $0x3  }
0x37: {  	[smem:$0x3FB8] =	sst s10  }
0x38: {  	s10 =	sld [smem:$0x3FB9]  }
0x39: {  	_ = 	snop;
	(pc) =	sbr.ind lr, $3  }
0x3a: {  	_ = 	snop  }
0x3b: {  	_ = 	snop  }
0x3c: {  	p2 =	seq.s32 s10, $0x1;
	s10 =	sld [smem:$0x3FB8]  }
0x3d: {  	_ =	shalt  }
0x3e: {  	_ =	shalt  }
0x3f: {  	_ =	shalt  }
0x40: {  	_ =	shalt  }
0x41: {  	_ =	shalt  }
0x42: {  	_ =	shalt  }
0x43: {  	_ =	shalt  }
0x44: {  	_ =	shalt  }
0x45: {  	_ =	shalt  }
0x46: {  	_ =	shalt  }
0x47: {  	_ =	shalt  }
0x48: {  	_ =	shalt  }
0x49: {  	_ =	shalt  }
0x4a: {  	_ =	shalt  }
0x4b: {  	_ =	shalt  }
0x4c: {  	_ =	shalt  }
0x4d: {  	_ =	shalt  }
0x4e: {  	_ =	shalt  }
0x4f: {  	_ =	shalt  }
0x50: {  	_ =	shalt  }
0x51: {  	_ =	shalt  }
0x52: {  	_ =	shalt  }
0x53: {  	_ =	shalt  }
0x54: {  	_ =	shalt  }
0x55: {  	_ =	shalt  }
0x56: {  	_ =	shalt  }
0x57: {  	_ =	shalt  }
0x58: {  	_ =	shalt  }
0x59: {  	_ =	shalt  }
0x5a: {  	_ =	shalt  }
0x5b: {  	_ =	shalt  }
0x5c: {  	_ =	shalt  }
0x5d: {  	_ =	shalt  }
0x5e: {  	_ =	shalt  }
0x5f: {  	_ =	shalt  }
0x60: {  	_ =	shalt  }
0x61: {  	_ =	shalt  }
0x62: {  	_ =	shalt  }
0x63: {  	_ =	shalt  }
0x64: {  	_ =	shalt  }
0x65: {  	_ =	shalt  }
0x66: {  	_ =	shalt  }
0x67: {  	_ =	shalt  }
0x68: {  	_ =	shalt  }
0x69: {  	_ =	shalt  }
0x6a: {  	_ =	shalt  }
0x6b: {  	_ =	shalt  }
0x6c: {  	_ =	shalt  }
0x6d: {  	_ =	shalt  }
0x6e: {  	_ =	shalt  }
0x6f: {  	_ =	shalt  }
0x70: {  	_ =	shalt  }
0x71: {  	_ =	shalt  }
0x72: {  	_ =	shalt  }
0x73: {  	_ =	shalt  }
0x74: {  	_ =	shalt  }
0x75: {  	_ =	shalt  }
0x76: {  	_ =	shalt  }
0x77: {  	_ =	shalt  }
0x78: {  	_ =	shalt  }
0x79: {  	_ =	shalt  }
0x7a: {  	_ =	shalt  }
0x7b: {  	_ =	shalt  }
0x7c: {  	_ =	shalt  }
0x7d: {  	_ =	shalt  }
0x7e: {  	_ =	shalt  }
0x7f: {  	_ =	shalt  }
0x80: {  	_ =	shalt  }
0x81: {  	_ =	shalt  }
0x82: {  	_ =	shalt  }
0x83: {  	_ =	shalt  }
0x84: {  	_ =	shalt  }
0x85: {  	_ =	shalt  }
0x86: {  	_ =	shalt  }
0x87: {  	_ =	shalt  }
.Lfunc_end0:
.L_simem_size_0:
called_computation_lowered:
.L_overlay_start_0:
0x88: {  	s2 =	sld [smem:$0x3FD9]  }
0x89: {  	s3 =	sld [smem:$0x3FFE];
	_ =	sdelay $0x1  }
0x8a: {  	s1 =	srdreg.scid  }
0x8b: {  	s0 =	sand.u32 $0x1, s1  }
0x8c: {  	s17 =	sshll.u32 s0, $0xA;
	s2 =	sadd.s32 s3, s2  }
0x8d: {  	s2 =	sadd.s32 s2, s17  }
0x8e: {  	[smem:$0x3FC4] =	sst s2  }
0x8f: {  	_ = 	snop  }
0x90: {  	s2 =	sld [smem:$0x3FC8]  }
0x91: {  	s18 =	sld [smem:$0x3FD0];
	(tm) =	ssettm $0x1  }
0x92: {  	s4 =	sld [smem:$0x3FFB];
	_ =	sdelay $0x3  }
0x93: {  	_ =	strace s4  }
0x94: {  	s4 =	sld [smem:$0x3FFC];
	_ =	sdelay $0x3  }
0x95: {  	_ =	strace s4  }
0x96: {  	s4 =	sld [smem:$0x3FFD];
	_ =	sdelay $0x3  }
0x97: {  	_ =	strace s4  }
0x98: {  	_ =	strace $0x8FFFFFFF  }
0x99: {  	s19 =	sld [smem:$0x3FDB];
	_ =	sdelay $0x1  }
0x9a: {  	s5 =	simm.s32 $_scs_section_size  }
0x9b: {  	s6 =	simm.s32 $_size__tile_overlayer_lowered;
	s7 =	simm.s32 $_tile_overlayer_lowered  }
0x9c: {  	s22 =	simm.s32 $0x1BFF;
	s21 =	sshll.u32 s7, $0x1;
	s4 =	sadd.s32 s5, s19  }
0x9d: {  	s8 =	simm.s32 $0x0;
	s20 =	sshll.u32 s6, $0x1;
	s6 =	sadd.s32 s21, s4  }
0x9e: {  	[timem:s8], [sflag:s22] =	dma.local [hbm:s6], s20  }
0x9f: {  	_ =	swait.ge [sflag:s22], s20  }
0xa0: {  	s5 =	ssub.s32 $0x0, s20;
	[sflag:s22] =	ssyncset.done $0x0  }
0xa1: {  	[sflag:s22] =	ssyncadd.s32 s5;
	_ =	sdelay $0x1  }
0xa2: {  	s23 =	simm.s32 $0x1B8B  }
0xa3: {  	_ =	swait.ge [sflag:s23], $0x1  }
0xa4: {  	[sflag:s23] =	ssyncset.done $0x0  }
0xa5: {  	s25 =	simm.s32 $0x1B8E;
	s24 =	sld [smem:$0x3FFE];
	[sflag:s23] =	ssyncadd.s32 $0xFFFFFFFF  }
0xa6: {  	s26 =	simm.s32 $execute0_lowered;
	[smem:$0x3FD2] =	sst s25  }
0xa7: {  	s6 =	sshll.u32 s26, $0x1;
	_ =	strace $0x80000046;
	[dreg:$0x1] =	wrdreg $0xFFFFFFFF  }
0xa8: {  	s28 =	simm.s32 $_size_execute0_lowered;
	s4 =	sadd.s32 s4, s6;
	[dreg:$0x0] =	wrdreg $0x0  }
0xa9: {  	s6 =	sshll.u32 s28, $0x1;
	[dreg:$0x2] =	wrdreg s4  }
0xaa: {  	[dreg:$0x3] =	wrdreg s6  }
0xab: {  	[dreg:$0x4] =	wrdreg $0xC0  }
0xac: {  	_ =	task [dreg:s8], $0x5FFFF  }
0xad: {  	[dreg:$0x1] =	wrdreg $0xFFFFFFFF  }
0xae: {  	[dreg:$0x0] =	wrdreg $0x60  }
0xaf: {  	[dreg:$0x2] =	wrdreg s24  }
0xb0: {  	[dreg:$0x3] =	wrdreg s18  }
0xb1: {  	[dreg:$0x4] =	wrdreg s2  }
0xb2: {  	[dreg:$0x5] =	wrdreg $0x9  }
0xb3: {  	_ =	task.clear_ibuf [dreg:s8], $0x6FFFF;
	_ =	strace $0x90000046  }
0xb4: {  	s29 =	simm.s32 $0x9;
	_ =	strace $0x80000048  }
0xb5: {  	_ =	swait.ge [sflag:s29], $0x1  }
0xb6: {  	[sflag:s29] =	ssyncadd.s32 $0xFFFFFFFF  }
0xb7: {  	_ =	strace $0x90000048  }
0xb8: {  	_ =	sfence  }
0xb9: {  	s30 =	sld [smem:$0x0];
	_ =	sdelay $0x2  }
0xba: {  	s31 =	sshll.u32 s1, $0xD;
	s1 =	sshrl.u32 s1, $0x2  }
0xbb: {  	s3 =	sand.u32 $0x4000, s31;
	s1 =	sadd.s32 s1, s30  }
0xbc: {  	s0 =	sor.u32 s3, s0;
	s1 =	sshll.u32 s1, $0x11  }
0xbd: {  	s0 =	sor.u32 s1, s0  }
0xbe: {  	s0 =	sadd.s32 $0x8F2B, s0  }
0xbf: {  	[sflag:s0] =	ssyncadd.remote.s32 $0x1  }
0xc0: {  	_ =	sfence.sel $0xFFFF  }
0xc1: {  	[dreg:$0x0] =	wrdreg $0xFFFFFFFF;
	(pc) =	sbr.abs _section_cstart, $3  }
0xc2: {  	[dreg:$0x1] =	wrdreg $0xFFFFFFFF  }
0xc3: {  	_ =	task.clear_ibuf [dreg:s8], $0x2FFFF;
	_ =	strace $0x9FFFFFFF  }
0xc4: {  	(tm) =	ssettm $0x7FFFFFFF  }
0xc5: {  	_ =	shalt  }
tec
execute0_lowered:
.L_overlay_start_1:
0x0: {  	(tag) =	ssettag $0x1  }
0x1: {  	s0 =	rddreg [dreg:$0x0]  }
0x2: {  	s2 =	rddreg [dreg:$0x1]  }
0x3: {  	s3 =	rddreg [dreg:$0x2];
	s1 =	simm.s32 $0x0;
	s7 =	srdreg.scid  }
0x4: {  	s10 =	stileid.u32;
	[smem:$0x7FF] =	sst s1  }
0x5: {  	s4 =	sadd.s32 $0x21000, s0;
	s5 =	sadd.s32 $0x1000, s0;
	s7 =	sand.u32 $0x1, s7  }
0x6: {  	s10 =	sshll.u32 s10, $0xD;
	s9 =	ssub.s32 $0x2, s7;
	s7 =	sshll.u32 s7, $0xC  }
0x7: {  	s6 =	sadd.s32 $0x41000, s0;
	s8 =	sadd.s32 $0x61000, s0;
	s7 =	sor.u32 s7, s10  }
0x8: {  	s11 =	sadd.s32 $0x81000, s0;
	s0 =	sadd.s32 $0xA00, s0;
	s10 =	sadd.s32 s3, s7  }
0x9: {  	_ =	strace $0x80000047;
	s20 =	sadd.s32 s4, s7;
	[dreg:$0x4] =	wrdreg s10  }
0xa: {  	s12 =	sshrl.u32 s9, $0x1;
	s21 =	sadd.s32 s5, s7;
	[dreg:$0x5] =	wrdreg s20  }
0xb: {  	s9 =	ssub.s32 s9, s12;
	s22 =	sadd.s32 s2, s7;
	[dreg:$0x6] =	wrdreg s21  }
0xc: {  	s23 =	sor.u32 $0x400, s7;
	s14 =	sadd.s32 s6, s7;
	[dreg:$0x7] =	wrdreg s22  }
0xd: {  	s15 =	sadd.s32 s8, s7;
	s18 =	sadd.s32 s11, s7;
	[dreg:$0xc] =	wrdreg s14  }
0xe: {  	s19 =	sor.u32 $0x800, s7;
	s7 =	sor.u32 $0xC00, s7;
	[dreg:$0xd] =	wrdreg s15  }
0xf: {  	s24 =	sadd.s32 s3, s23;
	s25 =	sadd.s32 s4, s23;
	[dreg:$0x11] =	wrdreg s18  }
0x10: {  	s26 =	sadd.s32 s5, s23;
	s13 =	sadd.s32 s2, s23;
	[dreg:$0x8] =	wrdreg s24  }
0x11: {  	v0 =	vimm.f32 $2.000000000e+00;
	s16 =	sadd.s32 s6, s23;
	s17 =	sadd.s32 s8, s23;
	[dreg:$0x9] =	wrdreg s25  }
0x12: {  	(erf) = vrcp.f32 v0;
	s10 =	sadd.s32 s11, s23;
	s20 =	sadd.s32 s4, s7;
	[dreg:$0xa] =	wrdreg s26  }
0x13: {  	s21 =	sadd.s32 s5, s19;
	s22 =	sadd.s32 s5, s7;
	[dreg:$0xb] =	wrdreg s13  }
0x14: {  	s23 =	sadd.s32 s2, s19;
	s28 =	sadd.s32 s11, s19;
	[dreg:$0xe] =	wrdreg s16  }
0x15: {  	s29 =	sadd.s32 s6, s7;
	s30 =	sadd.s32 s8, s7;
	[dreg:$0xf] =	wrdreg s17  }
0x16: {  	s31 =	sadd.s32 s11, s7;
	s5 =	simm.s32 $0x2;
	[dreg:$0x10] =	wrdreg s10  }
0x17: {  	s25 =	sadd.s32 s3, s19;
	s3 =	sadd.s32 s3, s7;
	s26 =	sadd.s32 s4, s19  }
0x18: {  	s24 =	sadd.s32 s2, s7;
	s2 =	smax.u32 s9, $0x1;
	[dreg:$0x12] =	wrdreg s25  }
0x19: {  	s4 =	simm.s32 $0x1;
	s7 =	simm.s32 $0x4;
	[dreg:$0x13] =	wrdreg s3  }
0x1a: {  	[dreg:$0x14] =	wrdreg s26;
	s25 =	sadd.s32 s6, s19;
	s26 =	sadd.s32 s8, s19  }
0x1b: {  	s3 =	simm.s32 $0x5;
	s6 =	simm.s32 $0x3;
	s8 =	simm.s32 $0x0;
	v0 =	vpop (erf)  }
.LBB2_1:
0x1c: {  	s9 =	rddreg [dreg:$0x4];
	s10 =	simm.s32 $0x2F00  }
0x1d: {  	[tilespmem:s10], [sflag:$0x1] =	stream.linear.gather [hbm4b:s9+s1], $0x2000, $0x38;
	[tilespmem:$0x1EF00] =	vst v63  }
0x1e: {  	s12 =	rddreg [dreg:$0x5];
	s13 =	simm.s32 $0x6F00  }
0x1f: {  	[tilespmem:s13], [sflag:$0x1] =	stream.linear.gather [hbm4b:s12+s1], $0x2000, $0x38;
	[tilespmem:$0x1EF00] =	vst v63  }
0x20: {  	s14 =	rddreg [dreg:$0x6];
	s15 =	simm.s32 $0xAF00  }
0x21: {  	[tilespmem:s15], [sflag:$0x1] =	stream.linear.gather [hbm4b:s14+s1], $0x2000, $0x38;
	[tilespmem:$0x1EF00] =	vst v63  }
0x22: {  	s16 =	rddreg [dreg:$0x7];
	s17 =	simm.s32 $0xEF00  }
0x23: {  	[tilespmem:s17], [sflag:$0x1] =	stream.linear.gather [hbm4b:s16+s1], $0x2000, $0x38;
	[tilespmem:$0x1EF00] =	vst v63  }
0x24: {  	_ = 	snop  }
0x25: {  	[tilespmem:s1], [sflag:$0x5] =	stream.linear.gather [hbm4b:s0+s1], $0x2F00, $0x38;
	[tilespmem:$0x1EF00] =	vst v63  }
0x26: {  	_ =	swait.ge [sflag:s3], $0x2F00  }
0x27: {  	[sflag:s3] =	ssyncset.done $0x0  }
0x28: {  	s19 =	simm.s32 $0x4F00;
	s18 =	rddreg [dreg:$0x8];
	[sflag:s3] =	ssyncadd.s32 $0xFFFFD100  }
0x29: {  	[tilespmem:s19], [sflag:$0x2] =	stream.linear.gather [hbm4b:s18+s1], $0x2000, $0x38;
	[tilespmem:$0x1EF00] =	vst v63  }
0x2a: {  	s11 =	simm.s32 $0x8F00;
	s10 =	rddreg [dreg:$0x9]  }
0x2b: {  	[tilespmem:s11], [sflag:$0x2] =	stream.linear.gather [hbm4b:s10+s1], $0x2000, $0x38;
	[tilespmem:$0x1EF00] =	vst v63  }
0x2c: {  	s13 =	simm.s32 $0xCF00;
	s12 =	rddreg [dreg:$0xa]  }
0x2d: {  	[tilespmem:s13], [sflag:$0x2] =	stream.linear.gather [hbm4b:s12+s1], $0x2000, $0x38;
	[tilespmem:$0x1EF00] =	vst v63  }
0x2e: {  	s15 =	simm.s32 $0x10F00;
	s14 =	rddreg [dreg:$0xb]  }
0x2f: {  	[tilespmem:s15], [sflag:$0x2] =	stream.linear.gather [hbm4b:s14+s1], $0x2000, $0x38;
	[tilespmem:$0x1EF00] =	vst v63  }
0x30: {  	_ =	swait.ge [sflag:s4], $0x2000  }
0x31: {  	[sflag:s4] =	ssyncset.done $0x0  }
0x32: {  	[sflag:s4] =	ssyncadd.s32 $0xFFFFE000  }
0x33: {  	_ =	swait.ge [sflag:s4], $0x2000  }
0x34: {  	[sflag:s4] =	ssyncset.done $0x0  }
0x35: {  	[sflag:s4] =	ssyncadd.s32 $0xFFFFE000  }
0x36: {  	_ =	swait.ge [sflag:s4], $0x2000  }
0x37: {  	[sflag:s4] =	ssyncset.done $0x0  }
0x38: {  	[sflag:s4] =	ssyncadd.s32 $0xFFFFE000  }
0x39: {  	_ =	swait.ge [sflag:s4], $0x2000  }
0x3a: {  	[sflag:s4] =	ssyncset.done $0x0  }
0x3b: {  	s16 =	simm.s32 $0x2F20;
	[sflag:s4] =	ssyncadd.s32 $0xFFFFE000  }
0x3c: {  	v1 =	vld [tilespmem:s16+$0x10]  }
0x3d: {  	v2 =	vld [tilespmem:s16+$0xFFFFFFF0]  }
0x3e: {  	v3 =	vld [tilespmem:s16+$0x0]  }
0x3f: {  	s17 =	simm.s32 $0xEF20;
	v4 =	vld [tilespmem:s16+$0xFFFFFFE0]  }
0x40: {  	s11 =	simm.s32 $0x6F20;
	v7 =	vld [tilespmem:s17+$0x10]  }
0x41: {  	s18 =	simm.s32 $0xAF20;
	v9 =	vld [tilespmem:s11+$0x10]  }
0x42: {  	v11 =	vld [tilespmem:s18+$0x10]  }
0x43: {  	v38 =	vld [tilespmem:s11+$0xFFFFFFE0];
	v1 =	vmul.u32 $0xC, v1  }
0x44: {  	v40 =	vld [tilespmem:s18+$0xFFFFFFE0];
	v3 =	vmul.u32 $0xC, v3  }
0x45: {  	v42 =	vld [tilespmem:s11+$0xFFFFFFF0]  }
0x46: {  	v44 =	vld [tilespmem:s18+$0xFFFFFFF0];
	v5 =	vor.u32 $0x2, v1  }
0x47: {  	v54 =	vld [tilespmem:s11+$0x0];
	v6 =	vor.u32 $0x1, v1  }
0x48: {  	v55 =	vld [tilespmem:s18+$0x0];
	v8 =	vor.u32 $0x3, v1  }
0x49: {  	v10 =	vadd.s32 $0x4, v1;
	v12 =	vld.idx.msk [tilespmem:v1+s1+$0x0], $0xffff  }
0x4a: {  	v13 =	vadd.s32 $0x6, v1;
	v53 =	vld.idx.msk [tilespmem:v3+s1+$0x0], $0xffff  }
0x4b: {  	v14 =	vadd.s32 $0x7, v1;
	v5 =	vld.idx.msk [tilespmem:v5+s1+$0x0], $0xffff  }
0x4c: {  	v4 =	vmul.u32 $0xC, v4;
	v15 =	vadd.s32 $0x5, v1;
	v6 =	vld.idx.msk [tilespmem:v6+s1+$0x0], $0xffff  }
0x4d: {  	v16 =	vadd.s32 $0x8, v1;
	v8 =	vld.idx.msk [tilespmem:v8+s1+$0x0], $0xffff  }
0x4e: {  	v17 =	vor.u32 $0x1, v4;
	v10 =	vld.idx.msk [tilespmem:v10+s1+$0x0], $0xffff  }
0x4f: {  	v18 =	vadd.s32 $0x9, v1;
	v13 =	vld.idx.msk [tilespmem:v13+s1+$0x0], $0xffff  }
0x50: {  	v19 =	vadd.s32 $0xA, v1;
	v14 =	vld.idx.msk [tilespmem:v14+s1+$0x0], $0xffff  }
0x51: {  	v20 =	vor.u32 $0x3, v4;
	v15 =	vld.idx.msk [tilespmem:v15+s1+$0x0], $0xffff  }
0x52: {  	v21 =	vadd.s32 $0x4, v4;
	v16 =	vld.idx.msk [tilespmem:v16+s1+$0x0], $0xffff  }
0x53: {  	v2 =	vmul.u32 $0xC, v2;
	v22 =	vadd.s32 $0x6, v4;
	v17 =	vld.idx.msk [tilespmem:v17+s1+$0x0], $0xffff  }
0x54: {  	v23 =	vadd.s32 $0x7, v4;
	v18 =	vld.idx.msk [tilespmem:v18+s1+$0x0], $0xffff  }
0x55: {  	v24 =	vor.u32 $0x1, v2;
	v25 =	vor.u32 $0x3, v2;
	v26 =	vadd.s32 $0x4, v2;
	v19 =	vld.idx.msk [tilespmem:v19+s1+$0x0], $0xffff  }
0x56: {  	v27 =	vadd.s32 $0x6, v2;
	v28 =	vadd.s32 $0x7, v2;
	v29 =	vor.u32 $0x1, v3;
	v20 =	vld.idx.msk [tilespmem:v20+s1+$0x0], $0xffff  }
0x57: {  	v30 =	vor.u32 $0x3, v3;
	v31 =	vadd.s32 $0x4, v3;
	v32 =	vor.u32 $0x2, v4;
	v21 =	vld.idx.msk [tilespmem:v21+s1+$0x0], $0xffff  }
0x58: {  	v33 =	vadd.s32 $0x6, v3;
	v34 =	vadd.s32 $0x7, v3;
	v35 =	vadd.s32 $0x5, v4;
	v22 =	vld.idx.msk [tilespmem:v22+s1+$0x0], $0xffff  }
0x59: {  	v49 =	vadd.s32 $0x9, v4;
	v50 =	vadd.s32 $0x5, v3;
	v51 =	vadd.s32 $0x8, v3;
	v23 =	vld.idx.msk [tilespmem:v23+s1+$0x0], $0xffff  }
0x5a: {  	v36 =	vadd.s32 $0xA, v4;
	v24 =	vld.idx.msk [tilespmem:v24+s1+$0x0], $0xffff;
	v12 =	vmul.f32 v9, v12;
	v6 =	vmul.f32 v11, v6  }
0x5b: {  	v1 =	vadd.s32 $0xB, v1;
	v25 =	vld.idx.msk [tilespmem:v25+s1+$0x0], $0xffff;
	v5 =	vmul.f32 v7, v5;
	v8 =	vmul.f32 v9, v8  }
0x5c: {  	v41 =	vadd.s32 $0x9, v2;
	v26 =	vld.idx.msk [tilespmem:v26+s1+$0x0], $0xffff;
	v10 =	vmul.f32 v11, v10;
	v9 =	vmul.f32 v9, v13  }
0x5d: {  	v43 =	vadd.s32 $0xA, v2;
	v27 =	vld.idx.msk [tilespmem:v27+s1+$0x0], $0xffff;
	v11 =	vmul.f32 v11, v14;
	v20 =	vmul.f32 v38, v20  }
0x5e: {  	v45 =	vadd.s32 $0x9, v3;
	v32 =	vld.idx.msk [tilespmem:v32+s1+$0x0], $0xffff;
	v22 =	vmul.f32 v38, v22;
	v17 =	vmul.f32 v40, v17  }
0x5f: {  	v46 =	vadd.s32 $0xA, v3;
	v35 =	vld.idx.msk [tilespmem:v35+s1+$0x0], $0xffff;
	v21 =	vmul.f32 v40, v21;
	v23 =	vmul.f32 v40, v23  }
0x60: {  	v1 =	vld.idx.msk [tilespmem:v1+s1+$0x0], $0xffff;
	v13 =	vadd.s32 $0x8, v4;
	v25 =	vmul.f32 v42, v25;
	v24 =	vmul.f32 v44, v24  }
0x61: {  	v14 =	vld.idx.msk [tilespmem:v30+s1+$0x0], $0xffff;
	v26 =	vmul.f32 v44, v26;
	v6 =	vadd.f32 v6, v12;
	v8 =	vadd.f32 v10, v8  }
0x62: {  	v12 =	vld.idx.msk [tilespmem:v29+s1+$0x0], $0xffff;
	v10 =	vmul.f32 v7, v15;
	v9 =	vadd.f32 v11, v9;
	v7 =	vmul.f32 v7, v16  }
0x63: {  	v11 =	vor.u32 $0x2, v2;
	v20 =	vadd.f32 v21, v20;
	v21 =	vld [tilespmem:s17+$0xFFFFFFE0];
	v22 =	vadd.f32 v23, v22  }
0x64: {  	v15 =	vadd.s32 $0x5, v2;
	v5 =	vadd.f32 v5, v6;
	v6 =	vld.idx.msk [tilespmem:v31+s1+$0x0], $0xffff;
	v8 =	vadd.f32 v10, v8  }
0x65: {  	v16 =	vadd.s32 $0x8, v2;
	v25 =	vadd.f32 v26, v25;
	v10 =	vld.idx.msk [tilespmem:v33+s1+$0x0], $0xffff;
	v7 =	vadd.f32 v7, v9  }
0x66: {  	v9 =	vld.idx.msk [tilespmem:v34+s1+$0x0], $0xffff;
	v14 =	vmul.f32 v54, v14;
	v5 =	vadd.f32 v5, v18;
	v8 =	vadd.f32 v8, v19  }
0x67: {  	v13 =	vld.idx.msk [tilespmem:v13+s1+$0x0], $0xffff;
	v18 =	vor.u32 $0x2, v3;
	v1 =	vadd.f32 v7, v1;
	v12 =	vmul.f32 v55, v12  }
0x68: {  	v23 =	vld [tilespmem:s17+$0xFFFFFFF0];
	v59 =	vmul.f32 v21, v35;
	v5 =	vand.u32 $0x7FFFFFFF, v5;
	v8 =	vand.u32 $0x7FFFFFFF, v8  }
0x69: {  	v19 =	vld.idx.msk [tilespmem:v4+s1+$0x0], $0xffff;
	v1 =	vand.u32 $0x7FFFFFFF, v1;
	v52 =	vmul.f32 v5, v0;
	v37 =	vmul.f32 v8, v0  }
0x6a: {  	v7 =	vld.idx.msk [tilespmem:v2+s1+$0x0], $0xffff;
	v4 =	vadd.s32 $0xB, v4;
	v39 =	vmul.f32 v1, v0;
	v6 =	vmul.f32 v55, v6  }
0x6b: {  	v2 =	vadd.s32 $0xB, v2;
	v11 =	vld.idx.msk [tilespmem:v11+s1+$0x0], $0xffff;
	v10 =	vmul.f32 v54, v10;
	v9 =	vmul.f32 v55, v9  }
0x6c: {  	v58 =	vld.idx.msk [tilespmem:v50+s1+$0x0], $0xffff;
	v3 =	vadd.s32 $0xB, v3;
	v13 =	vmul.f32 v21, v13;
	v33 =	vfloor.f32 v52  }
0x6d: {  	v15 =	vld.idx.msk [tilespmem:v15+s1+$0x0], $0xffff;
	v20 =	vadd.f32 v59, v20;
	v37 =	vfloor.f32 v37;
	v39 =	vfloor.f32 v39  }
0x6e: {  	v16 =	vld.idx.msk [tilespmem:v16+s1+$0x0], $0xffff;
	v19 =	vmul.f32 v38, v19;
	v6 =	vadd.f32 v6, v14;
	v9 =	vadd.f32 v9, v10  }
0x6f: {  	v26 =	vld.idx.msk [tilespmem:v51+s1+$0x0], $0xffff;
	v7 =	vmul.f32 v42, v7;
	v33 =	vadd.f32 v33, v33;
	v37 =	vadd.f32 v37, v37  }
0x70: {  	v18 =	vld.idx.msk [tilespmem:v18+s1+$0x0], $0xffff;
	v39 =	vadd.f32 v39, v39;
	v11 =	vmul.f32 v23, v11;
	v13 =	vadd.f32 v13, v22  }
0x71: {  	v14 =	vld [tilespmem:s17+$0x0];
	v17 =	vadd.f32 v17, v19;
	v7 =	vadd.f32 v24, v7;
	v24 =	vmul.f32 v21, v32  }
0x72: {  	v4 =	vld.idx.msk [tilespmem:v4+s1+$0x0], $0xffff;
	v15 =	vmul.f32 v23, v15;
	v5 =	vsub.f32 v5, v33;
	v8 =	vsub.f32 v8, v37  }
0x73: {  	v10 =	vld.idx.msk [tilespmem:v49+s1+$0x0], $0xffff;
	v16 =	vmul.f32 v23, v16;
	v1 =	vsub.f32 v1, v39;
	v17 =	vadd.f32 v24, v17  }
0x74: {  	v23 =	vld.idx.msk [tilespmem:v43+s1+$0x0], $0xffff;
	v7 =	vadd.f32 v11, v7;
	v11 =	vadd.f32 v15, v25;
	vm0 =	veq.f32 v5, $2.000000000e+00  }
0x75: {  	v28 =	vld.idx.msk [tilespmem:v28+s1+$0x0], $0xffff;
	v5 =	vand.u32 $0x7FFFFFFF, v5;
	vm1 =	veq.f32 v8, $2.000000000e+00;
	v8 =	vand.u32 $0x7FFFFFFF, v8  }
0x76: {  	v19 =	vld.idx.msk [tilespmem:v36+s1+$0x0], $0xffff;
	vm2 =	veq.f32 v1, $2.000000000e+00;
	v1 =	vand.u32 $0x7FFFFFFF, v1;
	v18 =	vmul.f32 v14, v18  }
0x77: {  	v21 =	vld.idx.msk [tilespmem:v41+s1+$0x0], $0xffff;
	v22 =	vmul.f32 v14, v58;
	v14 =	vmul.f32 v14, v26;
	v4 =	vadd.f32 v13, v4  }
0x78: {  	v5 =	vsel vm0, $0x0, v5;
	v8 =	vsel vm1, $0x0, v8;
	v47 =	vsel vm2, $0x0, v1  }
0x79: {  	v1 =	vmul.f32 v42, v27;
	v10 =	vadd.f32 v17, v10;
	v11 =	vadd.f32 v11, v23  }
0x7a: {  	v3 =	vld.idx.msk [tilespmem:v3+s1+$0x0], $0xffff;
	v27 =	vmul.f32 v44, v28;
	v56 =	vsub.f32 $2.000000000e+00, v5;
	v57 =	vsub.f32 $2.000000000e+00, v8  }
0x7b: {  	vm0 =	vle.f32 v5, $1.000000000e+00;
	v6 =	vadd.f32 v22, v6;
	v9 =	vadd.f32 v14, v9  }
0x7c: {  	v14 =	vadd.f32 v20, v19;
	v7 =	vadd.f32 v7, v21;
	v4 =	vand.u32 $0x7FFFFFFF, v4  }
0x7d: {  	v2 =	vld.idx.msk [tilespmem:v2+s1+$0x0], $0xffff;
	v20 =	vsub.f32 $2.000000000e+00, v47;
	v1 =	vadd.f32 v27, v1;
	v27 =	vmul.f32 v54, v53  }
0x7e: {  	v10 =	vand.u32 $0x7FFFFFFF, v10;
	v13 =	vand.u32 $0x7FFFFFFF, v14;
	v14 =	vand.u32 $0x7FFFFFFF, v7  }
0x7f: {  	v15 =	vld.idx.msk [tilespmem:v45+s1+$0x0], $0xffff;
	v3 =	vadd.f32 v9, v3;
	v7 =	vmul.f32 v10, v0;
	v12 =	vadd.f32 v12, v27  }
0x80: {  	v16 =	vadd.f32 v16, v1;
	v1 =	vsel vm0, v5, v56;
	v5 =	vld.idx.msk [tilespmem:v46+s1+$0x0], $0xffff;
	v9 =	vmul.f32 v13, v0  }
0x81: {  	vm0 =	vle.f32 v8, $1.000000000e+00;
	v3 =	vand.u32 $0x7FFFFFFF, v3;
	v7 =	vfloor.f32 v7  }
0x82: {  	v12 =	vadd.f32 v18, v12;
	v2 =	vadd.f32 v16, v2;
	v9 =	vfloor.f32 v9  }
0x83: {  	v21 =	vmul.f32 v3, v0;
	v7 =	vadd.f32 v7, v7;
	v9 =	vadd.f32 v9, v9  }
0x84: {  	v12 =	vadd.f32 v12, v15;
	v2 =	vand.u32 $0x7FFFFFFF, v2;
	v15 =	vmul.f32 v14, v0  }
0x85: {  	v21 =	vfloor.f32 v21;
	v26 =	vsub.f32 v10, v7;
	v5 =	vadd.f32 v6, v5  }
0x86: {  	v6 =	vand.u32 $0x7FFFFFFF, v11;
	v17 =	vmul.f32 v2, v0;
	v24 =	vadd.f32 v21, v21  }
0x87: {  	v28 =	vsub.f32 v13, v9;
	v11 =	vand.u32 $0x7FFFFFFF, v12;
	v12 =	vmul.f32 v4, v0  }
0x88: {  	s19 =	simm.s32 $0x2F60;
	v15 =	vfloor.f32 v15;
	v16 =	vand.u32 $0x7FFFFFFF, v5;
	v5 =	vmul.f32 v6, v0  }
0x89: {  	v25 =	vld [tilespmem:s19+$0x0];
	v18 =	vmul.f32 v11, v0;
	v17 =	vfloor.f32 v17;
	v15 =	vadd.f32 v15, v15  }
0x8a: {  	v9 =	vld [tilespmem:s19+$0xFFFFFFE0];
	v3 =	vsub.f32 v3, v24;
	vm1 =	veq.f32 v28, $2.000000000e+00;
	v28 =	vand.u32 $0x7FFFFFFF, v28  }
0x8b: {  	v23 =	vld [tilespmem:s19+$0x10];
	v19 =	vmul.f32 v16, v0;
	v12 =	vfloor.f32 v12;
	v17 =	vadd.f32 v17, v17  }
0x8c: {  	v5 =	vfloor.f32 v5;
	v12 =	vadd.f32 v12, v12;
	v18 =	vfloor.f32 v18  }
0x8d: {  	v30 =	vsub.f32 v14, v15;
	v19 =	vfloor.f32 v19;
	v22 =	vadd.f32 v5, v5  }
0x8e: {  	v18 =	vadd.f32 v18, v18;
	v5 =	vsel vm0, v8, v57;
	vm0 =	vle.f32 v47, $1.000000000e+00  }
0x8f: {  	v33 =	vsub.f32 v2, v17;
	v2 =	vmul.u32 $0xC, v25;
	v24 =	vmul.u32 $0xC, v9  }
0x90: {  	v19 =	vadd.f32 v19, v19;
	v29 =	vsub.f32 v4, v12;
	v12 =	vmul.u32 $0xC, v23  }
0x91: {  	s9 =	simm.s32 $0xEF60;
	v7 =	vsel vm0, v47, v20;
	vm0 =	veq.f32 v26, $2.000000000e+00;
	vm3 =	veq.f32 v30, $2.000000000e+00  }
0x92: {  	v14 =	vld [tilespmem:s9+$0x10];
	v22 =	vsub.f32 v6, v22;
	v10 =	vsub.f32 v11, v18;
	v37 =	vadd.s32 $0x4, v24  }
0x93: {  	s10 =	simm.s32 $0x6F60;
	v8 =	vld [tilespmem:s19+$0xFFFFFFF0];
	v6 =	vand.u32 $0x7FFFFFFF, v26;
	v18 =	vor.u32 $0x3, v24;
	v38 =	vadd.s32 $0x6, v24  }
0x94: {  	s11 =	simm.s32 $0xAF60;
	v15 =	vld [tilespmem:s10+$0x10];
	v39 =	vadd.s32 $0x7, v24;
	v43 =	vor.u32 $0x1, v2;
	v45 =	vor.u32 $0x3, v2  }
0x95: {  	v17 =	vld [tilespmem:s11+$0x10];
	v46 =	vadd.s32 $0x4, v2;
	v31 =	vor.u32 $0x2, v24;
	v9 =	vor.u32 $0x1, v12  }
0x96: {  	v49 =	vadd.s32 $0x6, v2;
	v4 =	vsub.f32 v16, v19;
	v11 =	vor.u32 $0x3, v12;
	v19 =	vld.idx.msk [tilespmem:v12+s1+$0x0], $0xffff  }
0x97: {  	v50 =	vadd.s32 $0x7, v2;
	v32 =	vadd.s32 $0x5, v24;
	v13 =	vadd.s32 $0x4, v12;
	v37 =	vld.idx.msk [tilespmem:v37+s1+$0x0], $0xffff  }
0x98: {  	v27 =	vadd.s32 $0x8, v24;
	v21 =	vmul.u32 $0xC, v8;
	v8 =	vor.u32 $0x2, v12;
	v38 =	vld.idx.msk [tilespmem:v38+s1+$0x0], $0xffff  }
0x99: {  	vm5 =	veq.f32 v33, $2.000000000e+00;
	v16 =	vor.u32 $0x1, v24;
	v20 =	vadd.s32 $0x6, v12;
	v39 =	vld.idx.msk [tilespmem:v39+s1+$0x0], $0xffff  }
0x9a: {  	v48 =	vadd.s32 $0x8, v12;
	v52 =	vadd.s32 $0x9, v12;
	v54 =	vadd.s32 $0xA, v12;
	v61 =	vld.idx.msk [tilespmem:v9+s1+$0x0], $0xffff  }
0x9b: {  	v56 =	vadd.s32 $0xB, v12;
	vm2 =	veq.f32 v29, $2.000000000e+00;
	v9 =	vadd.s32 $0x5, v12;
	v62 =	vld.idx.msk [tilespmem:v11+s1+$0x0], $0xffff  }
0x9c: {  	v29 =	vand.u32 $0x7FFFFFFF, v29;
	vm4 =	veq.f32 v22, $2.000000000e+00;
	vm6 =	veq.f32 v10, $2.000000000e+00;
	v13 =	vld.idx.msk [tilespmem:v13+s1+$0x0], $0xffff  }
0x9d: {  	vm12 =	veq.f32 v4, $2.000000000e+00;
	v4 =	vand.u32 $0x7FFFFFFF, v4;
	v60 =	vld.idx.msk [tilespmem:v8+s1+$0x0], $0xffff;
	v8 =	vadd.s32 $0x7, v12  }
0x9e: {  	v10 =	vand.u32 $0x7FFFFFFF, v10;
	v4 =	vsel vm12, $0x0, v4;
	v34 =	vor.u32 $0x1, v21;
	v51 =	vld.idx.msk [tilespmem:v20+s1+$0x0], $0xffff  }
0x9f: {  	v35 =	vor.u32 $0x3, v21;
	v36 =	vadd.s32 $0x4, v21;
	v40 =	vadd.s32 $0x6, v21;
	v48 =	vld.idx.msk [tilespmem:v48+s1+$0x0], $0xffff  }
0xa0: {  	v42 =	vadd.s32 $0x7, v21;
	v26 =	vor.u32 $0x2, v21;
	v25 =	vadd.s32 $0x5, v21;
	v55 =	vld.idx.msk [tilespmem:v9+s1+$0x0], $0xffff  }
0xa1: {  	v23 =	vadd.s32 $0x8, v21;
	v52 =	vld.idx.msk [tilespmem:v52+s1+$0x0], $0xffff;
	v19 =	vmul.f32 v15, v19;
	v44 =	vmul.f32 v17, v61  }
0xa2: {  	v11 =	vor.u32 $0x2, v2;
	v20 =	vadd.s32 $0x5, v2;
	v47 =	vmul.f32 v15, v62;
	v53 =	vld.idx.msk [tilespmem:v8+s1+$0x0], $0xffff  }
0xa3: {  	v45 =	vld.idx.msk [tilespmem:v45+s1+$0x0], $0xffff;
	v57 =	vmul.f32 v17, v13;
	v41 =	vmul.f32 v14, v60;
	v44 =	vadd.f32 v44, v19  }
0xa4: {  	v54 =	vld.idx.msk [tilespmem:v54+s1+$0x0], $0xffff;
	v12 =	vadd.s32 $0xA, v24;
	v9 =	vadd.s32 $0x8, v2;
	v13 =	vadd.s32 $0xB, v24  }
0xa5: {  	v63 =	vld.idx.msk [tilespmem:v56+s1+$0x0], $0xffff;
	v47 =	vadd.f32 v57, v47;
	v41 =	vadd.f32 v41, v44;
	v58 =	vmul.f32 v14, v55  }
0xa6: {  	v15 =	vmul.f32 v15, v51;
	v8 =	vadd.s32 $0x9, v24;
	v55 =	vld.idx.msk [tilespmem:v16+s1+$0x0], $0xffff;
	v14 =	vmul.f32 v14, v48  }
0xa7: {  	v48 =	vld.idx.msk [tilespmem:v18+s1+$0x0], $0xffff;
	v41 =	vadd.f32 v41, v52;
	v17 =	vmul.f32 v17, v53;
	v59 =	vadd.f32 v58, v47  }
0xa8: {  	v19 =	vadd.s32 $0x9, v21;
	v18 =	vadd.s32 $0xB, v21;
	v16 =	vadd.s32 $0x9, v2;
	v52 =	vld [tilespmem:s10+$0xFFFFFFE0]  }
0xa9: {  	v31 =	vld.idx.msk [tilespmem:v31+s1+$0x0], $0xffff;
	v41 =	vand.u32 $0x7FFFFFFF, v41;
	v15 =	vadd.f32 v17, v15;
	v44 =	vadd.f32 v59, v54  }
0xaa: {  	v32 =	vld.idx.msk [tilespmem:v32+s1+$0x0], $0xffff;
	v53 =	vand.u32 $0x7FFFFFFF, v22;
	v17 =	vadd.s32 $0xA, v21;
	v61 =	vmul.f32 v41, v0  }
0xab: {  	v27 =	vld.idx.msk [tilespmem:v27+s1+$0x0], $0xffff;
	v54 =	vand.u32 $0x7FFFFFFF, v30;
	v60 =	vadd.f32 v14, v15;
	v44 =	vand.u32 $0x7FFFFFFF, v44  }
0xac: {  	v34 =	vld.idx.msk [tilespmem:v34+s1+$0x0], $0xffff;
	v14 =	vadd.s32 $0xA, v2;
	v56 =	vfloor.f32 v61;
	v62 =	vmul.f32 v44, v0  }
0xad: {  	v48 =	vmul.f32 v52, v48;
	v30 =	vadd.f32 v56, v56;
	v56 =	vld [tilespmem:s9+$0xFFFFFFE0];
	v47 =	vadd.f32 v60, v63  }
0xae: {  	v35 =	vld.idx.msk [tilespmem:v35+s1+$0x0], $0xffff;
	v15 =	vadd.s32 $0xB, v2;
	v38 =	vmul.f32 v52, v38;
	v57 =	vfloor.f32 v62  }
0xaf: {  	v36 =	vld.idx.msk [tilespmem:v36+s1+$0x0], $0xffff;
	v30 =	vsub.f32 v41, v30;
	v47 =	vand.u32 $0x7FFFFFFF, v47;
	v51 =	vadd.f32 v57, v57  }
0xb0: {  	v42 =	vld.idx.msk [tilespmem:v42+s1+$0x0], $0xffff;
	v57 =	vsel vm0, $0x0, v6;
	vm0 =	veq.f32 v3, $2.000000000e+00;
	v63 =	vmul.f32 v47, v0  }
0xb1: {  	v41 =	vld.idx.msk [tilespmem:v24+s1+$0x0], $0xffff;
	vm7 =	veq.f32 v30, $2.000000000e+00;
	v30 =	vand.u32 $0x7FFFFFFF, v30;
	vm13 =	vle.f32 v57, $1.000000000e+00  }
0xb2: {  	v59 =	vsub.f32 v44, v51;
	v44 =	vld.idx.msk [tilespmem:v46+s1+$0x0], $0xffff;
	v46 =	vand.u32 $0x7FFFFFFF, v33;
	v31 =	vmul.f32 v56, v31  }
0xb3: {  	v6 =	vld [tilespmem:s11+$0xFFFFFFF0];
	v30 =	vsel vm7, $0x0, v30;
	v32 =	vmul.f32 v56, v32;
	v27 =	vmul.f32 v56, v27  }
0xb4: {  	v51 =	vld [tilespmem:s10+$0xFFFFFFF0];
	v58 =	vfloor.f32 v63;
	v24 =	vsub.f32 $2.000000000e+00, v30;
	vm15 =	vle.f32 v30, $1.000000000e+00  }
0xb5: {  	v63 =	vld [tilespmem:s11+$0xFFFFFFE0];
	v22 =	vadd.f32 v58, v58;
	vm8 =	veq.f32 v59, $2.000000000e+00;
	v60 =	vand.u32 $0x7FFFFFFF, v59  }
0xb6: {  	v58 =	vand.u32 $0x7FFFFFFF, v3;
	v59 =	vld [tilespmem:s10+$0x0];
	v3 =	vsel vm6, $0x0, v10;
	v41 =	vmul.f32 v52, v41  }
0xb7: {  	v24 =	vsel vm15, v30, v24;
	v30 =	vsel vm2, $0x0, v29;
	v29 =	vsel vm4, $0x0, v53;
	v53 =	vld.idx.msk [tilespmem:v2+s1+$0x0], $0xffff  }
0xb8: {  	v33 =	vsel vm8, $0x0, v60;
	v10 =	vmul.f32 v6, v34;
	v22 =	vsub.f32 v47, v22;
	v47 =	vld.idx.msk [tilespmem:v49+s1+$0x0], $0xffff  }
0xb9: {  	v2 =	vsel vm5, $0x0, v46;
	v60 =	vmul.f32 v6, v36;
	v6 =	vmul.f32 v6, v42;
	v49 =	vld.idx.msk [tilespmem:v50+s1+$0x0], $0xffff  }
0xba: {  	v46 =	vsub.f32 $2.000000000e+00, v57;
	vm2 =	vle.f32 v3, $1.000000000e+00;
	v50 =	vld.idx.msk [tilespmem:v21+s1+$0x0], $0xffff;
	v21 =	vsub.f32 $2.000000000e+00, v33  }
0xbb: {  	v43 =	vld.idx.msk [tilespmem:v43+s1+$0x0], $0xffff;
	vm10 =	vle.f32 v33, $1.000000000e+00;
	vm4 =	vle.f32 v30, $1.000000000e+00;
	vm15 =	vle.f32 v29, $1.000000000e+00  }
0xbc: {  	v40 =	vld.idx.msk [tilespmem:v40+s1+$0x0], $0xffff;
	v35 =	vmul.f32 v51, v35;
	vm14 =	veq.f32 v22, $2.000000000e+00;
	v55 =	vmul.f32 v63, v55  }
0xbd: {  	v26 =	vld.idx.msk [tilespmem:v26+s1+$0x0], $0xffff;
	v22 =	vand.u32 $0x7FFFFFFF, v22;
	v37 =	vmul.f32 v63, v37;
	v39 =	vmul.f32 v63, v39  }
0xbe: {  	v25 =	vld.idx.msk [tilespmem:v25+s1+$0x0], $0xffff;
	v61 =	vsel vm14, $0x0, v22;
	v22 =	vsel vm10, v33, v21;
	v33 =	vsel vm1, $0x0, v28  }
0xbf: {  	v28 =	vsel vm3, $0x0, v54;
	v54 =	vld [tilespmem:s11+$0x0];
	v34 =	vadd.f32 v60, v35;
	v63 =	vmul.f32 v59, v45  }
0xc0: {  	v60 =	vld.idx.msk [tilespmem:v9+s1+$0x0], $0xffff;
	v9 =	vsub.f32 $2.000000000e+00, v4;
	vm3 =	vle.f32 v4, $1.000000000e+00;
	v62 =	vsub.f32 $2.000000000e+00, v61  }
0xc1: {  	v23 =	vld.idx.msk [tilespmem:v23+s1+$0x0], $0xffff;
	vm11 =	vle.f32 v61, $1.000000000e+00;
	v37 =	vadd.f32 v37, v48;
	v41 =	vadd.f32 v55, v41  }
0xc2: {  	v13 =	vld.idx.msk [tilespmem:v13+s1+$0x0], $0xffff;
	v36 =	vadd.f32 v39, v38;
	v48 =	vmul.f32 v59, v47;
	v47 =	vsub.f32 $2.000000000e+00, v33  }
0xc3: {  	v20 =	vld.idx.msk [tilespmem:v20+s1+$0x0], $0xffff;
	v21 =	vsel vm11, v61, v62;
	v61 =	vmul.f32 v51, v40;
	v31 =	vadd.f32 v31, v41  }
0xc4: {  	v12 =	vld.idx.msk [tilespmem:v12+s1+$0x0], $0xffff;
	vm14 =	vle.f32 v33, $1.000000000e+00;
	v32 =	vadd.f32 v32, v37;
	v27 =	vadd.f32 v27, v36  }
0xc5: {  	v62 =	vmul.f32 v54, v43;
	v38 =	vadd.f32 v6, v61;
	v6 =	vmul.f32 v54, v44;
	v43 =	vld.idx.msk [tilespmem:v11+s1+$0x0], $0xffff  }
0xc6: {  	v52 =	vmul.f32 v54, v49;
	v54 =	vmul.f32 v59, v53;
	v59 =	vld [tilespmem:s9+$0xFFFFFFF0];
	v49 =	vsub.f32 $2.000000000e+00, v30  }
0xc7: {  	v11 =	vmul.f32 v51, v50;
	v50 =	vsub.f32 $2.000000000e+00, v28;
	v61 =	vld [tilespmem:s9+$0x0];
	v13 =	vadd.f32 v27, v13  }
0xc8: {  	v19 =	vld.idx.msk [tilespmem:v19+s1+$0x0], $0xffff;
	vm5 =	vle.f32 v28, $1.000000000e+00;
	v39 =	vadd.f32 v6, v63;
	v40 =	vadd.f32 v52, v48  }
0xc9: {  	v18 =	vld.idx.msk [tilespmem:v18+s1+$0x0], $0xffff;
	v6 =	vsel vm0, $0x0, v58;
	v58 =	vadd.f32 v10, v11;
	v35 =	vadd.f32 v62, v54  }
0xca: {  	v16 =	vld.idx.msk [tilespmem:v16+s1+$0x0], $0xffff;
	v27 =	vsel vm13, v57, v46;
	v62 =	vsub.f32 $2.000000000e+00, v29;
	v11 =	vsub.f32 $2.000000000e+00, v2  }
0xcb: {  	v63 =	vld.idx.msk [tilespmem:v8+s1+$0x0], $0xffff;
	v10 =	vsub.f32 $2.000000000e+00, v3;
	v26 =	vmul.f32 v59, v26;
	v25 =	vmul.f32 v59, v25  }
0xcc: {  	v17 =	vld.idx.msk [tilespmem:v17+s1+$0x0], $0xffff;
	v8 =	vsub.f32 $2.000000000e+00, v6;
	v23 =	vmul.f32 v59, v23;
	v55 =	vmul.f32 v61, v43  }
0xcd: {  	v20 =	vmul.f32 v61, v20;
	v59 =	vld.idx.msk [tilespmem:v15+s1+$0x0], $0xffff;
	v15 =	vadd.f32 v32, v12;
	v26 =	vadd.f32 v26, v58  }
0xce: {  	v56 =	vmul.f32 v61, v60;
	v25 =	vadd.f32 v25, v34;
	v23 =	vadd.f32 v23, v38  }
0xcf: {  	vm0 =	vle.f32 v2, $1.000000000e+00;
	v35 =	vadd.f32 v55, v35;
	v20 =	vadd.f32 v20, v39  }
0xd0: {  	v30 =	vsel vm4, v30, v49;
	v58 =	vld.idx.msk [tilespmem:v14+s1+$0x0], $0xffff;
	v14 =	vadd.f32 v31, v63;
	v60 =	vadd.f32 v56, v40  }
0xd1: {  	v28 =	vsel vm5, v28, v50;
	v19 =	vadd.f32 v26, v19;
	v17 =	vadd.f32 v25, v17  }
0xd2: {  	s16 =	simm.s32 $0x12F20;
	v12 =	vand.u32 $0x7FFFFFFF, v14;
	v18 =	vadd.f32 v23, v18;
	v23 =	vadd.f32 v35, v16  }
0xd3: {  	s17 =	simm.s32 $0x16F20;
	[tilespmem:s16+$0x10] =	vst v1;
	v14 =	vand.u32 $0x7FFFFFFF, v15;
	v15 =	vand.u32 $0x7FFFFFFF, v13;
	v16 =	vand.u32 $0x7FFFFFFF, v19  }
0xd4: {  	[tilespmem:s17+$0x10] =	vst v5;
	v1 =	vand.u32 $0x7FFFFFFF, v17;
	v13 =	vand.u32 $0x7FFFFFFF, v18;
	v5 =	vand.u32 $0x7FFFFFFF, v23  }
0xd5: {  	s12 =	simm.s32 $0x12F60;
	v23 =	vmul.f32 v15, v0;
	v19 =	vadd.f32 v20, v58;
	v20 =	vmul.f32 v12, v0  }
0xd6: {  	s13 =	simm.s32 $0x16F60;
	[tilespmem:s12+$0x10] =	vst v24;
	v18 =	vadd.f32 v60, v59;
	v24 =	vmul.f32 v16, v0;
	v25 =	vmul.f32 v1, v0  }
0xd7: {  	s15 =	simm.s32 $0x1AF20;
	[tilespmem:s13+$0x10] =	vst v22;
	vm1 =	vle.f32 v6, $1.000000000e+00;
	v22 =	vmul.f32 v13, v0;
	v26 =	vmul.f32 v5, v0  }
0xd8: {  	[tilespmem:s15+$0x10] =	vst v7;
	v7 =	vand.u32 $0x7FFFFFFF, v18;
	v17 =	vand.u32 $0x7FFFFFFF, v19;
	v19 =	vmul.f32 v14, v0  }
0xd9: {  	s14 =	simm.s32 $0x1AF60;
	[tilespmem:s16+$0xFFFFFFE0] =	vst v27;
	v27 =	vsel vm15, v29, v62;
	v61 =	vmul.f32 v7, v0;
	v20 =	vfloor.f32 v20  }
0xda: {  	[tilespmem:s14+$0x10] =	vst v21;
	v18 =	vsel vm14, v33, v47;
	v62 =	vfloor.f32 v24;
	v63 =	vfloor.f32 v25  }
0xdb: {  	[tilespmem:s17+$0xFFFFFFE0] =	vst v18;
	v25 =	vfloor.f32 v26;
	v21 =	vmul.f32 v17, v0;
	v18 =	vadd.f32 v20, v20  }
0xdc: {  	[tilespmem:s16+$0xFFFFFFF0] =	vst v28;
	v20 =	vfloor.f32 v23;
	v23 =	vfloor.f32 v22;
	v22 =	vadd.f32 v62, v62  }
0xdd: {  	[tilespmem:s17+$0xFFFFFFF0] =	vst v27;
	v19 =	vfloor.f32 v19;
	v20 =	vadd.f32 v20, v20;
	v26 =	vfloor.f32 v61  }
0xde: {  	s18 =	simm.s32 $0x4;
	s19 =	simm.s32 $0x2FA0;
	[tilespmem:s15+$0xFFFFFFE0] =	vst v30;
	v19 =	vadd.f32 v19, v19;
	v24 =	vfloor.f32 v21;
	v21 =	vadd.f32 v63, v63  }
.LBB2_2:
0xdf: {  	v28 =	vld [tilespmem:s19+$0x10];
	v23 =	vadd.f32 v23, v23;
	v32 =	vadd.f32 v25, v25;
	v2 =	vsel vm0, v2, v11  }
0xe0: {  	v33 =	vadd.f32 v24, v24;
	v26 =	vadd.f32 v26, v26;
	v11 =	vld [tilespmem:s19+$0xFFFFFFF0];
	[tilespmem:s15+$0xFFFFFFF0] =	vst v2;
	v2 =	vsel vm2, v3, v10  }
0xe1: {  	v31 =	vsub.f32 v14, v19;
	v3 =	vsub.f32 v12, v18;
	v10 =	vld [tilespmem:s19+$0x0];
	[tilespmem:s16+$0x0] =	vst v2;
	v2 =	vsel vm3, v4, v9;
	s16 =	smov.u32 s12  }
0xe2: {  	v30 =	vsub.f32 v15, v20;
	v29 =	vsub.f32 v16, v22;
	v4 =	vld [tilespmem:s19+$0xFFFFFFE0];
	[tilespmem:s17+$0x0] =	vst v2;
	v2 =	vsel vm1, v6, v8;
	s17 =	smov.u32 s13  }
0xe3: {  	v27 =	vsub.f32 v1, v21;
	v25 =	vsub.f32 v13, v23;
	vm0 =	veq.f32 v3, $2.000000000e+00;
	[tilespmem:s15+$0x0] =	vst v2;
	s15 =	smov.u32 s14  }
0xe4: {  	v24 =	vsub.f32 v5, v32;
	v23 =	vsub.f32 v17, v33;
	v1 =	vmul.u32 $0xC, v28  }
0xe5: {  	s18 =	sadd.s32 $0x4, s18;
	v2 =	vand.u32 $0x7FFFFFFF, v3;
	v3 =	vsub.f32 v7, v26;
	v19 =	vmul.u32 $0xC, v11  }
0xe6: {  	s9 =	sadd.s32 $0x40, s9;
	p0 =	slt.u32 s18, $0x1FC;
	vm1 =	veq.f32 v31, $2.000000000e+00;
	v20 =	vmul.u32 $0xC, v10;
	v5 =	vor.u32 $0x2, v1  }
0xe7: {  	s10 =	sadd.s32 $0x40, s10;
	v26 =	vmul.u32 $0xC, v4;
	v32 =	vor.u32 $0x1, v19;
	v4 =	vor.u32 $0x1, v1;
	v13 =	vld [tilespmem:s9+$0x10]  }
0xe8: {  	s11 =	sadd.s32 $0x40, s11;
	v6 =	vor.u32 $0x3, v1;
	v33 =	vor.u32 $0x3, v19;
	v34 =	vadd.s32 $0x4, v19;
	v12 =	vld [tilespmem:s10+$0x10]  }
0xe9: {  	v8 =	vadd.s32 $0x4, v1;
	v7 =	vor.u32 $0x1, v26;
	v14 =	vor.u32 $0x3, v26;
	v35 =	vld [tilespmem:s11+$0x10]  }
0xea: {  	v9 =	vadd.s32 $0x6, v1;
	v36 =	vadd.s32 $0x4, v26;
	v37 =	vadd.s32 $0x6, v26;
	v38 =	vld.idx.msk [tilespmem:v1+s1+$0x0], $0xffff  }
0xeb: {  	v10 =	vadd.s32 $0x7, v1;
	v40 =	vadd.s32 $0x6, v19;
	v39 =	vadd.s32 $0x7, v26;
	v5 =	vld.idx.msk [tilespmem:v5+s1+$0x0], $0xffff  }
0xec: {  	v11 =	vadd.s32 $0x5, v1;
	v41 =	vadd.s32 $0x7, v19;
	v42 =	vor.u32 $0x1, v20;
	v43 =	vld.idx.msk [tilespmem:v4+s1+$0x0], $0xffff  }
0xed: {  	v28 =	vadd.s32 $0x8, v1;
	v44 =	vor.u32 $0x3, v20;
	v45 =	vadd.s32 $0x4, v20;
	v46 =	vld.idx.msk [tilespmem:v6+s1+$0x0], $0xffff  }
0xee: {  	v47 =	vadd.s32 $0x6, v20;
	v48 =	vadd.s32 $0x7, v20;
	v21 =	vor.u32 $0x2, v26;
	v49 =	vld.idx.msk [tilespmem:v8+s1+$0x0], $0xffff  }
0xef: {  	v51 =	vadd.s32 $0x9, v1;
	v22 =	vadd.s32 $0x5, v26;
	v18 =	vadd.s32 $0x8, v26;
	v50 =	vld.idx.msk [tilespmem:v9+s1+$0x0], $0xffff  }
0xf0: {  	v53 =	vadd.s32 $0xA, v1;
	v17 =	vor.u32 $0x2, v19;
	v16 =	vadd.s32 $0x5, v19;
	v52 =	vld.idx.msk [tilespmem:v10+s1+$0x0], $0xffff  }
0xf1: {  	v55 =	vadd.s32 $0xB, v1;
	v15 =	vadd.s32 $0x8, v19;
	v4 =	vor.u32 $0x2, v20;
	v54 =	vld.idx.msk [tilespmem:v11+s1+$0x0], $0xffff  }
0xf2: {  	v6 =	vadd.s32 $0x8, v20;
	v9 =	vadd.s32 $0x9, v26;
	v11 =	vadd.s32 $0x5, v20;
	v56 =	vld.idx.msk [tilespmem:v28+s1+$0x0], $0xffff  }
0xf3: {  	v8 =	vadd.s32 $0xB, v26;
	v38 =	vmul.f32 v12, v38;
	v10 =	vadd.s32 $0xA, v26;
	v28 =	vld.idx.msk [tilespmem:v7+s1+$0x0], $0xffff  }
0xf4: {  	v1 =	vadd.s32 $0x9, v19;
	v57 =	vmul.f32 v13, v5;
	v43 =	vmul.f32 v35, v43;
	v51 =	vld.idx.msk [tilespmem:v51+s1+$0x0], $0xffff  }
0xf5: {  	v5 =	vadd.s32 $0xA, v19;
	v46 =	vmul.f32 v12, v46;
	v49 =	vmul.f32 v35, v49;
	v53 =	vld.idx.msk [tilespmem:v53+s1+$0x0], $0xffff  }
0xf6: {  	v7 =	vadd.s32 $0xB, v19;
	v50 =	vmul.f32 v12, v50;
	v35 =	vmul.f32 v35, v52;
	v55 =	vld.idx.msk [tilespmem:v55+s1+$0x0], $0xffff  }
0xf7: {  	v52 =	vld.idx.msk [tilespmem:v14+s1+$0x0], $0xffff;
	v14 =	vadd.f32 v43, v38;
	v38 =	vadd.f32 v49, v46;
	v43 =	vmul.f32 v13, v54  }
0xf8: {  	v12 =	vadd.s32 $0x9, v20;
	v35 =	vadd.f32 v35, v50;
	v46 =	vmul.f32 v13, v56;
	v36 =	vld.idx.msk [tilespmem:v36+s1+$0x0], $0xffff  }
0xf9: {  	v13 =	vadd.s32 $0xA, v20;
	v37 =	vld.idx.msk [tilespmem:v37+s1+$0x0], $0xffff;
	v49 =	vadd.f32 v57, v14;
	v38 =	vadd.f32 v43, v38  }
0xfa: {  	v31 =	vand.u32 $0x7FFFFFFF, v31;
	v14 =	vadd.s32 $0xB, v20;
	v35 =	vadd.f32 v46, v35;
	v39 =	vld.idx.msk [tilespmem:v39+s1+$0x0], $0xffff  }
0xfb: {  	vm2 =	veq.f32 v30, $2.000000000e+00;
	v32 =	vld.idx.msk [tilespmem:v32+s1+$0x0], $0xffff;
	v43 =	vadd.f32 v49, v51;
	v38 =	vadd.f32 v38, v53  }
0xfc: {  	v30 =	vand.u32 $0x7FFFFFFF, v30;
	vm4 =	veq.f32 v29, $2.000000000e+00;
	v35 =	vadd.f32 v35, v55;
	v33 =	vld.idx.msk [tilespmem:v33+s1+$0x0], $0xffff  }
0xfd: {  	v29 =	vand.u32 $0x7FFFFFFF, v29;
	v34 =	vld.idx.msk [tilespmem:v34+s1+$0x0], $0xffff;
	v43 =	vand.u32 $0x7FFFFFFF, v43;
	v38 =	vand.u32 $0x7FFFFFFF, v38  }
0xfe: {  	v35 =	vand.u32 $0x7FFFFFFF, v35;
	v40 =	vld.idx.msk [tilespmem:v40+s1+$0x0], $0xffff;
	v46 =	vmul.f32 v43, v0;
	v49 =	vmul.f32 v38, v0  }
0xff: {  	vm5 =	veq.f32 v27, $2.000000000e+00;
	v27 =	vand.u32 $0x7FFFFFFF, v27;
	v50 =	vmul.f32 v35, v0;
	v41 =	vld.idx.msk [tilespmem:v41+s1+$0x0], $0xffff  }
0x100: {  	vm6 =	veq.f32 v25, $2.000000000e+00;
	v42 =	vld.idx.msk [tilespmem:v42+s1+$0x0], $0xffff;
	v46 =	vfloor.f32 v46;
	v49 =	vfloor.f32 v49  }
0x101: {  	v50 =	vfloor.f32 v50;
	v44 =	vld.idx.msk [tilespmem:v44+s1+$0x0], $0xffff;
	v46 =	vadd.f32 v46, v46;
	v49 =	vadd.f32 v49, v49  }
0x102: {  	v25 =	vand.u32 $0x7FFFFFFF, v25;
	vm7 =	veq.f32 v24, $2.000000000e+00;
	v50 =	vadd.f32 v50, v50;
	v45 =	vld.idx.msk [tilespmem:v45+s1+$0x0], $0xffff  }
0x103: {  	v47 =	vld.idx.msk [tilespmem:v47+s1+$0x0], $0xffff;
	v43 =	vsub.f32 v43, v46;
	v38 =	vsub.f32 v38, v49;
	v46 =	vand.u32 $0x7FFFFFFF, v24  }
0x104: {  	vm3 =	veq.f32 v23, $2.000000000e+00;
	v24 =	vsub.f32 v35, v50;
	v35 =	vand.u32 $0x7FFFFFFF, v23;
	v48 =	vld.idx.msk [tilespmem:v48+s1+$0x0], $0xffff  }
0x105: {  	v26 =	vld.idx.msk [tilespmem:v26+s1+$0x0], $0xffff;
	vm8 =	veq.f32 v43, $2.000000000e+00;
	v23 =	vand.u32 $0x7FFFFFFF, v43;
	vm9 =	veq.f32 v38, $2.000000000e+00  }
0x106: {  	v43 =	vld.idx.msk [tilespmem:v19+s1+$0x0], $0xffff;
	v19 =	vsel vm8, $0x0, v23;
	v23 =	vand.u32 $0x7FFFFFFF, v38;
	vm8 =	veq.f32 v24, $2.000000000e+00  }
0x107: {  	v24 =	vand.u32 $0x7FFFFFFF, v24;
	v38 =	vld.idx.msk [tilespmem:v20+s1+$0x0], $0xffff;
	v20 =	vsub.f32 $2.000000000e+00, v19;
	v23 =	vsel vm9, $0x0, v23  }
0x108: {  	vm9 =	vle.f32 v19, $1.000000000e+00;
	v24 =	vsel vm8, $0x0, v24;
	v49 =	vld [tilespmem:s10+$0xFFFFFFE0];
	v50 =	vsub.f32 $2.000000000e+00, v23  }
0x109: {  	s12 =	sadd.s32 $0x40, s12;
	vm8 =	vle.f32 v23, $1.000000000e+00;
	v51 =	vld [tilespmem:s11+$0xFFFFFFE0];
	v19 =	vsel vm9, v19, v20;
	v20 =	vsub.f32 $2.000000000e+00, v24  }
0x10a: {  	s13 =	sadd.s32 $0x40, s13;
	vm9 =	vle.f32 v24, $1.000000000e+00;
	v53 =	vld [tilespmem:s10+$0xFFFFFFF0];
	[tilespmem:s12+$0x10] =	vst v19;
	v19 =	vsel vm8, v23, v50;
	vm8 =	veq.f32 v3, $2.000000000e+00  }
0x10b: {  	s14 =	sadd.s32 $0x40, s14;
	v54 =	vsel vm0, $0x0, v2;
	v55 =	vand.u32 $0x7FFFFFFF, v3;
	v50 =	vld [tilespmem:s11+$0xFFFFFFF0];
	[tilespmem:s13+$0x10] =	vst v19;
	v19 =	vsel vm9, v24, v20  }
0x10c: {  	v23 =	vsel vm2, $0x0, v30;
	v24 =	vsel vm1, $0x0, v31;
	v56 =	vld [tilespmem:s10+$0x0];
	[tilespmem:s14+$0x10] =	vst v19;
	v19 =	vsel vm4, $0x0, v29  }
0x10d: {  	v20 =	vsel vm5, $0x0, v27;
	v29 =	vmul.f32 v49, v52;
	v30 =	vmul.f32 v49, v37;
	v31 =	vld [tilespmem:s11+$0x0]  }
0x10e: {  	v2 =	vsel vm6, $0x0, v25;
	v21 =	vld.idx.msk [tilespmem:v21+s1+$0x0], $0xffff;
	v27 =	vmul.f32 v51, v28;
	v28 =	vmul.f32 v51, v36  }
0x10f: {  	v3 =	vsel vm7, $0x0, v46;
	v25 =	vmul.f32 v51, v39;
	v22 =	vld.idx.msk [tilespmem:v22+s1+$0x0], $0xffff;
	v33 =	vmul.f32 v53, v33  }
0x110: {  	v18 =	vld.idx.msk [tilespmem:v18+s1+$0x0], $0xffff;
	v28 =	vadd.f32 v28, v29;
	v29 =	vmul.f32 v50, v32;
	v32 =	vmul.f32 v50, v34  }
0x111: {  	v25 =	vadd.f32 v25, v30;
	v30 =	vmul.f32 v53, v40;
	v34 =	vmul.f32 v50, v41;
	v17 =	vld.idx.msk [tilespmem:v17+s1+$0x0], $0xffff  }
0x112: {  	v36 =	vmul.f32 v56, v44;
	v16 =	vld.idx.msk [tilespmem:v16+s1+$0x0], $0xffff;
	v32 =	vadd.f32 v32, v33;
	v33 =	vmul.f32 v31, v42  }
0x113: {  	v37 =	vmul.f32 v56, v47;
	v30 =	vadd.f32 v34, v30;
	v34 =	vmul.f32 v31, v45;
	v15 =	vld.idx.msk [tilespmem:v15+s1+$0x0], $0xffff  }
0x114: {  	v26 =	vmul.f32 v49, v26;
	v31 =	vmul.f32 v31, v48;
	v39 =	vld.idx.msk [tilespmem:v4+s1+$0x0], $0xffff;
	v4 =	vsel vm3, $0x0, v35  }
0x115: {  	v35 =	vmul.f32 v53, v43;
	v34 =	vadd.f32 v34, v36;
	v40 =	vld.idx.msk [tilespmem:v11+s1+$0x0], $0xffff;
	v11 =	vmul.f32 v56, v38  }
0x116: {  	v26 =	vadd.f32 v27, v26;
	v31 =	vadd.f32 v31, v37;
	v27 =	vld.idx.msk [tilespmem:v6+s1+$0x0], $0xffff;
	v6 =	vsel vm8, $0x0, v55  }
0x117: {  	v29 =	vadd.f32 v29, v35;
	vm8 =	vle.f32 v54, $1.000000000e+00;
	v36 =	vld [tilespmem:s9+$0xFFFFFFE0];
	v33 =	vadd.f32 v33, v11  }
0x118: {  	vm7 =	vle.f32 v24, $1.000000000e+00;
	v37 =	vsub.f32 $2.000000000e+00, v54;
	v38 =	vsub.f32 $2.000000000e+00, v24;
	v35 =	vld [tilespmem:s9+$0xFFFFFFF0]  }
0x119: {  	vm4 =	vle.f32 v23, $1.000000000e+00;
	v42 =	vsub.f32 $2.000000000e+00, v23;
	v43 =	vsub.f32 $2.000000000e+00, v19;
	v41 =	vld [tilespmem:s9+$0x0]  }
0x11a: {  	vm5 =	vle.f32 v19, $1.000000000e+00;
	v45 =	vsub.f32 $2.000000000e+00, v20;
	v11 =	vsub.f32 $2.000000000e+00, v2;
	v44 =	vld.idx.msk [tilespmem:v9+s1+$0x0], $0xffff  }
0x11b: {  	vm6 =	vle.f32 v20, $1.000000000e+00;
	v9 =	vsub.f32 $2.000000000e+00, v4;
	v46 =	vld.idx.msk [tilespmem:v10+s1+$0x0], $0xffff;
	v10 =	vsub.f32 $2.000000000e+00, v3  }
0x11c: {  	v47 =	vld.idx.msk [tilespmem:v8+s1+$0x0], $0xffff;
	v21 =	vmul.f32 v36, v21;
	v22 =	vmul.f32 v36, v22;
	v8 =	vsub.f32 $2.000000000e+00, v6  }
0x11d: {  	vm0 =	vle.f32 v2, $1.000000000e+00;
	v18 =	vmul.f32 v36, v18;
	v1 =	vld.idx.msk [tilespmem:v1+s1+$0x0], $0xffff;
	v17 =	vmul.f32 v35, v17  }
0x11e: {  	v16 =	vmul.f32 v35, v16;
	v15 =	vmul.f32 v35, v15;
	v21 =	vadd.f32 v21, v26;
	v5 =	vld.idx.msk [tilespmem:v5+s1+$0x0], $0xffff  }
0x11f: {  	v22 =	vadd.f32 v22, v28;
	v26 =	vmul.f32 v41, v39;
	v28 =	vmul.f32 v41, v40;
	v7 =	vld.idx.msk [tilespmem:v7+s1+$0x0], $0xffff  }
0x120: {  	v18 =	vadd.f32 v18, v25;
	v17 =	vadd.f32 v17, v29;
	v25 =	vld.idx.msk [tilespmem:v12+s1+$0x0], $0xffff;
	v12 =	vmul.f32 v41, v27  }
0x121: {  	vm2 =	vle.f32 v3, $1.000000000e+00;
	v16 =	vadd.f32 v16, v32;
	v15 =	vadd.f32 v15, v30;
	v13 =	vld.idx.msk [tilespmem:v13+s1+$0x0], $0xffff  }
0x122: {  	vm3 =	vle.f32 v4, $1.000000000e+00;
	v26 =	vadd.f32 v26, v33;
	v28 =	vadd.f32 v28, v34;
	v27 =	vld.idx.msk [tilespmem:v14+s1+$0x0], $0xffff  }
0x123: {  	vm1 =	vle.f32 v6, $1.000000000e+00;
	v14 =	vadd.f32 v21, v44;
	v21 =	vadd.f32 v12, v31  }
0x124: {  	v29 =	vsel vm8, v54, v37;
	v22 =	vadd.f32 v22, v46;
	v18 =	vadd.f32 v18, v47  }
0x125: {  	v1 =	vadd.f32 v17, v1;
	v5 =	vadd.f32 v16, v5;
	v12 =	vand.u32 $0x7FFFFFFF, v14;
	[tilespmem:s16+$0xFFFFFFE0] =	vst v29  }
0x126: {  	v14 =	vand.u32 $0x7FFFFFFF, v22;
	v7 =	vadd.f32 v15, v7;
	v17 =	vadd.f32 v26, v25  }
0x127: {  	v15 =	vand.u32 $0x7FFFFFFF, v18;
	v16 =	vand.u32 $0x7FFFFFFF, v1;
	v18 =	vadd.f32 v28, v13  }
0x128: {  	v1 =	vand.u32 $0x7FFFFFFF, v5;
	v13 =	vand.u32 $0x7FFFFFFF, v7;
	v7 =	vadd.f32 v21, v27  }
0x129: {  	v21 =	vmul.f32 v12, v0;
	v5 =	vand.u32 $0x7FFFFFFF, v17;
	v17 =	vand.u32 $0x7FFFFFFF, v18  }
0x12a: {  	v22 =	vmul.f32 v15, v0;
	v18 =	vmul.f32 v14, v0;
	v7 =	vand.u32 $0x7FFFFFFF, v7  }
0x12b: {  	v24 =	vsel vm7, v24, v38;
	v25 =	vmul.f32 v16, v0;
	v26 =	vmul.f32 v1, v0  }
0x12c: {  	v23 =	vsel vm4, v23, v42;
	v27 =	vmul.f32 v13, v0;
	v28 =	vmul.f32 v5, v0;
	[tilespmem:s17+$0xFFFFFFE0] =	vst v24  }
0x12d: {  	v19 =	vsel vm5, v19, v43;
	v29 =	vmul.f32 v7, v0;
	v24 =	vmul.f32 v17, v0;
	[tilespmem:s15+$0xFFFFFFE0] =	vst v23  }
.Ltmp0:
0x12e: {  	v21 =	vfloor.f32 v21;
	v23 =	vfloor.f32 v18;
	[tilespmem:s16+$0xFFFFFFF0] =	vst v19;
	v19 =	vsel vm6, v20, v45;
	(pc) =	sbr.rel @p0 .LBB2_2-.Ltmp0, $4  }
0x12f: {  	v18 =	vadd.f32 v21, v21;
	v21 =	vfloor.f32 v25;
	v20 =	vfloor.f32 v22;
	[tilespmem:s17+$0xFFFFFFF0] =	vst v19  }
0x130: {  	v26 =	vfloor.f32 v26;
	v19 =	vadd.f32 v23, v23;
	v23 =	vfloor.f32 v27  }
0x131: {  	v25 =	vfloor.f32 v28;
	v24 =	vfloor.f32 v24;
	v20 =	vadd.f32 v20, v20  }
0x132: {  	s19 =	sadd.s32 $0x40, s19;
	v22 =	vadd.f32 v21, v21;
	v21 =	vadd.f32 v26, v26;
	v26 =	vfloor.f32 v29  }
0x133: {  	v23 =	vadd.f32 v23, v23;
	v25 =	vadd.f32 v25, v25  }
0x134: {  	v2 =	vsel vm0, v2, v11;
	v11 =	vadd.f32 v24, v24;
	v24 =	vadd.f32 v26, v26  }
0x135: {  	v3 =	vsel vm2, v3, v10;
	v10 =	vsub.f32 v12, v18;
	v12 =	vsub.f32 v14, v19  }
0x136: {  	v4 =	vsel vm3, v4, v9;
	v9 =	vsub.f32 v15, v20;
	v14 =	vsub.f32 v16, v22  }
0x137: {  	v6 =	vsel vm1, v6, v8;
	v1 =	vsub.f32 v1, v21;
	v8 =	vsub.f32 v13, v23  }
0x138: {  	vm0 =	veq.f32 v10, $2.000000000e+00;
	v5 =	vsub.f32 v5, v25;
	v11 =	vsub.f32 v17, v11  }
0x139: {  	v10 =	vand.u32 $0x7FFFFFFF, v10;
	v7 =	vsub.f32 v7, v24;
	vm1 =	veq.f32 v12, $2.000000000e+00  }
0x13a: {  	v12 =	vand.u32 $0x7FFFFFFF, v12;
	vm2 =	veq.f32 v9, $2.000000000e+00;
	v9 =	vand.u32 $0x7FFFFFFF, v9  }
0x13b: {  	vm3 =	veq.f32 v14, $2.000000000e+00;
	v13 =	vand.u32 $0x7FFFFFFF, v14;
	vm4 =	veq.f32 v1, $2.000000000e+00  }
0x13c: {  	v1 =	vand.u32 $0x7FFFFFFF, v1;
	v10 =	vsel vm0, $0x0, v10;
	v12 =	vsel vm1, $0x0, v12  }
0x13d: {  	v9 =	vsel vm2, $0x0, v9;
	vm5 =	veq.f32 v8, $2.000000000e+00;
	v8 =	vand.u32 $0x7FFFFFFF, v8  }
0x13e: {  	vm6 =	veq.f32 v5, $2.000000000e+00;
	v5 =	vand.u32 $0x7FFFFFFF, v5;
	vm7 =	veq.f32 v11, $2.000000000e+00  }
0x13f: {  	v11 =	vand.u32 $0x7FFFFFFF, v11;
	vm8 =	veq.f32 v7, $2.000000000e+00;
	v7 =	vand.u32 $0x7FFFFFFF, v7  }
0x140: {  	[tilespmem:s15+$0xFFFFFFF0] =	vst v2;
	v2 =	vsel vm3, $0x0, v13;
	v1 =	vsel vm4, $0x0, v1;
	vm0 =	vle.f32 v10, $1.000000000e+00  }
0x141: {  	[tilespmem:s16+$0x0] =	vst v3;
	v3 =	vsel vm6, $0x0, v5;
	v5 =	vsel vm7, $0x0, v11;
	v11 =	vsub.f32 $2.000000000e+00, v10  }
0x142: {  	[tilespmem:s17+$0x0] =	vst v4;
	vm1 =	vle.f32 v12, $1.000000000e+00;
	v4 =	vsel vm8, $0x0, v7;
	v7 =	vsub.f32 $2.000000000e+00, v12  }
0x143: {  	[tilespmem:s15+$0x0] =	vst v6;
	v6 =	vsub.f32 $2.000000000e+00, v9;
	v8 =	vsel vm5, $0x0, v8;
	v10 =	vsel vm0, v10, v11  }
0x144: {  	vm0 =	vle.f32 v9, $1.000000000e+00;
	v11 =	vsub.f32 $2.000000000e+00, v2;
	v7 =	vsel vm1, v12, v7;
	[tilespmem:s12+$0xFFFFFFE0] =	vst v10  }
0x145: {  	vm1 =	vle.f32 v2, $1.000000000e+00;
	v10 =	vsub.f32 $2.000000000e+00, v1;
	v6 =	vsel vm0, v9, v6;
	[tilespmem:s13+$0xFFFFFFE0] =	vst v7  }
0x146: {  	vm0 =	vle.f32 v1, $1.000000000e+00;
	v7 =	vsub.f32 $2.000000000e+00, v8;
	v2 =	vsel vm1, v2, v11;
	[tilespmem:s14+$0xFFFFFFE0] =	vst v6  }
0x147: {  	vm1 =	vle.f32 v8, $1.000000000e+00;
	v6 =	vsub.f32 $2.000000000e+00, v3;
	[tilespmem:s12+$0xFFFFFFF0] =	vst v2;
	v1 =	vsel vm0, v1, v10  }
0x148: {  	v2 =	vsub.f32 $2.000000000e+00, v5;
	vm0 =	vle.f32 v3, $1.000000000e+00;
	[tilespmem:s13+$0xFFFFFFF0] =	vst v1;
	v1 =	vsel vm1, v8, v7  }
0x149: {  	v7 =	vsub.f32 $2.000000000e+00, v4;
	vm1 =	vle.f32 v5, $1.000000000e+00;
	[tilespmem:s14+$0xFFFFFFF0] =	vst v1;
	v1 =	vsel vm0, v3, v6  }
0x14a: {  	vm0 =	vle.f32 v4, $1.000000000e+00;
	[tilespmem:s12+$0x0] =	vst v1;
	v1 =	vsel vm1, v5, v2  }
0x14b: {  	[tilespmem:s13+$0x0] =	vst v1;
	v1 =	vsel vm0, v4, v7  }
0x14c: {  	[tilespmem:s14+$0x0] =	vst v1  }
0x14d: {  	s10 =	simm.s32 $0x12F00;
	s9 =	rddreg [dreg:$0xc]  }
0x14e: {  	[hbm4b:s9+s1] =	stream.linear.scatter [tilespmem:s10], [sflag:$0x3], $0x2000, $0x38;
	[tilespmem:$0x1EF00] =	vst v63  }
0x14f: {  	s17 =	simm.s32 $0x16F00;
	s16 =	rddreg [dreg:$0xd]  }
0x150: {  	[hbm4b:s16+s1] =	stream.linear.scatter [tilespmem:s17], [sflag:$0x3], $0x2000, $0x38;
	[tilespmem:$0x1EF00] =	vst v63  }
0x151: {  	s19 =	simm.s32 $0x1AF00;
	s18 =	rddreg [dreg:$0x11]  }
0x152: {  	[hbm4b:s18+s1] =	stream.linear.scatter [tilespmem:s19], [sflag:$0x3], $0x2000, $0x38;
	[tilespmem:$0x1EF00] =	vst v63  }
0x153: {  	s11 =	simm.s32 $0x2F00;
	s10 =	rddreg [dreg:$0x12]  }
0x154: {  	[tilespmem:s11], [sflag:$0x1] =	stream.linear.gather [hbm4b:s10+s1], $0x2000, $0x38;
	[tilespmem:$0x1EF00] =	vst v63  }
0x155: {  	s13 =	simm.s32 $0x6F00;
	s12 =	rddreg [dreg:$0x14]  }
0x156: {  	[tilespmem:s13], [sflag:$0x1] =	stream.linear.gather [hbm4b:s12+s1], $0x2000, $0x38;
	[tilespmem:$0x1EF00] =	vst v63  }
0x157: {  	s14 =	simm.s32 $0xAF00  }
0x158: {  	[tilespmem:s14], [sflag:$0x1] =	stream.linear.gather [hbm4b:s21+s1], $0x2000, $0x38;
	[tilespmem:$0x1EF00] =	vst v63  }
0x159: {  	s15 =	simm.s32 $0xEF00  }
0x15a: {  	[tilespmem:s15], [sflag:$0x1] =	stream.linear.gather [hbm4b:s23+s1], $0x2000, $0x38;
	[tilespmem:$0x1EF00] =	vst v63  }
0x15b: {  	_ =	swait.ge [sflag:s5], $0x2000  }
0x15c: {  	[sflag:s5] =	ssyncset.done $0x0  }
0x15d: {  	[sflag:s5] =	ssyncadd.s32 $0xFFFFE000  }
0x15e: {  	_ =	swait.ge [sflag:s5], $0x2000  }
0x15f: {  	[sflag:s5] =	ssyncset.done $0x0  }
0x160: {  	[sflag:s5] =	ssyncadd.s32 $0xFFFFE000  }
0x161: {  	_ =	swait.ge [sflag:s5], $0x2000  }
0x162: {  	[sflag:s5] =	ssyncset.done $0x0  }
0x163: {  	[sflag:s5] =	ssyncadd.s32 $0xFFFFE000  }
0x164: {  	_ =	swait.ge [sflag:s5], $0x2000  }
0x165: {  	[sflag:s5] =	ssyncset.done $0x0  }
0x166: {  	s16 =	simm.s32 $0x4F20;
	[sflag:s5] =	ssyncadd.s32 $0xFFFFE000  }
0x167: {  	v1 =	vld [tilespmem:s16+$0x10]  }
0x168: {  	v2 =	vld [tilespmem:s16+$0xFFFFFFF0]  }
0x169: {  	v3 =	vld [tilespmem:s16+$0x0]  }
0x16a: {  	s17 =	simm.s32 $0x10F20;
	v4 =	vld [tilespmem:s16+$0xFFFFFFE0]  }
0x16b: {  	s11 =	simm.s32 $0x8F20;
	v7 =	vld [tilespmem:s17+$0x10]  }
0x16c: {  	s18 =	simm.s32 $0xCF20;
	v9 =	vld [tilespmem:s11+$0x10]  }
0x16d: {  	v11 =	vld [tilespmem:s18+$0x10]  }
0x16e: {  	v38 =	vld [tilespmem:s11+$0xFFFFFFE0];
	v1 =	vmul.u32 $0xC, v1  }
0x16f: {  	v40 =	vld [tilespmem:s18+$0xFFFFFFE0];
	v3 =	vmul.u32 $0xC, v3  }
0x170: {  	v42 =	vld [tilespmem:s11+$0xFFFFFFF0]  }
0x171: {  	v44 =	vld [tilespmem:s18+$0xFFFFFFF0];
	v5 =	vor.u32 $0x2, v1  }
0x172: {  	v54 =	vld [tilespmem:s11+$0x0];
	v6 =	vor.u32 $0x1, v1  }
0x173: {  	v55 =	vld [tilespmem:s18+$0x0];
	v8 =	vor.u32 $0x3, v1  }
0x174: {  	v10 =	vadd.s32 $0x4, v1;
	v12 =	vld.idx.msk [tilespmem:v1+s1+$0x0], $0xffff  }
0x175: {  	v13 =	vadd.s32 $0x6, v1;
	v53 =	vld.idx.msk [tilespmem:v3+s1+$0x0], $0xffff  }
0x176: {  	v14 =	vadd.s32 $0x7, v1;
	v5 =	vld.idx.msk [tilespmem:v5+s1+$0x0], $0xffff  }
0x177: {  	v4 =	vmul.u32 $0xC, v4;
	v15 =	vadd.s32 $0x5, v1;
	v6 =	vld.idx.msk [tilespmem:v6+s1+$0x0], $0xffff  }
0x178: {  	v16 =	vadd.s32 $0x8, v1;
	v8 =	vld.idx.msk [tilespmem:v8+s1+$0x0], $0xffff  }
0x179: {  	v17 =	vor.u32 $0x1, v4;
	v10 =	vld.idx.msk [tilespmem:v10+s1+$0x0], $0xffff  }
0x17a: {  	v18 =	vadd.s32 $0x9, v1;
	v13 =	vld.idx.msk [tilespmem:v13+s1+$0x0], $0xffff  }
0x17b: {  	v19 =	vadd.s32 $0xA, v1;
	v14 =	vld.idx.msk [tilespmem:v14+s1+$0x0], $0xffff  }
0x17c: {  	v20 =	vor.u32 $0x3, v4;
	v15 =	vld.idx.msk [tilespmem:v15+s1+$0x0], $0xffff  }
0x17d: {  	v21 =	vadd.s32 $0x4, v4;
	v16 =	vld.idx.msk [tilespmem:v16+s1+$0x0], $0xffff  }
0x17e: {  	v2 =	vmul.u32 $0xC, v2;
	v22 =	vadd.s32 $0x6, v4;
	v17 =	vld.idx.msk [tilespmem:v17+s1+$0x0], $0xffff  }
0x17f: {  	v23 =	vadd.s32 $0x7, v4;
	v18 =	vld.idx.msk [tilespmem:v18+s1+$0x0], $0xffff  }
0x180: {  	v24 =	vor.u32 $0x1, v2;
	v25 =	vor.u32 $0x3, v2;
	v26 =	vadd.s32 $0x4, v2;
	v19 =	vld.idx.msk [tilespmem:v19+s1+$0x0], $0xffff  }
0x181: {  	v27 =	vadd.s32 $0x6, v2;
	v28 =	vadd.s32 $0x7, v2;
	v29 =	vor.u32 $0x1, v3;
	v20 =	vld.idx.msk [tilespmem:v20+s1+$0x0], $0xffff  }
0x182: {  	v30 =	vor.u32 $0x3, v3;
	v31 =	vadd.s32 $0x4, v3;
	v32 =	vor.u32 $0x2, v4;
	v21 =	vld.idx.msk [tilespmem:v21+s1+$0x0], $0xffff  }
0x183: {  	v33 =	vadd.s32 $0x6, v3;
	v34 =	vadd.s32 $0x7, v3;
	v35 =	vadd.s32 $0x5, v4;
	v22 =	vld.idx.msk [tilespmem:v22+s1+$0x0], $0xffff  }
0x184: {  	v49 =	vadd.s32 $0x9, v4;
	v50 =	vadd.s32 $0x5, v3;
	v51 =	vadd.s32 $0x8, v3;
	v23 =	vld.idx.msk [tilespmem:v23+s1+$0x0], $0xffff  }
0x185: {  	v36 =	vadd.s32 $0xA, v4;
	v24 =	vld.idx.msk [tilespmem:v24+s1+$0x0], $0xffff;
	v12 =	vmul.f32 v9, v12;
	v6 =	vmul.f32 v11, v6  }
0x186: {  	v1 =	vadd.s32 $0xB, v1;
	v25 =	vld.idx.msk [tilespmem:v25+s1+$0x0], $0xffff;
	v5 =	vmul.f32 v7, v5;
	v8 =	vmul.f32 v9, v8  }
0x187: {  	v41 =	vadd.s32 $0x9, v2;
	v26 =	vld.idx.msk [tilespmem:v26+s1+$0x0], $0xffff;
	v10 =	vmul.f32 v11, v10;
	v9 =	vmul.f32 v9, v13  }
0x188: {  	v43 =	vadd.s32 $0xA, v2;
	v27 =	vld.idx.msk [tilespmem:v27+s1+$0x0], $0xffff;
	v11 =	vmul.f32 v11, v14;
	v20 =	vmul.f32 v38, v20  }
0x189: {  	v45 =	vadd.s32 $0x9, v3;
	v32 =	vld.idx.msk [tilespmem:v32+s1+$0x0], $0xffff;
	v22 =	vmul.f32 v38, v22;
	v17 =	vmul.f32 v40, v17  }
0x18a: {  	v46 =	vadd.s32 $0xA, v3;
	v35 =	vld.idx.msk [tilespmem:v35+s1+$0x0], $0xffff;
	v21 =	vmul.f32 v40, v21;
	v23 =	vmul.f32 v40, v23  }
0x18b: {  	v1 =	vld.idx.msk [tilespmem:v1+s1+$0x0], $0xffff;
	v13 =	vadd.s32 $0x8, v4;
	v25 =	vmul.f32 v42, v25;
	v24 =	vmul.f32 v44, v24  }
0x18c: {  	v14 =	vld.idx.msk [tilespmem:v30+s1+$0x0], $0xffff;
	v26 =	vmul.f32 v44, v26;
	v6 =	vadd.f32 v6, v12;
	v8 =	vadd.f32 v10, v8  }
0x18d: {  	v12 =	vld.idx.msk [tilespmem:v29+s1+$0x0], $0xffff;
	v10 =	vmul.f32 v7, v15;
	v9 =	vadd.f32 v11, v9;
	v7 =	vmul.f32 v7, v16  }
0x18e: {  	v11 =	vor.u32 $0x2, v2;
	v20 =	vadd.f32 v21, v20;
	v21 =	vld [tilespmem:s17+$0xFFFFFFE0];
	v22 =	vadd.f32 v23, v22  }
0x18f: {  	v15 =	vadd.s32 $0x5, v2;
	v5 =	vadd.f32 v5, v6;
	v6 =	vld.idx.msk [tilespmem:v31+s1+$0x0], $0xffff;
	v8 =	vadd.f32 v10, v8  }
0x190: {  	v16 =	vadd.s32 $0x8, v2;
	v25 =	vadd.f32 v26, v25;
	v10 =	vld.idx.msk [tilespmem:v33+s1+$0x0], $0xffff;
	v7 =	vadd.f32 v7, v9  }
0x191: {  	v9 =	vld.idx.msk [tilespmem:v34+s1+$0x0], $0xffff;
	v14 =	vmul.f32 v54, v14;
	v5 =	vadd.f32 v5, v18;
	v8 =	vadd.f32 v8, v19  }
0x192: {  	v13 =	vld.idx.msk [tilespmem:v13+s1+$0x0], $0xffff;
	v18 =	vor.u32 $0x2, v3;
	v1 =	vadd.f32 v7, v1;
	v12 =	vmul.f32 v55, v12  }
0x193: {  	v23 =	vld [tilespmem:s17+$0xFFFFFFF0];
	v59 =	vmul.f32 v21, v35;
	v5 =	vand.u32 $0x7FFFFFFF, v5;
	v8 =	vand.u32 $0x7FFFFFFF, v8  }
0x194: {  	v19 =	vld.idx.msk [tilespmem:v4+s1+$0x0], $0xffff;
	v1 =	vand.u32 $0x7FFFFFFF, v1;
	v52 =	vmul.f32 v5, v0;
	v37 =	vmul.f32 v8, v0  }
0x195: {  	v7 =	vld.idx.msk [tilespmem:v2+s1+$0x0], $0xffff;
	v4 =	vadd.s32 $0xB, v4;
	v39 =	vmul.f32 v1, v0;
	v6 =	vmul.f32 v55, v6  }
0x196: {  	v2 =	vadd.s32 $0xB, v2;
	v11 =	vld.idx.msk [tilespmem:v11+s1+$0x0], $0xffff;
	v10 =	vmul.f32 v54, v10;
	v9 =	vmul.f32 v55, v9  }
0x197: {  	v58 =	vld.idx.msk [tilespmem:v50+s1+$0x0], $0xffff;
	v3 =	vadd.s32 $0xB, v3;
	v13 =	vmul.f32 v21, v13;
	v33 =	vfloor.f32 v52  }
0x198: {  	v15 =	vld.idx.msk [tilespmem:v15+s1+$0x0], $0xffff;
	v20 =	vadd.f32 v59, v20;
	v37 =	vfloor.f32 v37;
	v39 =	vfloor.f32 v39  }
0x199: {  	v16 =	vld.idx.msk [tilespmem:v16+s1+$0x0], $0xffff;
	v19 =	vmul.f32 v38, v19;
	v6 =	vadd.f32 v6, v14;
	v9 =	vadd.f32 v9, v10  }
0x19a: {  	v26 =	vld.idx.msk [tilespmem:v51+s1+$0x0], $0xffff;
	v7 =	vmul.f32 v42, v7;
	v33 =	vadd.f32 v33, v33;
	v37 =	vadd.f32 v37, v37  }
0x19b: {  	v18 =	vld.idx.msk [tilespmem:v18+s1+$0x0], $0xffff;
	v39 =	vadd.f32 v39, v39;
	v11 =	vmul.f32 v23, v11;
	v13 =	vadd.f32 v13, v22  }
0x19c: {  	v14 =	vld [tilespmem:s17+$0x0];
	v17 =	vadd.f32 v17, v19;
	v7 =	vadd.f32 v24, v7;
	v24 =	vmul.f32 v21, v32  }
0x19d: {  	v4 =	vld.idx.msk [tilespmem:v4+s1+$0x0], $0xffff;
	v15 =	vmul.f32 v23, v15;
	v5 =	vsub.f32 v5, v33;
	v8 =	vsub.f32 v8, v37  }
0x19e: {  	v10 =	vld.idx.msk [tilespmem:v49+s1+$0x0], $0xffff;
	v16 =	vmul.f32 v23, v16;
	v1 =	vsub.f32 v1, v39;
	v17 =	vadd.f32 v24, v17  }
0x19f: {  	v23 =	vld.idx.msk [tilespmem:v43+s1+$0x0], $0xffff;
	v7 =	vadd.f32 v11, v7;
	v11 =	vadd.f32 v15, v25;
	vm0 =	veq.f32 v5, $2.000000000e+00  }
0x1a0: {  	v28 =	vld.idx.msk [tilespmem:v28+s1+$0x0], $0xffff;
	v5 =	vand.u32 $0x7FFFFFFF, v5;
	vm1 =	veq.f32 v8, $2.000000000e+00;
	v8 =	vand.u32 $0x7FFFFFFF, v8  }
0x1a1: {  	v19 =	vld.idx.msk [tilespmem:v36+s1+$0x0], $0xffff;
	vm2 =	veq.f32 v1, $2.000000000e+00;
	v1 =	vand.u32 $0x7FFFFFFF, v1;
	v18 =	vmul.f32 v14, v18  }
0x1a2: {  	v21 =	vld.idx.msk [tilespmem:v41+s1+$0x0], $0xffff;
	v22 =	vmul.f32 v14, v58;
	v14 =	vmul.f32 v14, v26;
	v4 =	vadd.f32 v13, v4  }
0x1a3: {  	v5 =	vsel vm0, $0x0, v5;
	v8 =	vsel vm1, $0x0, v8;
	v47 =	vsel vm2, $0x0, v1  }
0x1a4: {  	v1 =	vmul.f32 v42, v27;
	v10 =	vadd.f32 v17, v10;
	v11 =	vadd.f32 v11, v23  }
0x1a5: {  	v3 =	vld.idx.msk [tilespmem:v3+s1+$0x0], $0xffff;
	v27 =	vmul.f32 v44, v28;
	v56 =	vsub.f32 $2.000000000e+00, v5;
	v57 =	vsub.f32 $2.000000000e+00, v8  }
0x1a6: {  	vm0 =	vle.f32 v5, $1.000000000e+00;
	v6 =	vadd.f32 v22, v6;
	v9 =	vadd.f32 v14, v9  }
0x1a7: {  	v14 =	vadd.f32 v20, v19;
	v7 =	vadd.f32 v7, v21;
	v4 =	vand.u32 $0x7FFFFFFF, v4  }
0x1a8: {  	v2 =	vld.idx.msk [tilespmem:v2+s1+$0x0], $0xffff;
	v20 =	vsub.f32 $2.000000000e+00, v47;
	v1 =	vadd.f32 v27, v1;
	v27 =	vmul.f32 v54, v53  }
0x1a9: {  	v10 =	vand.u32 $0x7FFFFFFF, v10;
	v13 =	vand.u32 $0x7FFFFFFF, v14;
	v14 =	vand.u32 $0x7FFFFFFF, v7  }
0x1aa: {  	v15 =	vld.idx.msk [tilespmem:v45+s1+$0x0], $0xffff;
	v3 =	vadd.f32 v9, v3;
	v7 =	vmul.f32 v10, v0;
	v12 =	vadd.f32 v12, v27  }
0x1ab: {  	v16 =	vadd.f32 v16, v1;
	v1 =	vsel vm0, v5, v56;
	v5 =	vld.idx.msk [tilespmem:v46+s1+$0x0], $0xffff;
	v9 =	vmul.f32 v13, v0  }
0x1ac: {  	vm0 =	vle.f32 v8, $1.000000000e+00;
	v3 =	vand.u32 $0x7FFFFFFF, v3;
	v7 =	vfloor.f32 v7  }
0x1ad: {  	v12 =	vadd.f32 v18, v12;
	v2 =	vadd.f32 v16, v2;
	v9 =	vfloor.f32 v9  }
0x1ae: {  	v21 =	vmul.f32 v3, v0;
	v7 =	vadd.f32 v7, v7;
	v9 =	vadd.f32 v9, v9  }
0x1af: {  	v12 =	vadd.f32 v12, v15;
	v2 =	vand.u32 $0x7FFFFFFF, v2;
	v15 =	vmul.f32 v14, v0  }
0x1b0: {  	v21 =	vfloor.f32 v21;
	v26 =	vsub.f32 v10, v7;
	v5 =	vadd.f32 v6, v5  }
0x1b1: {  	v6 =	vand.u32 $0x7FFFFFFF, v11;
	v17 =	vmul.f32 v2, v0;
	v24 =	vadd.f32 v21, v21  }
0x1b2: {  	v28 =	vsub.f32 v13, v9;
	v11 =	vand.u32 $0x7FFFFFFF, v12;
	v12 =	vmul.f32 v4, v0  }
0x1b3: {  	s19 =	simm.s32 $0x4F60;
	v15 =	vfloor.f32 v15;
	v16 =	vand.u32 $0x7FFFFFFF, v5;
	v5 =	vmul.f32 v6, v0  }
0x1b4: {  	v25 =	vld [tilespmem:s19+$0x0];
	v18 =	vmul.f32 v11, v0;
	v17 =	vfloor.f32 v17;
	v15 =	vadd.f32 v15, v15  }
0x1b5: {  	v9 =	vld [tilespmem:s19+$0xFFFFFFE0];
	v3 =	vsub.f32 v3, v24;
	vm1 =	veq.f32 v28, $2.000000000e+00;
	v28 =	vand.u32 $0x7FFFFFFF, v28  }
0x1b6: {  	v23 =	vld [tilespmem:s19+$0x10];
	v19 =	vmul.f32 v16, v0;
	v12 =	vfloor.f32 v12;
	v17 =	vadd.f32 v17, v17  }
0x1b7: {  	v5 =	vfloor.f32 v5;
	v12 =	vadd.f32 v12, v12;
	v18 =	vfloor.f32 v18  }
0x1b8: {  	v30 =	vsub.f32 v14, v15;
	v19 =	vfloor.f32 v19;
	v22 =	vadd.f32 v5, v5  }
0x1b9: {  	v18 =	vadd.f32 v18, v18;
	v5 =	vsel vm0, v8, v57;
	vm0 =	vle.f32 v47, $1.000000000e+00  }
0x1ba: {  	v33 =	vsub.f32 v2, v17;
	v2 =	vmul.u32 $0xC, v25;
	v24 =	vmul.u32 $0xC, v9  }
0x1bb: {  	v19 =	vadd.f32 v19, v19;
	v29 =	vsub.f32 v4, v12;
	v12 =	vmul.u32 $0xC, v23  }
0x1bc: {  	v7 =	vsel vm0, v47, v20;
	vm0 =	veq.f32 v26, $2.000000000e+00;
	vm3 =	veq.f32 v30, $2.000000000e+00  }
0x1bd: {  	s9 =	simm.s32 $0x10F60;
	v8 =	vld [tilespmem:s19+$0xFFFFFFF0];
	v22 =	vsub.f32 v6, v22;
	v10 =	vsub.f32 v11, v18;
	v37 =	vadd.s32 $0x4, v24  }
0x1be: {  	s10 =	simm.s32 $0x8F60;
	v14 =	vld [tilespmem:s9+$0x10];
	v6 =	vand.u32 $0x7FFFFFFF, v26;
	v18 =	vor.u32 $0x3, v24;
	v38 =	vadd.s32 $0x6, v24  }
0x1bf: {  	s11 =	simm.s32 $0xCF60;
	v15 =	vld [tilespmem:s10+$0x10];
	v39 =	vadd.s32 $0x7, v24;
	v43 =	vor.u32 $0x1, v2;
	v9 =	vor.u32 $0x1, v12  }
0x1c0: {  	v17 =	vld [tilespmem:s11+$0x10];
	v45 =	vor.u32 $0x3, v2;
	v46 =	vadd.s32 $0x4, v2;
	v11 =	vor.u32 $0x3, v12  }
0x1c1: {  	v31 =	vor.u32 $0x2, v24;
	v4 =	vsub.f32 v16, v19;
	v13 =	vadd.s32 $0x4, v12;
	v19 =	vld.idx.msk [tilespmem:v12+s1+$0x0], $0xffff  }
0x1c2: {  	v49 =	vadd.s32 $0x6, v2;
	v21 =	vmul.u32 $0xC, v8;
	v8 =	vor.u32 $0x2, v12;
	v37 =	vld.idx.msk [tilespmem:v37+s1+$0x0], $0xffff  }
0x1c3: {  	v50 =	vadd.s32 $0x7, v2;
	v32 =	vadd.s32 $0x5, v24;
	v20 =	vadd.s32 $0x6, v12;
	v38 =	vld.idx.msk [tilespmem:v38+s1+$0x0], $0xffff  }
0x1c4: {  	v27 =	vadd.s32 $0x8, v24;
	vm5 =	veq.f32 v33, $2.000000000e+00;
	v48 =	vadd.s32 $0x8, v12;
	v61 =	vld.idx.msk [tilespmem:v9+s1+$0x0], $0xffff  }
0x1c5: {  	v16 =	vor.u32 $0x1, v24;
	v52 =	vadd.s32 $0x9, v12;
	v9 =	vadd.s32 $0x5, v12;
	v62 =	vld.idx.msk [tilespmem:v11+s1+$0x0], $0xffff  }
0x1c6: {  	v54 =	vadd.s32 $0xA, v12;
	v56 =	vadd.s32 $0xB, v12;
	vm2 =	veq.f32 v29, $2.000000000e+00;
	v13 =	vld.idx.msk [tilespmem:v13+s1+$0x0], $0xffff  }
0x1c7: {  	v29 =	vand.u32 $0x7FFFFFFF, v29;
	vm4 =	veq.f32 v22, $2.000000000e+00;
	v60 =	vld.idx.msk [tilespmem:v8+s1+$0x0], $0xffff;
	v8 =	vadd.s32 $0x7, v12  }
0x1c8: {  	vm6 =	veq.f32 v10, $2.000000000e+00;
	v10 =	vand.u32 $0x7FFFFFFF, v10;
	v34 =	vor.u32 $0x1, v21;
	v51 =	vld.idx.msk [tilespmem:v20+s1+$0x0], $0xffff  }
0x1c9: {  	v35 =	vor.u32 $0x3, v21;
	v36 =	vadd.s32 $0x4, v21;
	v40 =	vadd.s32 $0x6, v21;
	v48 =	vld.idx.msk [tilespmem:v48+s1+$0x0], $0xffff  }
0x1ca: {  	v42 =	vadd.s32 $0x7, v21;
	v26 =	vor.u32 $0x2, v21;
	v25 =	vadd.s32 $0x5, v21;
	v55 =	vld.idx.msk [tilespmem:v9+s1+$0x0], $0xffff  }
0x1cb: {  	v23 =	vadd.s32 $0x8, v21;
	v52 =	vld.idx.msk [tilespmem:v52+s1+$0x0], $0xffff;
	v19 =	vmul.f32 v15, v19;
	v44 =	vmul.f32 v17, v61  }
0x1cc: {  	v11 =	vor.u32 $0x2, v2;
	v20 =	vadd.s32 $0x5, v2;
	v47 =	vmul.f32 v15, v62;
	v53 =	vld.idx.msk [tilespmem:v8+s1+$0x0], $0xffff  }
0x1cd: {  	v39 =	vld.idx.msk [tilespmem:v39+s1+$0x0], $0xffff;
	v57 =	vmul.f32 v17, v13;
	v41 =	vmul.f32 v14, v60;
	v44 =	vadd.f32 v44, v19  }
0x1ce: {  	v54 =	vld.idx.msk [tilespmem:v54+s1+$0x0], $0xffff;
	v12 =	vadd.s32 $0xA, v24;
	v9 =	vadd.s32 $0x8, v2;
	v13 =	vadd.s32 $0xB, v24  }
0x1cf: {  	v63 =	vld.idx.msk [tilespmem:v56+s1+$0x0], $0xffff;
	v47 =	vadd.f32 v57, v47;
	v41 =	vadd.f32 v41, v44;
	v58 =	vmul.f32 v14, v55  }
0x1d0: {  	v15 =	vmul.f32 v15, v51;
	v8 =	vadd.s32 $0x9, v24;
	v55 =	vld.idx.msk [tilespmem:v16+s1+$0x0], $0xffff;
	v14 =	vmul.f32 v14, v48  }
0x1d1: {  	v48 =	vld.idx.msk [tilespmem:v18+s1+$0x0], $0xffff;
	v41 =	vadd.f32 v41, v52;
	v17 =	vmul.f32 v17, v53;
	v59 =	vadd.f32 v58, v47  }
0x1d2: {  	v19 =	vadd.s32 $0x9, v21;
	v18 =	vadd.s32 $0xB, v21;
	v16 =	vadd.s32 $0x9, v2;
	v52 =	vld [tilespmem:s10+$0xFFFFFFE0]  }
0x1d3: {  	v45 =	vld.idx.msk [tilespmem:v45+s1+$0x0], $0xffff;
	v41 =	vand.u32 $0x7FFFFFFF, v41;
	v15 =	vadd.f32 v17, v15;
	v44 =	vadd.f32 v59, v54  }
0x1d4: {  	v31 =	vld.idx.msk [tilespmem:v31+s1+$0x0], $0xffff;
	v53 =	vand.u32 $0x7FFFFFFF, v22;
	v17 =	vadd.s32 $0xA, v21;
	v61 =	vmul.f32 v41, v0  }
0x1d5: {  	v32 =	vld.idx.msk [tilespmem:v32+s1+$0x0], $0xffff;
	v54 =	vand.u32 $0x7FFFFFFF, v30;
	v60 =	vadd.f32 v14, v15;
	v44 =	vand.u32 $0x7FFFFFFF, v44  }
0x1d6: {  	v27 =	vld.idx.msk [tilespmem:v27+s1+$0x0], $0xffff;
	v14 =	vadd.s32 $0xA, v2;
	v56 =	vfloor.f32 v61;
	v62 =	vmul.f32 v44, v0  }
0x1d7: {  	v34 =	vld.idx.msk [tilespmem:v34+s1+$0x0], $0xffff;
	v48 =	vmul.f32 v52, v48;
	v30 =	vadd.f32 v56, v56;
	v47 =	vadd.f32 v60, v63  }
0x1d8: {  	v15 =	vadd.s32 $0xB, v2;
	v38 =	vmul.f32 v52, v38;
	v56 =	vld [tilespmem:s9+$0xFFFFFFE0];
	v57 =	vfloor.f32 v62  }
0x1d9: {  	v35 =	vld.idx.msk [tilespmem:v35+s1+$0x0], $0xffff;
	v30 =	vsub.f32 v41, v30;
	v47 =	vand.u32 $0x7FFFFFFF, v47;
	v51 =	vadd.f32 v57, v57  }
0x1da: {  	v36 =	vld.idx.msk [tilespmem:v36+s1+$0x0], $0xffff;
	v57 =	vsel vm0, $0x0, v6;
	vm0 =	veq.f32 v3, $2.000000000e+00;
	v63 =	vmul.f32 v47, v0  }
0x1db: {  	v41 =	vld.idx.msk [tilespmem:v24+s1+$0x0], $0xffff;
	vm12 =	veq.f32 v30, $2.000000000e+00;
	v30 =	vand.u32 $0x7FFFFFFF, v30;
	v59 =	vsub.f32 v44, v51  }
0x1dc: {  	v44 =	vld.idx.msk [tilespmem:v46+s1+$0x0], $0xffff;
	v46 =	vand.u32 $0x7FFFFFFF, v33;
	v30 =	vsel vm12, $0x0, v30;
	vm12 =	veq.f32 v4, $2.000000000e+00  }
0x1dd: {  	v42 =	vld.idx.msk [tilespmem:v42+s1+$0x0], $0xffff;
	v4 =	vand.u32 $0x7FFFFFFF, v4;
	v31 =	vmul.f32 v56, v31;
	v32 =	vmul.f32 v56, v32  }
0x1de: {  	v6 =	vld [tilespmem:s11+$0xFFFFFFF0];
	v27 =	vmul.f32 v56, v27;
	v58 =	vfloor.f32 v63;
	v24 =	vsub.f32 $2.000000000e+00, v30  }
0x1df: {  	v51 =	vld [tilespmem:s10+$0xFFFFFFF0];
	vm15 =	vle.f32 v30, $1.000000000e+00;
	v4 =	vsel vm12, $0x0, v4;
	v22 =	vadd.f32 v58, v58  }
0x1e0: {  	v63 =	vld [tilespmem:s11+$0xFFFFFFE0];
	vm13 =	veq.f32 v59, $2.000000000e+00;
	v60 =	vand.u32 $0x7FFFFFFF, v59;
	v58 =	vand.u32 $0x7FFFFFFF, v3  }
0x1e1: {  	v59 =	vld [tilespmem:s10+$0x0];
	v3 =	vsel vm6, $0x0, v10;
	v41 =	vmul.f32 v52, v41;
	v33 =	vsel vm13, $0x0, v60  }
0x1e2: {  	v24 =	vsel vm15, v30, v24;
	v30 =	vsel vm2, $0x0, v29;
	v29 =	vsel vm4, $0x0, v53;
	v53 =	vld.idx.msk [tilespmem:v2+s1+$0x0], $0xffff  }
0x1e3: {  	v2 =	vsel vm5, $0x0, v46;
	v10 =	vmul.f32 v6, v34;
	v22 =	vsub.f32 v47, v22;
	v47 =	vld.idx.msk [tilespmem:v49+s1+$0x0], $0xffff  }
0x1e4: {  	v60 =	vmul.f32 v6, v36;
	v6 =	vmul.f32 v6, v42;
	vm13 =	vle.f32 v57, $1.000000000e+00;
	v49 =	vld.idx.msk [tilespmem:v50+s1+$0x0], $0xffff  }
0x1e5: {  	v46 =	vsub.f32 $2.000000000e+00, v57;
	vm2 =	vle.f32 v3, $1.000000000e+00;
	v50 =	vld.idx.msk [tilespmem:v21+s1+$0x0], $0xffff;
	v21 =	vsub.f32 $2.000000000e+00, v33  }
0x1e6: {  	v43 =	vld.idx.msk [tilespmem:v43+s1+$0x0], $0xffff;
	vm10 =	vle.f32 v33, $1.000000000e+00;
	vm4 =	vle.f32 v30, $1.000000000e+00;
	vm15 =	vle.f32 v29, $1.000000000e+00  }
0x1e7: {  	v40 =	vld.idx.msk [tilespmem:v40+s1+$0x0], $0xffff;
	v35 =	vmul.f32 v51, v35;
	vm14 =	veq.f32 v22, $2.000000000e+00;
	v55 =	vmul.f32 v63, v55  }
0x1e8: {  	v26 =	vld.idx.msk [tilespmem:v26+s1+$0x0], $0xffff;
	v22 =	vand.u32 $0x7FFFFFFF, v22;
	v37 =	vmul.f32 v63, v37;
	v39 =	vmul.f32 v63, v39  }
0x1e9: {  	v25 =	vld.idx.msk [tilespmem:v25+s1+$0x0], $0xffff;
	v61 =	vsel vm14, $0x0, v22;
	v22 =	vsel vm10, v33, v21;
	v33 =	vsel vm1, $0x0, v28  }
0x1ea: {  	v28 =	vsel vm3, $0x0, v54;
	v54 =	vld [tilespmem:s11+$0x0];
	v34 =	vadd.f32 v60, v35;
	v63 =	vmul.f32 v59, v45  }
0x1eb: {  	v60 =	vld.idx.msk [tilespmem:v9+s1+$0x0], $0xffff;
	v9 =	vsub.f32 $2.000000000e+00, v4;
	vm3 =	vle.f32 v4, $1.000000000e+00;
	v62 =	vsub.f32 $2.000000000e+00, v61  }
0x1ec: {  	v23 =	vld.idx.msk [tilespmem:v23+s1+$0x0], $0xffff;
	vm11 =	vle.f32 v61, $1.000000000e+00;
	v37 =	vadd.f32 v37, v48;
	v41 =	vadd.f32 v55, v41  }
0x1ed: {  	v13 =	vld.idx.msk [tilespmem:v13+s1+$0x0], $0xffff;
	v36 =	vadd.f32 v39, v38;
	v48 =	vmul.f32 v59, v47;
	v47 =	vsub.f32 $2.000000000e+00, v33  }
0x1ee: {  	v20 =	vld.idx.msk [tilespmem:v20+s1+$0x0], $0xffff;
	v21 =	vsel vm11, v61, v62;
	v61 =	vmul.f32 v51, v40;
	v31 =	vadd.f32 v31, v41  }
0x1ef: {  	v12 =	vld.idx.msk [tilespmem:v12+s1+$0x0], $0xffff;
	vm14 =	vle.f32 v33, $1.000000000e+00;
	v32 =	vadd.f32 v32, v37;
	v27 =	vadd.f32 v27, v36  }
0x1f0: {  	v62 =	vmul.f32 v54, v43;
	v38 =	vadd.f32 v6, v61;
	v6 =	vmul.f32 v54, v44;
	v43 =	vld.idx.msk [tilespmem:v11+s1+$0x0], $0xffff  }
0x1f1: {  	v52 =	vmul.f32 v54, v49;
	v54 =	vmul.f32 v59, v53;
	v59 =	vld [tilespmem:s9+$0xFFFFFFF0];
	v49 =	vsub.f32 $2.000000000e+00, v30  }
0x1f2: {  	v11 =	vmul.f32 v51, v50;
	v50 =	vsub.f32 $2.000000000e+00, v28;
	v61 =	vld [tilespmem:s9+$0x0];
	v13 =	vadd.f32 v27, v13  }
0x1f3: {  	v19 =	vld.idx.msk [tilespmem:v19+s1+$0x0], $0xffff;
	vm5 =	vle.f32 v28, $1.000000000e+00;
	v39 =	vadd.f32 v6, v63;
	v40 =	vadd.f32 v52, v48  }
0x1f4: {  	v18 =	vld.idx.msk [tilespmem:v18+s1+$0x0], $0xffff;
	v6 =	vsel vm0, $0x0, v58;
	v58 =	vadd.f32 v10, v11;
	v35 =	vadd.f32 v62, v54  }
0x1f5: {  	v16 =	vld.idx.msk [tilespmem:v16+s1+$0x0], $0xffff;
	v27 =	vsel vm13, v57, v46;
	v62 =	vsub.f32 $2.000000000e+00, v29;
	v11 =	vsub.f32 $2.000000000e+00, v2  }
0x1f6: {  	v63 =	vld.idx.msk [tilespmem:v8+s1+$0x0], $0xffff;
	v10 =	vsub.f32 $2.000000000e+00, v3;
	v26 =	vmul.f32 v59, v26;
	v25 =	vmul.f32 v59, v25  }
0x1f7: {  	v17 =	vld.idx.msk [tilespmem:v17+s1+$0x0], $0xffff;
	v8 =	vsub.f32 $2.000000000e+00, v6;
	v23 =	vmul.f32 v59, v23;
	v55 =	vmul.f32 v61, v43  }
0x1f8: {  	v20 =	vmul.f32 v61, v20;
	v59 =	vld.idx.msk [tilespmem:v15+s1+$0x0], $0xffff;
	v15 =	vadd.f32 v32, v12;
	v26 =	vadd.f32 v26, v58  }
0x1f9: {  	v56 =	vmul.f32 v61, v60;
	v25 =	vadd.f32 v25, v34;
	v23 =	vadd.f32 v23, v38  }
0x1fa: {  	vm0 =	vle.f32 v2, $1.000000000e+00;
	v35 =	vadd.f32 v55, v35;
	v20 =	vadd.f32 v20, v39  }
0x1fb: {  	v30 =	vsel vm4, v30, v49;
	v58 =	vld.idx.msk [tilespmem:v14+s1+$0x0], $0xffff;
	v14 =	vadd.f32 v31, v63;
	v60 =	vadd.f32 v56, v40  }
0x1fc: {  	v28 =	vsel vm5, v28, v50;
	v19 =	vadd.f32 v26, v19;
	v17 =	vadd.f32 v25, v17  }
0x1fd: {  	s16 =	simm.s32 $0x14F20;
	v12 =	vand.u32 $0x7FFFFFFF, v14;
	v18 =	vadd.f32 v23, v18;
	v23 =	vadd.f32 v35, v16  }
0x1fe: {  	s17 =	simm.s32 $0x18F20;
	[tilespmem:s16+$0x10] =	vst v1;
	v14 =	vand.u32 $0x7FFFFFFF, v15;
	v15 =	vand.u32 $0x7FFFFFFF, v13;
	v16 =	vand.u32 $0x7FFFFFFF, v19  }
0x1ff: {  	[tilespmem:s17+$0x10] =	vst v5;
	v1 =	vand.u32 $0x7FFFFFFF, v17;
	v13 =	vand.u32 $0x7FFFFFFF, v18;
	v5 =	vand.u32 $0x7FFFFFFF, v23  }
0x200: {  	s12 =	simm.s32 $0x14F60;
	v23 =	vmul.f32 v15, v0;
	v19 =	vadd.f32 v20, v58;
	v20 =	vmul.f32 v12, v0  }
0x201: {  	s13 =	simm.s32 $0x18F60;
	[tilespmem:s12+$0x10] =	vst v24;
	v18 =	vadd.f32 v60, v59;
	v24 =	vmul.f32 v16, v0;
	v25 =	vmul.f32 v1, v0  }
0x202: {  	s15 =	simm.s32 $0x1CF20;
	[tilespmem:s13+$0x10] =	vst v22;
	vm1 =	vle.f32 v6, $1.000000000e+00;
	v22 =	vmul.f32 v13, v0;
	v26 =	vmul.f32 v5, v0  }
0x203: {  	[tilespmem:s15+$0x10] =	vst v7;
	v7 =	vand.u32 $0x7FFFFFFF, v18;
	v17 =	vand.u32 $0x7FFFFFFF, v19;
	v19 =	vmul.f32 v14, v0  }
0x204: {  	s14 =	simm.s32 $0x1CF60;
	[tilespmem:s16+$0xFFFFFFE0] =	vst v27;
	v27 =	vsel vm15, v29, v62;
	v61 =	vmul.f32 v7, v0;
	v20 =	vfloor.f32 v20  }
0x205: {  	[tilespmem:s14+$0x10] =	vst v21;
	v18 =	vsel vm14, v33, v47;
	v62 =	vfloor.f32 v24;
	v63 =	vfloor.f32 v25  }
0x206: {  	[tilespmem:s17+$0xFFFFFFE0] =	vst v18;
	v25 =	vfloor.f32 v26;
	v21 =	vmul.f32 v17, v0;
	v18 =	vadd.f32 v20, v20  }
0x207: {  	[tilespmem:s16+$0xFFFFFFF0] =	vst v28;
	v20 =	vfloor.f32 v23;
	v23 =	vfloor.f32 v22;
	v22 =	vadd.f32 v62, v62  }
0x208: {  	[tilespmem:s17+$0xFFFFFFF0] =	vst v27;
	v19 =	vfloor.f32 v19;
	v20 =	vadd.f32 v20, v20;
	v26 =	vfloor.f32 v61  }
0x209: {  	s18 =	simm.s32 $0x4;
	s19 =	simm.s32 $0x4FA0;
	[tilespmem:s15+$0xFFFFFFE0] =	vst v30;
	v19 =	vadd.f32 v19, v19;
	v24 =	vfloor.f32 v21;
	v21 =	vadd.f32 v63, v63  }
.LBB2_4:
0x20a: {  	v28 =	vld [tilespmem:s19+$0x10];
	v23 =	vadd.f32 v23, v23;
	v32 =	vadd.f32 v25, v25;
	v2 =	vsel vm0, v2, v11  }
0x20b: {  	v33 =	vadd.f32 v24, v24;
	v26 =	vadd.f32 v26, v26;
	v11 =	vld [tilespmem:s19+$0xFFFFFFF0];
	[tilespmem:s15+$0xFFFFFFF0] =	vst v2;
	v2 =	vsel vm2, v3, v10  }
0x20c: {  	v31 =	vsub.f32 v14, v19;
	v3 =	vsub.f32 v12, v18;
	v10 =	vld [tilespmem:s19+$0x0];
	[tilespmem:s16+$0x0] =	vst v2;
	v2 =	vsel vm3, v4, v9;
	s16 =	smov.u32 s12  }
0x20d: {  	v30 =	vsub.f32 v15, v20;
	v29 =	vsub.f32 v16, v22;
	v4 =	vld [tilespmem:s19+$0xFFFFFFE0];
	[tilespmem:s17+$0x0] =	vst v2;
	v2 =	vsel vm1, v6, v8;
	s17 =	smov.u32 s13  }
0x20e: {  	v27 =	vsub.f32 v1, v21;
	v25 =	vsub.f32 v13, v23;
	vm0 =	veq.f32 v3, $2.000000000e+00;
	[tilespmem:s15+$0x0] =	vst v2;
	s15 =	smov.u32 s14  }
0x20f: {  	v24 =	vsub.f32 v5, v32;
	v23 =	vsub.f32 v17, v33;
	v1 =	vmul.u32 $0xC, v28  }
0x210: {  	s18 =	sadd.s32 $0x4, s18;
	v2 =	vand.u32 $0x7FFFFFFF, v3;
	v3 =	vsub.f32 v7, v26;
	v19 =	vmul.u32 $0xC, v11  }
0x211: {  	s9 =	sadd.s32 $0x40, s9;
	p0 =	slt.u32 s18, $0x1FC;
	vm1 =	veq.f32 v31, $2.000000000e+00;
	v20 =	vmul.u32 $0xC, v10;
	v5 =	vor.u32 $0x2, v1  }
0x212: {  	s10 =	sadd.s32 $0x40, s10;
	v26 =	vmul.u32 $0xC, v4;
	v32 =	vor.u32 $0x1, v19;
	v4 =	vor.u32 $0x1, v1;
	v13 =	vld [tilespmem:s9+$0x10]  }
0x213: {  	s11 =	sadd.s32 $0x40, s11;
	v6 =	vor.u32 $0x3, v1;
	v33 =	vor.u32 $0x3, v19;
	v34 =	vadd.s32 $0x4, v19;
	v12 =	vld [tilespmem:s10+$0x10]  }
0x214: {  	v8 =	vadd.s32 $0x4, v1;
	v7 =	vor.u32 $0x1, v26;
	v14 =	vor.u32 $0x3, v26;
	v35 =	vld [tilespmem:s11+$0x10]  }
0x215: {  	v9 =	vadd.s32 $0x6, v1;
	v36 =	vadd.s32 $0x4, v26;
	v37 =	vadd.s32 $0x6, v26;
	v38 =	vld.idx.msk [tilespmem:v1+s1+$0x0], $0xffff  }
0x216: {  	v10 =	vadd.s32 $0x7, v1;
	v40 =	vadd.s32 $0x6, v19;
	v39 =	vadd.s32 $0x7, v26;
	v5 =	vld.idx.msk [tilespmem:v5+s1+$0x0], $0xffff  }
0x217: {  	v11 =	vadd.s32 $0x5, v1;
	v41 =	vadd.s32 $0x7, v19;
	v42 =	vor.u32 $0x1, v20;
	v43 =	vld.idx.msk [tilespmem:v4+s1+$0x0], $0xffff  }
0x218: {  	v28 =	vadd.s32 $0x8, v1;
	v44 =	vor.u32 $0x3, v20;
	v45 =	vadd.s32 $0x4, v20;
	v46 =	vld.idx.msk [tilespmem:v6+s1+$0x0], $0xffff  }
0x219: {  	v47 =	vadd.s32 $0x6, v20;
	v48 =	vadd.s32 $0x7, v20;
	v21 =	vor.u32 $0x2, v26;
	v49 =	vld.idx.msk [tilespmem:v8+s1+$0x0], $0xffff  }
0x21a: {  	v51 =	vadd.s32 $0x9, v1;
	v22 =	vadd.s32 $0x5, v26;
	v18 =	vadd.s32 $0x8, v26;
	v50 =	vld.idx.msk [tilespmem:v9+s1+$0x0], $0xffff  }
0x21b: {  	v53 =	vadd.s32 $0xA, v1;
	v17 =	vor.u32 $0x2, v19;
	v16 =	vadd.s32 $0x5, v19;
	v52 =	vld.idx.msk [tilespmem:v10+s1+$0x0], $0xffff  }
0x21c: {  	v55 =	vadd.s32 $0xB, v1;
	v15 =	vadd.s32 $0x8, v19;
	v4 =	vor.u32 $0x2, v20;
	v54 =	vld.idx.msk [tilespmem:v11+s1+$0x0], $0xffff  }
0x21d: {  	v6 =	vadd.s32 $0x8, v20;
	v9 =	vadd.s32 $0x9, v26;
	v11 =	vadd.s32 $0x5, v20;
	v56 =	vld.idx.msk [tilespmem:v28+s1+$0x0], $0xffff  }
0x21e: {  	v8 =	vadd.s32 $0xB, v26;
	v38 =	vmul.f32 v12, v38;
	v10 =	vadd.s32 $0xA, v26;
	v28 =	vld.idx.msk [tilespmem:v7+s1+$0x0], $0xffff  }
0x21f: {  	v1 =	vadd.s32 $0x9, v19;
	v57 =	vmul.f32 v13, v5;
	v43 =	vmul.f32 v35, v43;
	v51 =	vld.idx.msk [tilespmem:v51+s1+$0x0], $0xffff  }
0x220: {  	v5 =	vadd.s32 $0xA, v19;
	v46 =	vmul.f32 v12, v46;
	v49 =	vmul.f32 v35, v49;
	v53 =	vld.idx.msk [tilespmem:v53+s1+$0x0], $0xffff  }
0x221: {  	v7 =	vadd.s32 $0xB, v19;
	v50 =	vmul.f32 v12, v50;
	v35 =	vmul.f32 v35, v52;
	v55 =	vld.idx.msk [tilespmem:v55+s1+$0x0], $0xffff  }
0x222: {  	v52 =	vld.idx.msk [tilespmem:v14+s1+$0x0], $0xffff;
	v14 =	vadd.f32 v43, v38;
	v38 =	vadd.f32 v49, v46;
	v43 =	vmul.f32 v13, v54  }
0x223: {  	v12 =	vadd.s32 $0x9, v20;
	v35 =	vadd.f32 v35, v50;
	v46 =	vmul.f32 v13, v56;
	v36 =	vld.idx.msk [tilespmem:v36+s1+$0x0], $0xffff  }
0x224: {  	v13 =	vadd.s32 $0xA, v20;
	v37 =	vld.idx.msk [tilespmem:v37+s1+$0x0], $0xffff;
	v49 =	vadd.f32 v57, v14;
	v38 =	vadd.f32 v43, v38  }
0x225: {  	v31 =	vand.u32 $0x7FFFFFFF, v31;
	v14 =	vadd.s32 $0xB, v20;
	v35 =	vadd.f32 v46, v35;
	v39 =	vld.idx.msk [tilespmem:v39+s1+$0x0], $0xffff  }
0x226: {  	vm2 =	veq.f32 v30, $2.000000000e+00;
	v32 =	vld.idx.msk [tilespmem:v32+s1+$0x0], $0xffff;
	v43 =	vadd.f32 v49, v51;
	v38 =	vadd.f32 v38, v53  }
0x227: {  	v30 =	vand.u32 $0x7FFFFFFF, v30;
	vm4 =	veq.f32 v29, $2.000000000e+00;
	v35 =	vadd.f32 v35, v55;
	v33 =	vld.idx.msk [tilespmem:v33+s1+$0x0], $0xffff  }
0x228: {  	v29 =	vand.u32 $0x7FFFFFFF, v29;
	v34 =	vld.idx.msk [tilespmem:v34+s1+$0x0], $0xffff;
	v43 =	vand.u32 $0x7FFFFFFF, v43;
	v38 =	vand.u32 $0x7FFFFFFF, v38  }
0x229: {  	v35 =	vand.u32 $0x7FFFFFFF, v35;
	v40 =	vld.idx.msk [tilespmem:v40+s1+$0x0], $0xffff;
	v46 =	vmul.f32 v43, v0;
	v49 =	vmul.f32 v38, v0  }
0x22a: {  	vm5 =	veq.f32 v27, $2.000000000e+00;
	v27 =	vand.u32 $0x7FFFFFFF, v27;
	v50 =	vmul.f32 v35, v0;
	v41 =	vld.idx.msk [tilespmem:v41+s1+$0x0], $0xffff  }
0x22b: {  	vm6 =	veq.f32 v25, $2.000000000e+00;
	v42 =	vld.idx.msk [tilespmem:v42+s1+$0x0], $0xffff;
	v46 =	vfloor.f32 v46;
	v49 =	vfloor.f32 v49  }
0x22c: {  	v50 =	vfloor.f32 v50;
	v44 =	vld.idx.msk [tilespmem:v44+s1+$0x0], $0xffff;
	v46 =	vadd.f32 v46, v46;
	v49 =	vadd.f32 v49, v49  }
0x22d: {  	v25 =	vand.u32 $0x7FFFFFFF, v25;
	vm7 =	veq.f32 v24, $2.000000000e+00;
	v50 =	vadd.f32 v50, v50;
	v45 =	vld.idx.msk [tilespmem:v45+s1+$0x0], $0xffff  }
0x22e: {  	v47 =	vld.idx.msk [tilespmem:v47+s1+$0x0], $0xffff;
	v43 =	vsub.f32 v43, v46;
	v38 =	vsub.f32 v38, v49;
	v46 =	vand.u32 $0x7FFFFFFF, v24  }
0x22f: {  	vm3 =	veq.f32 v23, $2.000000000e+00;
	v24 =	vsub.f32 v35, v50;
	v35 =	vand.u32 $0x7FFFFFFF, v23;
	v48 =	vld.idx.msk [tilespmem:v48+s1+$0x0], $0xffff  }
0x230: {  	v26 =	vld.idx.msk [tilespmem:v26+s1+$0x0], $0xffff;
	vm8 =	veq.f32 v43, $2.000000000e+00;
	v23 =	vand.u32 $0x7FFFFFFF, v43;
	vm9 =	veq.f32 v38, $2.000000000e+00  }
0x231: {  	v43 =	vld.idx.msk [tilespmem:v19+s1+$0x0], $0xffff;
	v19 =	vsel vm8, $0x0, v23;
	v23 =	vand.u32 $0x7FFFFFFF, v38;
	vm8 =	veq.f32 v24, $2.000000000e+00  }
0x232: {  	v24 =	vand.u32 $0x7FFFFFFF, v24;
	v38 =	vld.idx.msk [tilespmem:v20+s1+$0x0], $0xffff;
	v20 =	vsub.f32 $2.000000000e+00, v19;
	v23 =	vsel vm9, $0x0, v23  }
0x233: {  	vm9 =	vle.f32 v19, $1.000000000e+00;
	v24 =	vsel vm8, $0x0, v24;
	v49 =	vld [tilespmem:s10+$0xFFFFFFE0];
	v50 =	vsub.f32 $2.000000000e+00, v23  }
0x234: {  	s12 =	sadd.s32 $0x40, s12;
	vm8 =	vle.f32 v23, $1.000000000e+00;
	v51 =	vld [tilespmem:s11+$0xFFFFFFE0];
	v19 =	vsel vm9, v19, v20;
	v20 =	vsub.f32 $2.000000000e+00, v24  }
0x235: {  	s13 =	sadd.s32 $0x40, s13;
	vm9 =	vle.f32 v24, $1.000000000e+00;
	v53 =	vld [tilespmem:s10+$0xFFFFFFF0];
	[tilespmem:s12+$0x10] =	vst v19;
	v19 =	vsel vm8, v23, v50;
	vm8 =	veq.f32 v3, $2.000000000e+00  }
0x236: {  	s14 =	sadd.s32 $0x40, s14;
	v54 =	vsel vm0, $0x0, v2;
	v55 =	vand.u32 $0x7FFFFFFF, v3;
	v50 =	vld [tilespmem:s11+$0xFFFFFFF0];
	[tilespmem:s13+$0x10] =	vst v19;
	v19 =	vsel vm9, v24, v20  }
0x237: {  	v23 =	vsel vm2, $0x0, v30;
	v24 =	vsel vm1, $0x0, v31;
	v56 =	vld [tilespmem:s10+$0x0];
	[tilespmem:s14+$0x10] =	vst v19;
	v19 =	vsel vm4, $0x0, v29  }
0x238: {  	v20 =	vsel vm5, $0x0, v27;
	v29 =	vmul.f32 v49, v52;
	v30 =	vmul.f32 v49, v37;
	v31 =	vld [tilespmem:s11+$0x0]  }
0x239: {  	v2 =	vsel vm6, $0x0, v25;
	v21 =	vld.idx.msk [tilespmem:v21+s1+$0x0], $0xffff;
	v27 =	vmul.f32 v51, v28;
	v28 =	vmul.f32 v51, v36  }
0x23a: {  	v3 =	vsel vm7, $0x0, v46;
	v25 =	vmul.f32 v51, v39;
	v22 =	vld.idx.msk [tilespmem:v22+s1+$0x0], $0xffff;
	v33 =	vmul.f32 v53, v33  }
0x23b: {  	v18 =	vld.idx.msk [tilespmem:v18+s1+$0x0], $0xffff;
	v28 =	vadd.f32 v28, v29;
	v29 =	vmul.f32 v50, v32;
	v32 =	vmul.f32 v50, v34  }
0x23c: {  	v25 =	vadd.f32 v25, v30;
	v30 =	vmul.f32 v53, v40;
	v34 =	vmul.f32 v50, v41;
	v17 =	vld.idx.msk [tilespmem:v17+s1+$0x0], $0xffff  }
0x23d: {  	v36 =	vmul.f32 v56, v44;
	v16 =	vld.idx.msk [tilespmem:v16+s1+$0x0], $0xffff;
	v32 =	vadd.f32 v32, v33;
	v33 =	vmul.f32 v31, v42  }
0x23e: {  	v37 =	vmul.f32 v56, v47;
	v30 =	vadd.f32 v34, v30;
	v34 =	vmul.f32 v31, v45;
	v15 =	vld.idx.msk [tilespmem:v15+s1+$0x0], $0xffff  }
0x23f: {  	v26 =	vmul.f32 v49, v26;
	v31 =	vmul.f32 v31, v48;
	v39 =	vld.idx.msk [tilespmem:v4+s1+$0x0], $0xffff;
	v4 =	vsel vm3, $0x0, v35  }
0x240: {  	v35 =	vmul.f32 v53, v43;
	v34 =	vadd.f32 v34, v36;
	v40 =	vld.idx.msk [tilespmem:v11+s1+$0x0], $0xffff;
	v11 =	vmul.f32 v56, v38  }
0x241: {  	v26 =	vadd.f32 v27, v26;
	v31 =	vadd.f32 v31, v37;
	v27 =	vld.idx.msk [tilespmem:v6+s1+$0x0], $0xffff;
	v6 =	vsel vm8, $0x0, v55  }
0x242: {  	v29 =	vadd.f32 v29, v35;
	vm8 =	vle.f32 v54, $1.000000000e+00;
	v36 =	vld [tilespmem:s9+$0xFFFFFFE0];
	v33 =	vadd.f32 v33, v11  }
0x243: {  	vm7 =	vle.f32 v24, $1.000000000e+00;
	v37 =	vsub.f32 $2.000000000e+00, v54;
	v38 =	vsub.f32 $2.000000000e+00, v24;
	v35 =	vld [tilespmem:s9+$0xFFFFFFF0]  }
0x244: {  	vm4 =	vle.f32 v23, $1.000000000e+00;
	v42 =	vsub.f32 $2.000000000e+00, v23;
	v43 =	vsub.f32 $2.000000000e+00, v19;
	v41 =	vld [tilespmem:s9+$0x0]  }
0x245: {  	vm5 =	vle.f32 v19, $1.000000000e+00;
	v45 =	vsub.f32 $2.000000000e+00, v20;
	v11 =	vsub.f32 $2.000000000e+00, v2;
	v44 =	vld.idx.msk [tilespmem:v9+s1+$0x0], $0xffff  }
0x246: {  	vm6 =	vle.f32 v20, $1.000000000e+00;
	v9 =	vsub.f32 $2.000000000e+00, v4;
	v46 =	vld.idx.msk [tilespmem:v10+s1+$0x0], $0xffff;
	v10 =	vsub.f32 $2.000000000e+00, v3  }
0x247: {  	v47 =	vld.idx.msk [tilespmem:v8+s1+$0x0], $0xffff;
	v21 =	vmul.f32 v36, v21;
	v22 =	vmul.f32 v36, v22;
	v8 =	vsub.f32 $2.000000000e+00, v6  }
0x248: {  	vm0 =	vle.f32 v2, $1.000000000e+00;
	v18 =	vmul.f32 v36, v18;
	v1 =	vld.idx.msk [tilespmem:v1+s1+$0x0], $0xffff;
	v17 =	vmul.f32 v35, v17  }
0x249: {  	v16 =	vmul.f32 v35, v16;
	v15 =	vmul.f32 v35, v15;
	v21 =	vadd.f32 v21, v26;
	v5 =	vld.idx.msk [tilespmem:v5+s1+$0x0], $0xffff  }
0x24a: {  	v22 =	vadd.f32 v22, v28;
	v26 =	vmul.f32 v41, v39;
	v28 =	vmul.f32 v41, v40;
	v7 =	vld.idx.msk [tilespmem:v7+s1+$0x0], $0xffff  }
0x24b: {  	v18 =	vadd.f32 v18, v25;
	v17 =	vadd.f32 v17, v29;
	v25 =	vld.idx.msk [tilespmem:v12+s1+$0x0], $0xffff;
	v12 =	vmul.f32 v41, v27  }
0x24c: {  	vm2 =	vle.f32 v3, $1.000000000e+00;
	v16 =	vadd.f32 v16, v32;
	v15 =	vadd.f32 v15, v30;
	v13 =	vld.idx.msk [tilespmem:v13+s1+$0x0], $0xffff  }
0x24d: {  	vm3 =	vle.f32 v4, $1.000000000e+00;
	v26 =	vadd.f32 v26, v33;
	v28 =	vadd.f32 v28, v34;
	v27 =	vld.idx.msk [tilespmem:v14+s1+$0x0], $0xffff  }
0x24e: {  	vm1 =	vle.f32 v6, $1.000000000e+00;
	v14 =	vadd.f32 v21, v44;
	v21 =	vadd.f32 v12, v31  }
0x24f: {  	v29 =	vsel vm8, v54, v37;
	v22 =	vadd.f32 v22, v46;
	v18 =	vadd.f32 v18, v47  }
0x250: {  	v1 =	vadd.f32 v17, v1;
	v5 =	vadd.f32 v16, v5;
	v12 =	vand.u32 $0x7FFFFFFF, v14;
	[tilespmem:s16+$0xFFFFFFE0] =	vst v29  }
0x251: {  	v14 =	vand.u32 $0x7FFFFFFF, v22;
	v7 =	vadd.f32 v15, v7;
	v17 =	vadd.f32 v26, v25  }
0x252: {  	v15 =	vand.u32 $0x7FFFFFFF, v18;
	v16 =	vand.u32 $0x7FFFFFFF, v1;
	v18 =	vadd.f32 v28, v13  }
0x253: {  	v1 =	vand.u32 $0x7FFFFFFF, v5;
	v13 =	vand.u32 $0x7FFFFFFF, v7;
	v7 =	vadd.f32 v21, v27  }
0x254: {  	v21 =	vmul.f32 v12, v0;
	v5 =	vand.u32 $0x7FFFFFFF, v17;
	v17 =	vand.u32 $0x7FFFFFFF, v18  }
0x255: {  	v22 =	vmul.f32 v15, v0;
	v18 =	vmul.f32 v14, v0;
	v7 =	vand.u32 $0x7FFFFFFF, v7  }
0x256: {  	v24 =	vsel vm7, v24, v38;
	v25 =	vmul.f32 v16, v0;
	v26 =	vmul.f32 v1, v0  }
0x257: {  	v23 =	vsel vm4, v23, v42;
	v27 =	vmul.f32 v13, v0;
	v28 =	vmul.f32 v5, v0;
	[tilespmem:s17+$0xFFFFFFE0] =	vst v24  }
0x258: {  	v19 =	vsel vm5, v19, v43;
	v29 =	vmul.f32 v7, v0;
	v24 =	vmul.f32 v17, v0;
	[tilespmem:s15+$0xFFFFFFE0] =	vst v23  }
.Ltmp1:
0x259: {  	v21 =	vfloor.f32 v21;
	v23 =	vfloor.f32 v18;
	[tilespmem:s16+$0xFFFFFFF0] =	vst v19;
	v19 =	vsel vm6, v20, v45;
	(pc) =	sbr.rel @p0 .LBB2_4-.Ltmp1, $4  }
0x25a: {  	v18 =	vadd.f32 v21, v21;
	v21 =	vfloor.f32 v25;
	v20 =	vfloor.f32 v22;
	[tilespmem:s17+$0xFFFFFFF0] =	vst v19  }
0x25b: {  	v26 =	vfloor.f32 v26;
	v19 =	vadd.f32 v23, v23;
	v23 =	vfloor.f32 v27  }
0x25c: {  	v25 =	vfloor.f32 v28;
	v24 =	vfloor.f32 v24;
	v20 =	vadd.f32 v20, v20  }
0x25d: {  	s19 =	sadd.s32 $0x40, s19;
	v22 =	vadd.f32 v21, v21;
	v21 =	vadd.f32 v26, v26;
	v26 =	vfloor.f32 v29  }
0x25e: {  	v23 =	vadd.f32 v23, v23;
	v25 =	vadd.f32 v25, v25  }
0x25f: {  	v2 =	vsel vm0, v2, v11;
	v11 =	vadd.f32 v24, v24;
	v24 =	vadd.f32 v26, v26  }
0x260: {  	v3 =	vsel vm2, v3, v10;
	v10 =	vsub.f32 v12, v18;
	v12 =	vsub.f32 v14, v19  }
0x261: {  	v4 =	vsel vm3, v4, v9;
	v9 =	vsub.f32 v15, v20;
	v14 =	vsub.f32 v16, v22  }
0x262: {  	v6 =	vsel vm1, v6, v8;
	v1 =	vsub.f32 v1, v21;
	v8 =	vsub.f32 v13, v23  }
0x263: {  	vm0 =	veq.f32 v10, $2.000000000e+00;
	v5 =	vsub.f32 v5, v25;
	v11 =	vsub.f32 v17, v11  }
0x264: {  	v10 =	vand.u32 $0x7FFFFFFF, v10;
	v7 =	vsub.f32 v7, v24;
	vm1 =	veq.f32 v12, $2.000000000e+00  }
0x265: {  	v12 =	vand.u32 $0x7FFFFFFF, v12;
	vm2 =	veq.f32 v9, $2.000000000e+00;
	v9 =	vand.u32 $0x7FFFFFFF, v9  }
0x266: {  	vm3 =	veq.f32 v14, $2.000000000e+00;
	v13 =	vand.u32 $0x7FFFFFFF, v14;
	vm4 =	veq.f32 v1, $2.000000000e+00  }
0x267: {  	v1 =	vand.u32 $0x7FFFFFFF, v1;
	v10 =	vsel vm0, $0x0, v10;
	v12 =	vsel vm1, $0x0, v12  }
0x268: {  	v9 =	vsel vm2, $0x0, v9;
	vm5 =	veq.f32 v8, $2.000000000e+00;
	v8 =	vand.u32 $0x7FFFFFFF, v8  }
0x269: {  	vm6 =	veq.f32 v5, $2.000000000e+00;
	v5 =	vand.u32 $0x7FFFFFFF, v5;
	vm7 =	veq.f32 v11, $2.000000000e+00  }
0x26a: {  	v11 =	vand.u32 $0x7FFFFFFF, v11;
	vm8 =	veq.f32 v7, $2.000000000e+00;
	v7 =	vand.u32 $0x7FFFFFFF, v7  }
0x26b: {  	[tilespmem:s15+$0xFFFFFFF0] =	vst v2;
	v2 =	vsel vm3, $0x0, v13;
	v1 =	vsel vm4, $0x0, v1;
	vm0 =	vle.f32 v10, $1.000000000e+00  }
0x26c: {  	[tilespmem:s16+$0x0] =	vst v3;
	v3 =	vsel vm6, $0x0, v5;
	v5 =	vsel vm7, $0x0, v11;
	v11 =	vsub.f32 $2.000000000e+00, v10  }
0x26d: {  	[tilespmem:s17+$0x0] =	vst v4;
	vm1 =	vle.f32 v12, $1.000000000e+00;
	v4 =	vsel vm8, $0x0, v7;
	v7 =	vsub.f32 $2.000000000e+00, v12  }
0x26e: {  	[tilespmem:s15+$0x0] =	vst v6;
	v6 =	vsub.f32 $2.000000000e+00, v9;
	v8 =	vsel vm5, $0x0, v8;
	v10 =	vsel vm0, v10, v11  }
0x26f: {  	vm0 =	vle.f32 v9, $1.000000000e+00;
	v11 =	vsub.f32 $2.000000000e+00, v2;
	v7 =	vsel vm1, v12, v7;
	[tilespmem:s12+$0xFFFFFFE0] =	vst v10  }
0x270: {  	vm1 =	vle.f32 v2, $1.000000000e+00;
	v10 =	vsub.f32 $2.000000000e+00, v1;
	v6 =	vsel vm0, v9, v6;
	[tilespmem:s13+$0xFFFFFFE0] =	vst v7  }
0x271: {  	vm0 =	vle.f32 v1, $1.000000000e+00;
	v7 =	vsub.f32 $2.000000000e+00, v8;
	v2 =	vsel vm1, v2, v11;
	[tilespmem:s14+$0xFFFFFFE0] =	vst v6  }
0x272: {  	vm1 =	vle.f32 v8, $1.000000000e+00;
	v6 =	vsub.f32 $2.000000000e+00, v3;
	[tilespmem:s12+$0xFFFFFFF0] =	vst v2;
	v1 =	vsel vm0, v1, v10  }
0x273: {  	v2 =	vsub.f32 $2.000000000e+00, v5;
	vm0 =	vle.f32 v3, $1.000000000e+00;
	[tilespmem:s13+$0xFFFFFFF0] =	vst v1;
	v1 =	vsel vm1, v8, v7  }
0x274: {  	v7 =	vsub.f32 $2.000000000e+00, v4;
	vm1 =	vle.f32 v5, $1.000000000e+00;
	[tilespmem:s14+$0xFFFFFFF0] =	vst v1;
	v1 =	vsel vm0, v3, v6  }
0x275: {  	vm0 =	vle.f32 v4, $1.000000000e+00;
	[tilespmem:s12+$0x0] =	vst v1;
	v1 =	vsel vm1, v5, v2  }
0x276: {  	[tilespmem:s13+$0x0] =	vst v1;
	v1 =	vsel vm0, v4, v7  }
0x277: {  	[tilespmem:s14+$0x0] =	vst v1  }
0x278: {  	s10 =	simm.s32 $0x14F00;
	s9 =	rddreg [dreg:$0xe]  }
0x279: {  	[hbm4b:s9+s1] =	stream.linear.scatter [tilespmem:s10], [sflag:$0x4], $0x2000, $0x38;
	[tilespmem:$0x1EF00] =	vst v63  }
0x27a: {  	s17 =	simm.s32 $0x18F00;
	s16 =	rddreg [dreg:$0xf]  }
0x27b: {  	[hbm4b:s16+s1] =	stream.linear.scatter [tilespmem:s17], [sflag:$0x4], $0x2000, $0x38;
	[tilespmem:$0x1EF00] =	vst v63  }
0x27c: {  	s19 =	simm.s32 $0x1CF00;
	s18 =	rddreg [dreg:$0x10]  }
0x27d: {  	[hbm4b:s18+s1] =	stream.linear.scatter [tilespmem:s19], [sflag:$0x4], $0x2000, $0x38;
	[tilespmem:$0x1EF00] =	vst v63  }
0x27e: {  	s12 =	simm.s32 $0x4F00;
	s11 =	rddreg [dreg:$0x13]  }
0x27f: {  	[tilespmem:s12], [sflag:$0x2] =	stream.linear.gather [hbm4b:s11+s1], $0x2000, $0x38;
	[tilespmem:$0x1EF00] =	vst v63  }
0x280: {  	s13 =	simm.s32 $0x8F00  }
0x281: {  	[tilespmem:s13], [sflag:$0x2] =	stream.linear.gather [hbm4b:s20+s1], $0x2000, $0x38;
	[tilespmem:$0x1EF00] =	vst v63  }
0x282: {  	s14 =	simm.s32 $0xCF00  }
0x283: {  	[tilespmem:s14], [sflag:$0x2] =	stream.linear.gather [hbm4b:s22+s1], $0x2000, $0x38;
	[tilespmem:$0x1EF00] =	vst v63  }
0x284: {  	s15 =	simm.s32 $0x10F00  }
0x285: {  	[tilespmem:s15], [sflag:$0x2] =	stream.linear.gather [hbm4b:s24+s1], $0x2000, $0x38;
	[tilespmem:$0x1EF00] =	vst v63  }
0x286: {  	_ =	swait.ge [sflag:s4], $0x2000  }
0x287: {  	[sflag:s4] =	ssyncset.done $0x0  }
0x288: {  	[sflag:s4] =	ssyncadd.s32 $0xFFFFE000  }
0x289: {  	_ =	swait.ge [sflag:s4], $0x2000  }
0x28a: {  	[sflag:s4] =	ssyncset.done $0x0  }
0x28b: {  	[sflag:s4] =	ssyncadd.s32 $0xFFFFE000  }
0x28c: {  	_ =	swait.ge [sflag:s4], $0x2000  }
0x28d: {  	[sflag:s4] =	ssyncset.done $0x0  }
0x28e: {  	[sflag:s4] =	ssyncadd.s32 $0xFFFFE000  }
0x28f: {  	_ =	swait.ge [sflag:s4], $0x2000  }
0x290: {  	[sflag:s4] =	ssyncset.done $0x0  }
0x291: {  	[sflag:s4] =	ssyncadd.s32 $0xFFFFE000  }
0x292: {  	_ =	swait.ge [sflag:s6], $0x2000  }
0x293: {  	[sflag:s6] =	ssyncset.done $0x0  }
0x294: {  	[sflag:s6] =	ssyncadd.s32 $0xFFFFE000  }
0x295: {  	_ =	swait.ge [sflag:s6], $0x2000  }
0x296: {  	[sflag:s6] =	ssyncset.done $0x0  }
0x297: {  	[sflag:s6] =	ssyncadd.s32 $0xFFFFE000  }
0x298: {  	_ =	swait.ge [sflag:s6], $0x2000  }
0x299: {  	[sflag:s6] =	ssyncset.done $0x0  }
0x29a: {  	s16 =	simm.s32 $0x2F20;
	[sflag:s6] =	ssyncadd.s32 $0xFFFFE000  }
0x29b: {  	v1 =	vld [tilespmem:s16+$0x10]  }
0x29c: {  	v2 =	vld [tilespmem:s16+$0xFFFFFFF0]  }
0x29d: {  	v3 =	vld [tilespmem:s16+$0x0]  }
0x29e: {  	s17 =	simm.s32 $0xEF20;
	v4 =	vld [tilespmem:s16+$0xFFFFFFE0]  }
0x29f: {  	s11 =	simm.s32 $0x6F20;
	v7 =	vld [tilespmem:s17+$0x10]  }
0x2a0: {  	s18 =	simm.s32 $0xAF20;
	v9 =	vld [tilespmem:s11+$0x10]  }
0x2a1: {  	v11 =	vld [tilespmem:s18+$0x10]  }
0x2a2: {  	v38 =	vld [tilespmem:s11+$0xFFFFFFE0];
	v1 =	vmul.u32 $0xC, v1  }
0x2a3: {  	v40 =	vld [tilespmem:s18+$0xFFFFFFE0];
	v3 =	vmul.u32 $0xC, v3  }
0x2a4: {  	v42 =	vld [tilespmem:s11+$0xFFFFFFF0]  }
0x2a5: {  	v44 =	vld [tilespmem:s18+$0xFFFFFFF0];
	v5 =	vor.u32 $0x2, v1  }
0x2a6: {  	v54 =	vld [tilespmem:s11+$0x0];
	v6 =	vor.u32 $0x1, v1  }
0x2a7: {  	v55 =	vld [tilespmem:s18+$0x0];
	v8 =	vor.u32 $0x3, v1  }
0x2a8: {  	v10 =	vadd.s32 $0x4, v1;
	v12 =	vld.idx.msk [tilespmem:v1+s1+$0x0], $0xffff  }
0x2a9: {  	v13 =	vadd.s32 $0x6, v1;
	v53 =	vld.idx.msk [tilespmem:v3+s1+$0x0], $0xffff  }
0x2aa: {  	v14 =	vadd.s32 $0x7, v1;
	v5 =	vld.idx.msk [tilespmem:v5+s1+$0x0], $0xffff  }
0x2ab: {  	v4 =	vmul.u32 $0xC, v4;
	v15 =	vadd.s32 $0x5, v1;
	v6 =	vld.idx.msk [tilespmem:v6+s1+$0x0], $0xffff  }
0x2ac: {  	v16 =	vadd.s32 $0x8, v1;
	v8 =	vld.idx.msk [tilespmem:v8+s1+$0x0], $0xffff  }
0x2ad: {  	v17 =	vor.u32 $0x1, v4;
	v10 =	vld.idx.msk [tilespmem:v10+s1+$0x0], $0xffff  }
0x2ae: {  	v18 =	vadd.s32 $0x9, v1;
	v13 =	vld.idx.msk [tilespmem:v13+s1+$0x0], $0xffff  }
0x2af: {  	v19 =	vadd.s32 $0xA, v1;
	v14 =	vld.idx.msk [tilespmem:v14+s1+$0x0], $0xffff  }
0x2b0: {  	v20 =	vor.u32 $0x3, v4;
	v15 =	vld.idx.msk [tilespmem:v15+s1+$0x0], $0xffff  }
0x2b1: {  	v21 =	vadd.s32 $0x4, v4;
	v16 =	vld.idx.msk [tilespmem:v16+s1+$0x0], $0xffff  }
0x2b2: {  	v2 =	vmul.u32 $0xC, v2;
	v22 =	vadd.s32 $0x6, v4;
	v17 =	vld.idx.msk [tilespmem:v17+s1+$0x0], $0xffff  }
0x2b3: {  	v23 =	vadd.s32 $0x7, v4;
	v18 =	vld.idx.msk [tilespmem:v18+s1+$0x0], $0xffff  }
0x2b4: {  	v24 =	vor.u32 $0x1, v2;
	v25 =	vor.u32 $0x3, v2;
	v26 =	vadd.s32 $0x4, v2;
	v19 =	vld.idx.msk [tilespmem:v19+s1+$0x0], $0xffff  }
0x2b5: {  	v27 =	vadd.s32 $0x6, v2;
	v28 =	vadd.s32 $0x7, v2;
	v29 =	vor.u32 $0x1, v3;
	v20 =	vld.idx.msk [tilespmem:v20+s1+$0x0], $0xffff  }
0x2b6: {  	v30 =	vor.u32 $0x3, v3;
	v31 =	vadd.s32 $0x4, v3;
	v32 =	vor.u32 $0x2, v4;
	v21 =	vld.idx.msk [tilespmem:v21+s1+$0x0], $0xffff  }
0x2b7: {  	v33 =	vadd.s32 $0x6, v3;
	v34 =	vadd.s32 $0x7, v3;
	v35 =	vadd.s32 $0x5, v4;
	v22 =	vld.idx.msk [tilespmem:v22+s1+$0x0], $0xffff  }
0x2b8: {  	v49 =	vadd.s32 $0x9, v4;
	v50 =	vadd.s32 $0x5, v3;
	v51 =	vadd.s32 $0x8, v3;
	v23 =	vld.idx.msk [tilespmem:v23+s1+$0x0], $0xffff  }
0x2b9: {  	v36 =	vadd.s32 $0xA, v4;
	v24 =	vld.idx.msk [tilespmem:v24+s1+$0x0], $0xffff;
	v12 =	vmul.f32 v9, v12;
	v6 =	vmul.f32 v11, v6  }
0x2ba: {  	v1 =	vadd.s32 $0xB, v1;
	v25 =	vld.idx.msk [tilespmem:v25+s1+$0x0], $0xffff;
	v5 =	vmul.f32 v7, v5;
	v8 =	vmul.f32 v9, v8  }
0x2bb: {  	v41 =	vadd.s32 $0x9, v2;
	v26 =	vld.idx.msk [tilespmem:v26+s1+$0x0], $0xffff;
	v10 =	vmul.f32 v11, v10;
	v9 =	vmul.f32 v9, v13  }
0x2bc: {  	v43 =	vadd.s32 $0xA, v2;
	v27 =	vld.idx.msk [tilespmem:v27+s1+$0x0], $0xffff;
	v11 =	vmul.f32 v11, v14;
	v20 =	vmul.f32 v38, v20  }
0x2bd: {  	v45 =	vadd.s32 $0x9, v3;
	v32 =	vld.idx.msk [tilespmem:v32+s1+$0x0], $0xffff;
	v22 =	vmul.f32 v38, v22;
	v17 =	vmul.f32 v40, v17  }
0x2be: {  	v46 =	vadd.s32 $0xA, v3;
	v35 =	vld.idx.msk [tilespmem:v35+s1+$0x0], $0xffff;
	v21 =	vmul.f32 v40, v21;
	v23 =	vmul.f32 v40, v23  }
0x2bf: {  	v1 =	vld.idx.msk [tilespmem:v1+s1+$0x0], $0xffff;
	v13 =	vadd.s32 $0x8, v4;
	v25 =	vmul.f32 v42, v25;
	v24 =	vmul.f32 v44, v24  }
0x2c0: {  	v14 =	vld.idx.msk [tilespmem:v30+s1+$0x0], $0xffff;
	v26 =	vmul.f32 v44, v26;
	v6 =	vadd.f32 v6, v12;
	v8 =	vadd.f32 v10, v8  }
0x2c1: {  	v12 =	vld.idx.msk [tilespmem:v29+s1+$0x0], $0xffff;
	v10 =	vmul.f32 v7, v15;
	v9 =	vadd.f32 v11, v9;
	v7 =	vmul.f32 v7, v16  }
0x2c2: {  	v11 =	vor.u32 $0x2, v2;
	v20 =	vadd.f32 v21, v20;
	v21 =	vld [tilespmem:s17+$0xFFFFFFE0];
	v22 =	vadd.f32 v23, v22  }
0x2c3: {  	v15 =	vadd.s32 $0x5, v2;
	v5 =	vadd.f32 v5, v6;
	v6 =	vld.idx.msk [tilespmem:v31+s1+$0x0], $0xffff;
	v8 =	vadd.f32 v10, v8  }
0x2c4: {  	v16 =	vadd.s32 $0x8, v2;
	v25 =	vadd.f32 v26, v25;
	v10 =	vld.idx.msk [tilespmem:v33+s1+$0x0], $0xffff;
	v7 =	vadd.f32 v7, v9  }
0x2c5: {  	v9 =	vld.idx.msk [tilespmem:v34+s1+$0x0], $0xffff;
	v14 =	vmul.f32 v54, v14;
	v5 =	vadd.f32 v5, v18;
	v8 =	vadd.f32 v8, v19  }
0x2c6: {  	v13 =	vld.idx.msk [tilespmem:v13+s1+$0x0], $0xffff;
	v18 =	vor.u32 $0x2, v3;
	v1 =	vadd.f32 v7, v1;
	v12 =	vmul.f32 v55, v12  }
0x2c7: {  	v23 =	vld [tilespmem:s17+$0xFFFFFFF0];
	v59 =	vmul.f32 v21, v35;
	v5 =	vand.u32 $0x7FFFFFFF, v5;
	v8 =	vand.u32 $0x7FFFFFFF, v8  }
0x2c8: {  	v19 =	vld.idx.msk [tilespmem:v4+s1+$0x0], $0xffff;
	v1 =	vand.u32 $0x7FFFFFFF, v1;
	v52 =	vmul.f32 v5, v0;
	v37 =	vmul.f32 v8, v0  }
0x2c9: {  	v7 =	vld.idx.msk [tilespmem:v2+s1+$0x0], $0xffff;
	v4 =	vadd.s32 $0xB, v4;
	v39 =	vmul.f32 v1, v0;
	v6 =	vmul.f32 v55, v6  }
0x2ca: {  	v2 =	vadd.s32 $0xB, v2;
	v11 =	vld.idx.msk [tilespmem:v11+s1+$0x0], $0xffff;
	v10 =	vmul.f32 v54, v10;
	v9 =	vmul.f32 v55, v9  }
0x2cb: {  	v58 =	vld.idx.msk [tilespmem:v50+s1+$0x0], $0xffff;
	v3 =	vadd.s32 $0xB, v3;
	v13 =	vmul.f32 v21, v13;
	v33 =	vfloor.f32 v52  }
0x2cc: {  	v15 =	vld.idx.msk [tilespmem:v15+s1+$0x0], $0xffff;
	v20 =	vadd.f32 v59, v20;
	v37 =	vfloor.f32 v37;
	v39 =	vfloor.f32 v39  }
0x2cd: {  	v16 =	vld.idx.msk [tilespmem:v16+s1+$0x0], $0xffff;
	v19 =	vmul.f32 v38, v19;
	v6 =	vadd.f32 v6, v14;
	v9 =	vadd.f32 v9, v10  }
0x2ce: {  	v26 =	vld.idx.msk [tilespmem:v51+s1+$0x0], $0xffff;
	v7 =	vmul.f32 v42, v7;
	v33 =	vadd.f32 v33, v33;
	v37 =	vadd.f32 v37, v37  }
0x2cf: {  	v18 =	vld.idx.msk [tilespmem:v18+s1+$0x0], $0xffff;
	v39 =	vadd.f32 v39, v39;
	v11 =	vmul.f32 v23, v11;
	v13 =	vadd.f32 v13, v22  }
0x2d0: {  	v14 =	vld [tilespmem:s17+$0x0];
	v17 =	vadd.f32 v17, v19;
	v7 =	vadd.f32 v24, v7;
	v24 =	vmul.f32 v21, v32  }
0x2d1: {  	v4 =	vld.idx.msk [tilespmem:v4+s1+$0x0], $0xffff;
	v15 =	vmul.f32 v23, v15;
	v5 =	vsub.f32 v5, v33;
	v8 =	vsub.f32 v8, v37  }
0x2d2: {  	v10 =	vld.idx.msk [tilespmem:v49+s1+$0x0], $0xffff;
	v16 =	vmul.f32 v23, v16;
	v1 =	vsub.f32 v1, v39;
	v17 =	vadd.f32 v24, v17  }
0x2d3: {  	v23 =	vld.idx.msk [tilespmem:v43+s1+$0x0], $0xffff;
	v7 =	vadd.f32 v11, v7;
	v11 =	vadd.f32 v15, v25;
	vm0 =	veq.f32 v5, $2.000000000e+00  }
0x2d4: {  	v28 =	vld.idx.msk [tilespmem:v28+s1+$0x0], $0xffff;
	v5 =	vand.u32 $0x7FFFFFFF, v5;
	vm1 =	veq.f32 v8, $2.000000000e+00;
	v8 =	vand.u32 $0x7FFFFFFF, v8  }
0x2d5: {  	v19 =	vld.idx.msk [tilespmem:v36+s1+$0x0], $0xffff;
	vm2 =	veq.f32 v1, $2.000000000e+00;
	v1 =	vand.u32 $0x7FFFFFFF, v1;
	v18 =	vmul.f32 v14, v18  }
0x2d6: {  	v21 =	vld.idx.msk [tilespmem:v41+s1+$0x0], $0xffff;
	v22 =	vmul.f32 v14, v58;
	v14 =	vmul.f32 v14, v26;
	v4 =	vadd.f32 v13, v4  }
0x2d7: {  	v5 =	vsel vm0, $0x0, v5;
	v8 =	vsel vm1, $0x0, v8;
	v47 =	vsel vm2, $0x0, v1  }
0x2d8: {  	v1 =	vmul.f32 v42, v27;
	v10 =	vadd.f32 v17, v10;
	v11 =	vadd.f32 v11, v23  }
0x2d9: {  	v3 =	vld.idx.msk [tilespmem:v3+s1+$0x0], $0xffff;
	v27 =	vmul.f32 v44, v28;
	v56 =	vsub.f32 $2.000000000e+00, v5;
	v57 =	vsub.f32 $2.000000000e+00, v8  }
0x2da: {  	vm0 =	vle.f32 v5, $1.000000000e+00;
	v6 =	vadd.f32 v22, v6;
	v9 =	vadd.f32 v14, v9  }
0x2db: {  	v14 =	vadd.f32 v20, v19;
	v7 =	vadd.f32 v7, v21;
	v4 =	vand.u32 $0x7FFFFFFF, v4  }
0x2dc: {  	v2 =	vld.idx.msk [tilespmem:v2+s1+$0x0], $0xffff;
	v20 =	vsub.f32 $2.000000000e+00, v47;
	v1 =	vadd.f32 v27, v1;
	v27 =	vmul.f32 v54, v53  }
0x2dd: {  	v10 =	vand.u32 $0x7FFFFFFF, v10;
	v13 =	vand.u32 $0x7FFFFFFF, v14;
	v14 =	vand.u32 $0x7FFFFFFF, v7  }
0x2de: {  	v15 =	vld.idx.msk [tilespmem:v45+s1+$0x0], $0xffff;
	v3 =	vadd.f32 v9, v3;
	v7 =	vmul.f32 v10, v0;
	v12 =	vadd.f32 v12, v27  }
0x2df: {  	v16 =	vadd.f32 v16, v1;
	v1 =	vsel vm0, v5, v56;
	v5 =	vld.idx.msk [tilespmem:v46+s1+$0x0], $0xffff;
	v9 =	vmul.f32 v13, v0  }
0x2e0: {  	vm0 =	vle.f32 v8, $1.000000000e+00;
	v3 =	vand.u32 $0x7FFFFFFF, v3;
	v7 =	vfloor.f32 v7  }
0x2e1: {  	v12 =	vadd.f32 v18, v12;
	v2 =	vadd.f32 v16, v2;
	v9 =	vfloor.f32 v9  }
0x2e2: {  	v21 =	vmul.f32 v3, v0;
	v7 =	vadd.f32 v7, v7;
	v9 =	vadd.f32 v9, v9  }
0x2e3: {  	v12 =	vadd.f32 v12, v15;
	v2 =	vand.u32 $0x7FFFFFFF, v2;
	v15 =	vmul.f32 v14, v0  }
0x2e4: {  	v21 =	vfloor.f32 v21;
	v26 =	vsub.f32 v10, v7;
	v5 =	vadd.f32 v6, v5  }
0x2e5: {  	v6 =	vand.u32 $0x7FFFFFFF, v11;
	v17 =	vmul.f32 v2, v0;
	v24 =	vadd.f32 v21, v21  }
0x2e6: {  	v28 =	vsub.f32 v13, v9;
	v11 =	vand.u32 $0x7FFFFFFF, v12;
	v12 =	vmul.f32 v4, v0  }
0x2e7: {  	s19 =	simm.s32 $0x2F60;
	v15 =	vfloor.f32 v15;
	v16 =	vand.u32 $0x7FFFFFFF, v5;
	v5 =	vmul.f32 v6, v0  }
0x2e8: {  	v25 =	vld [tilespmem:s19+$0x0];
	v18 =	vmul.f32 v11, v0;
	v17 =	vfloor.f32 v17;
	v15 =	vadd.f32 v15, v15  }
0x2e9: {  	v9 =	vld [tilespmem:s19+$0xFFFFFFE0];
	v3 =	vsub.f32 v3, v24;
	vm1 =	veq.f32 v28, $2.000000000e+00;
	v28 =	vand.u32 $0x7FFFFFFF, v28  }
0x2ea: {  	v23 =	vld [tilespmem:s19+$0x10];
	v19 =	vmul.f32 v16, v0;
	v12 =	vfloor.f32 v12;
	v17 =	vadd.f32 v17, v17  }
0x2eb: {  	v5 =	vfloor.f32 v5;
	v12 =	vadd.f32 v12, v12;
	v18 =	vfloor.f32 v18  }
0x2ec: {  	v30 =	vsub.f32 v14, v15;
	v19 =	vfloor.f32 v19;
	v22 =	vadd.f32 v5, v5  }
0x2ed: {  	v18 =	vadd.f32 v18, v18;
	v5 =	vsel vm0, v8, v57;
	vm0 =	vle.f32 v47, $1.000000000e+00  }
0x2ee: {  	v33 =	vsub.f32 v2, v17;
	v2 =	vmul.u32 $0xC, v25;
	v24 =	vmul.u32 $0xC, v9  }
0x2ef: {  	v19 =	vadd.f32 v19, v19;
	v29 =	vsub.f32 v4, v12;
	v12 =	vmul.u32 $0xC, v23  }
0x2f0: {  	v7 =	vsel vm0, v47, v20;
	vm0 =	veq.f32 v26, $2.000000000e+00;
	vm3 =	veq.f32 v30, $2.000000000e+00  }
0x2f1: {  	s9 =	simm.s32 $0xEF60;
	v8 =	vld [tilespmem:s19+$0xFFFFFFF0];
	v22 =	vsub.f32 v6, v22;
	v10 =	vsub.f32 v11, v18;
	v37 =	vadd.s32 $0x4, v24  }
0x2f2: {  	s10 =	simm.s32 $0x6F60;
	v14 =	vld [tilespmem:s9+$0x10];
	v6 =	vand.u32 $0x7FFFFFFF, v26;
	v18 =	vor.u32 $0x3, v24;
	v38 =	vadd.s32 $0x6, v24  }
0x2f3: {  	s11 =	simm.s32 $0xAF60;
	v15 =	vld [tilespmem:s10+$0x10];
	v39 =	vadd.s32 $0x7, v24;
	v43 =	vor.u32 $0x1, v2;
	v9 =	vor.u32 $0x1, v12  }
0x2f4: {  	v17 =	vld [tilespmem:s11+$0x10];
	v45 =	vor.u32 $0x3, v2;
	v46 =	vadd.s32 $0x4, v2;
	v11 =	vor.u32 $0x3, v12  }
0x2f5: {  	v31 =	vor.u32 $0x2, v24;
	v4 =	vsub.f32 v16, v19;
	v13 =	vadd.s32 $0x4, v12;
	v19 =	vld.idx.msk [tilespmem:v12+s1+$0x0], $0xffff  }
0x2f6: {  	v49 =	vadd.s32 $0x6, v2;
	v21 =	vmul.u32 $0xC, v8;
	v8 =	vor.u32 $0x2, v12;
	v37 =	vld.idx.msk [tilespmem:v37+s1+$0x0], $0xffff  }
0x2f7: {  	v50 =	vadd.s32 $0x7, v2;
	v32 =	vadd.s32 $0x5, v24;
	v20 =	vadd.s32 $0x6, v12;
	v38 =	vld.idx.msk [tilespmem:v38+s1+$0x0], $0xffff  }
0x2f8: {  	v27 =	vadd.s32 $0x8, v24;
	vm5 =	veq.f32 v33, $2.000000000e+00;
	v48 =	vadd.s32 $0x8, v12;
	v61 =	vld.idx.msk [tilespmem:v9+s1+$0x0], $0xffff  }
0x2f9: {  	v16 =	vor.u32 $0x1, v24;
	v52 =	vadd.s32 $0x9, v12;
	v9 =	vadd.s32 $0x5, v12;
	v62 =	vld.idx.msk [tilespmem:v11+s1+$0x0], $0xffff  }
0x2fa: {  	v54 =	vadd.s32 $0xA, v12;
	v56 =	vadd.s32 $0xB, v12;
	vm2 =	veq.f32 v29, $2.000000000e+00;
	v13 =	vld.idx.msk [tilespmem:v13+s1+$0x0], $0xffff  }
0x2fb: {  	v29 =	vand.u32 $0x7FFFFFFF, v29;
	vm4 =	veq.f32 v22, $2.000000000e+00;
	v60 =	vld.idx.msk [tilespmem:v8+s1+$0x0], $0xffff;
	v8 =	vadd.s32 $0x7, v12  }
0x2fc: {  	vm6 =	veq.f32 v10, $2.000000000e+00;
	v10 =	vand.u32 $0x7FFFFFFF, v10;
	v34 =	vor.u32 $0x1, v21;
	v51 =	vld.idx.msk [tilespmem:v20+s1+$0x0], $0xffff  }
0x2fd: {  	v35 =	vor.u32 $0x3, v21;
	v36 =	vadd.s32 $0x4, v21;
	v40 =	vadd.s32 $0x6, v21;
	v48 =	vld.idx.msk [tilespmem:v48+s1+$0x0], $0xffff  }
0x2fe: {  	v42 =	vadd.s32 $0x7, v21;
	v26 =	vor.u32 $0x2, v21;
	v25 =	vadd.s32 $0x5, v21;
	v55 =	vld.idx.msk [tilespmem:v9+s1+$0x0], $0xffff  }
0x2ff: {  	v23 =	vadd.s32 $0x8, v21;
	v52 =	vld.idx.msk [tilespmem:v52+s1+$0x0], $0xffff;
	v19 =	vmul.f32 v15, v19;
	v44 =	vmul.f32 v17, v61  }
0x300: {  	v11 =	vor.u32 $0x2, v2;
	v20 =	vadd.s32 $0x5, v2;
	v47 =	vmul.f32 v15, v62;
	v53 =	vld.idx.msk [tilespmem:v8+s1+$0x0], $0xffff  }
0x301: {  	v39 =	vld.idx.msk [tilespmem:v39+s1+$0x0], $0xffff;
	v57 =	vmul.f32 v17, v13;
	v41 =	vmul.f32 v14, v60;
	v44 =	vadd.f32 v44, v19  }
0x302: {  	v54 =	vld.idx.msk [tilespmem:v54+s1+$0x0], $0xffff;
	v12 =	vadd.s32 $0xA, v24;
	v9 =	vadd.s32 $0x8, v2;
	v13 =	vadd.s32 $0xB, v24  }
0x303: {  	v63 =	vld.idx.msk [tilespmem:v56+s1+$0x0], $0xffff;
	v47 =	vadd.f32 v57, v47;
	v41 =	vadd.f32 v41, v44;
	v58 =	vmul.f32 v14, v55  }
0x304: {  	v15 =	vmul.f32 v15, v51;
	v8 =	vadd.s32 $0x9, v24;
	v55 =	vld.idx.msk [tilespmem:v16+s1+$0x0], $0xffff;
	v14 =	vmul.f32 v14, v48  }
0x305: {  	v48 =	vld.idx.msk [tilespmem:v18+s1+$0x0], $0xffff;
	v41 =	vadd.f32 v41, v52;
	v17 =	vmul.f32 v17, v53;
	v59 =	vadd.f32 v58, v47  }
0x306: {  	v19 =	vadd.s32 $0x9, v21;
	v18 =	vadd.s32 $0xB, v21;
	v16 =	vadd.s32 $0x9, v2;
	v52 =	vld [tilespmem:s10+$0xFFFFFFE0]  }
0x307: {  	v45 =	vld.idx.msk [tilespmem:v45+s1+$0x0], $0xffff;
	v41 =	vand.u32 $0x7FFFFFFF, v41;
	v15 =	vadd.f32 v17, v15;
	v44 =	vadd.f32 v59, v54  }
0x308: {  	v31 =	vld.idx.msk [tilespmem:v31+s1+$0x0], $0xffff;
	v53 =	vand.u32 $0x7FFFFFFF, v22;
	v17 =	vadd.s32 $0xA, v21;
	v61 =	vmul.f32 v41, v0  }
0x309: {  	v32 =	vld.idx.msk [tilespmem:v32+s1+$0x0], $0xffff;
	v54 =	vand.u32 $0x7FFFFFFF, v30;
	v60 =	vadd.f32 v14, v15;
	v44 =	vand.u32 $0x7FFFFFFF, v44  }
0x30a: {  	v27 =	vld.idx.msk [tilespmem:v27+s1+$0x0], $0xffff;
	v14 =	vadd.s32 $0xA, v2;
	v56 =	vfloor.f32 v61;
	v62 =	vmul.f32 v44, v0  }
0x30b: {  	v34 =	vld.idx.msk [tilespmem:v34+s1+$0x0], $0xffff;
	v48 =	vmul.f32 v52, v48;
	v30 =	vadd.f32 v56, v56;
	v47 =	vadd.f32 v60, v63  }
0x30c: {  	v15 =	vadd.s32 $0xB, v2;
	v38 =	vmul.f32 v52, v38;
	v56 =	vld [tilespmem:s9+$0xFFFFFFE0];
	v57 =	vfloor.f32 v62  }
0x30d: {  	v35 =	vld.idx.msk [tilespmem:v35+s1+$0x0], $0xffff;
	v30 =	vsub.f32 v41, v30;
	v47 =	vand.u32 $0x7FFFFFFF, v47;
	v51 =	vadd.f32 v57, v57  }
0x30e: {  	v36 =	vld.idx.msk [tilespmem:v36+s1+$0x0], $0xffff;
	v57 =	vsel vm0, $0x0, v6;
	vm0 =	veq.f32 v3, $2.000000000e+00;
	v63 =	vmul.f32 v47, v0  }
0x30f: {  	v41 =	vld.idx.msk [tilespmem:v24+s1+$0x0], $0xffff;
	vm12 =	veq.f32 v30, $2.000000000e+00;
	v30 =	vand.u32 $0x7FFFFFFF, v30;
	v59 =	vsub.f32 v44, v51  }
0x310: {  	v44 =	vld.idx.msk [tilespmem:v46+s1+$0x0], $0xffff;
	v46 =	vand.u32 $0x7FFFFFFF, v33;
	v30 =	vsel vm12, $0x0, v30;
	vm12 =	veq.f32 v4, $2.000000000e+00  }
0x311: {  	v42 =	vld.idx.msk [tilespmem:v42+s1+$0x0], $0xffff;
	v4 =	vand.u32 $0x7FFFFFFF, v4;
	v31 =	vmul.f32 v56, v31;
	v32 =	vmul.f32 v56, v32  }
0x312: {  	v6 =	vld [tilespmem:s11+$0xFFFFFFF0];
	v27 =	vmul.f32 v56, v27;
	v58 =	vfloor.f32 v63;
	v24 =	vsub.f32 $2.000000000e+00, v30  }
0x313: {  	v51 =	vld [tilespmem:s10+$0xFFFFFFF0];
	vm15 =	vle.f32 v30, $1.000000000e+00;
	v4 =	vsel vm12, $0x0, v4;
	v22 =	vadd.f32 v58, v58  }
0x314: {  	v63 =	vld [tilespmem:s11+$0xFFFFFFE0];
	vm13 =	veq.f32 v59, $2.000000000e+00;
	v60 =	vand.u32 $0x7FFFFFFF, v59;
	v58 =	vand.u32 $0x7FFFFFFF, v3  }
0x315: {  	v59 =	vld [tilespmem:s10+$0x0];
	v3 =	vsel vm6, $0x0, v10;
	v41 =	vmul.f32 v52, v41;
	v33 =	vsel vm13, $0x0, v60  }
0x316: {  	v24 =	vsel vm15, v30, v24;
	v30 =	vsel vm2, $0x0, v29;
	v29 =	vsel vm4, $0x0, v53;
	v53 =	vld.idx.msk [tilespmem:v2+s1+$0x0], $0xffff  }
0x317: {  	v2 =	vsel vm5, $0x0, v46;
	v10 =	vmul.f32 v6, v34;
	v22 =	vsub.f32 v47, v22;
	v47 =	vld.idx.msk [tilespmem:v49+s1+$0x0], $0xffff  }
0x318: {  	v60 =	vmul.f32 v6, v36;
	v6 =	vmul.f32 v6, v42;
	vm13 =	vle.f32 v57, $1.000000000e+00;
	v49 =	vld.idx.msk [tilespmem:v50+s1+$0x0], $0xffff  }
0x319: {  	v46 =	vsub.f32 $2.000000000e+00, v57;
	vm2 =	vle.f32 v3, $1.000000000e+00;
	v50 =	vld.idx.msk [tilespmem:v21+s1+$0x0], $0xffff;
	v21 =	vsub.f32 $2.000000000e+00, v33  }
0x31a: {  	v43 =	vld.idx.msk [tilespmem:v43+s1+$0x0], $0xffff;
	vm10 =	vle.f32 v33, $1.000000000e+00;
	vm4 =	vle.f32 v30, $1.000000000e+00;
	vm15 =	vle.f32 v29, $1.000000000e+00  }
0x31b: {  	v40 =	vld.idx.msk [tilespmem:v40+s1+$0x0], $0xffff;
	v35 =	vmul.f32 v51, v35;
	vm14 =	veq.f32 v22, $2.000000000e+00;
	v55 =	vmul.f32 v63, v55  }
0x31c: {  	v26 =	vld.idx.msk [tilespmem:v26+s1+$0x0], $0xffff;
	v22 =	vand.u32 $0x7FFFFFFF, v22;
	v37 =	vmul.f32 v63, v37;
	v39 =	vmul.f32 v63, v39  }
0x31d: {  	v25 =	vld.idx.msk [tilespmem:v25+s1+$0x0], $0xffff;
	v61 =	vsel vm14, $0x0, v22;
	v22 =	vsel vm10, v33, v21;
	v33 =	vsel vm1, $0x0, v28  }
0x31e: {  	v28 =	vsel vm3, $0x0, v54;
	v54 =	vld [tilespmem:s11+$0x0];
	v34 =	vadd.f32 v60, v35;
	v63 =	vmul.f32 v59, v45  }
0x31f: {  	v60 =	vld.idx.msk [tilespmem:v9+s1+$0x0], $0xffff;
	v9 =	vsub.f32 $2.000000000e+00, v4;
	vm3 =	vle.f32 v4, $1.000000000e+00;
	v62 =	vsub.f32 $2.000000000e+00, v61  }
0x320: {  	v23 =	vld.idx.msk [tilespmem:v23+s1+$0x0], $0xffff;
	vm11 =	vle.f32 v61, $1.000000000e+00;
	v37 =	vadd.f32 v37, v48;
	v41 =	vadd.f32 v55, v41  }
0x321: {  	v13 =	vld.idx.msk [tilespmem:v13+s1+$0x0], $0xffff;
	v36 =	vadd.f32 v39, v38;
	v48 =	vmul.f32 v59, v47;
	v47 =	vsub.f32 $2.000000000e+00, v33  }
0x322: {  	v20 =	vld.idx.msk [tilespmem:v20+s1+$0x0], $0xffff;
	v21 =	vsel vm11, v61, v62;
	v61 =	vmul.f32 v51, v40;
	v31 =	vadd.f32 v31, v41  }
0x323: {  	v12 =	vld.idx.msk [tilespmem:v12+s1+$0x0], $0xffff;
	vm14 =	vle.f32 v33, $1.000000000e+00;
	v32 =	vadd.f32 v32, v37;
	v27 =	vadd.f32 v27, v36  }
0x324: {  	v62 =	vmul.f32 v54, v43;
	v38 =	vadd.f32 v6, v61;
	v6 =	vmul.f32 v54, v44;
	v43 =	vld.idx.msk [tilespmem:v11+s1+$0x0], $0xffff  }
0x325: {  	v52 =	vmul.f32 v54, v49;
	v54 =	vmul.f32 v59, v53;
	v59 =	vld [tilespmem:s9+$0xFFFFFFF0];
	v49 =	vsub.f32 $2.000000000e+00, v30  }
0x326: {  	v11 =	vmul.f32 v51, v50;
	v50 =	vsub.f32 $2.000000000e+00, v28;
	v61 =	vld [tilespmem:s9+$0x0];
	v13 =	vadd.f32 v27, v13  }
0x327: {  	v19 =	vld.idx.msk [tilespmem:v19+s1+$0x0], $0xffff;
	vm5 =	vle.f32 v28, $1.000000000e+00;
	v39 =	vadd.f32 v6, v63;
	v40 =	vadd.f32 v52, v48  }
0x328: {  	v18 =	vld.idx.msk [tilespmem:v18+s1+$0x0], $0xffff;
	v6 =	vsel vm0, $0x0, v58;
	v58 =	vadd.f32 v10, v11;
	v35 =	vadd.f32 v62, v54  }
0x329: {  	v16 =	vld.idx.msk [tilespmem:v16+s1+$0x0], $0xffff;
	v27 =	vsel vm13, v57, v46;
	v62 =	vsub.f32 $2.000000000e+00, v29;
	v11 =	vsub.f32 $2.000000000e+00, v2  }
0x32a: {  	v63 =	vld.idx.msk [tilespmem:v8+s1+$0x0], $0xffff;
	v10 =	vsub.f32 $2.000000000e+00, v3;
	v26 =	vmul.f32 v59, v26;
	v25 =	vmul.f32 v59, v25  }
0x32b: {  	v17 =	vld.idx.msk [tilespmem:v17+s1+$0x0], $0xffff;
	v8 =	vsub.f32 $2.000000000e+00, v6;
	v23 =	vmul.f32 v59, v23;
	v55 =	vmul.f32 v61, v43  }
0x32c: {  	v20 =	vmul.f32 v61, v20;
	v59 =	vld.idx.msk [tilespmem:v15+s1+$0x0], $0xffff;
	v15 =	vadd.f32 v32, v12;
	v26 =	vadd.f32 v26, v58  }
0x32d: {  	v56 =	vmul.f32 v61, v60;
	v25 =	vadd.f32 v25, v34;
	v23 =	vadd.f32 v23, v38  }
0x32e: {  	vm0 =	vle.f32 v2, $1.000000000e+00;
	v35 =	vadd.f32 v55, v35;
	v20 =	vadd.f32 v20, v39  }
0x32f: {  	v30 =	vsel vm4, v30, v49;
	v58 =	vld.idx.msk [tilespmem:v14+s1+$0x0], $0xffff;
	v14 =	vadd.f32 v31, v63;
	v60 =	vadd.f32 v56, v40  }
0x330: {  	v28 =	vsel vm5, v28, v50;
	v19 =	vadd.f32 v26, v19;
	v17 =	vadd.f32 v25, v17  }
0x331: {  	s16 =	simm.s32 $0x12F20;
	v12 =	vand.u32 $0x7FFFFFFF, v14;
	v18 =	vadd.f32 v23, v18;
	v23 =	vadd.f32 v35, v16  }
0x332: {  	s17 =	simm.s32 $0x16F20;
	[tilespmem:s16+$0x10] =	vst v1;
	v14 =	vand.u32 $0x7FFFFFFF, v15;
	v15 =	vand.u32 $0x7FFFFFFF, v13;
	v16 =	vand.u32 $0x7FFFFFFF, v19  }
0x333: {  	[tilespmem:s17+$0x10] =	vst v5;
	v1 =	vand.u32 $0x7FFFFFFF, v17;
	v13 =	vand.u32 $0x7FFFFFFF, v18;
	v5 =	vand.u32 $0x7FFFFFFF, v23  }
0x334: {  	s12 =	simm.s32 $0x12F60;
	v23 =	vmul.f32 v15, v0;
	v19 =	vadd.f32 v20, v58;
	v20 =	vmul.f32 v12, v0  }
0x335: {  	s13 =	simm.s32 $0x16F60;
	[tilespmem:s12+$0x10] =	vst v24;
	v18 =	vadd.f32 v60, v59;
	v24 =	vmul.f32 v16, v0;
	v25 =	vmul.f32 v1, v0  }
0x336: {  	s15 =	simm.s32 $0x1AF20;
	[tilespmem:s13+$0x10] =	vst v22;
	vm1 =	vle.f32 v6, $1.000000000e+00;
	v22 =	vmul.f32 v13, v0;
	v26 =	vmul.f32 v5, v0  }
0x337: {  	[tilespmem:s15+$0x10] =	vst v7;
	v7 =	vand.u32 $0x7FFFFFFF, v18;
	v17 =	vand.u32 $0x7FFFFFFF, v19;
	v19 =	vmul.f32 v14, v0  }
0x338: {  	s14 =	simm.s32 $0x1AF60;
	[tilespmem:s16+$0xFFFFFFE0] =	vst v27;
	v27 =	vsel vm15, v29, v62;
	v61 =	vmul.f32 v7, v0;
	v20 =	vfloor.f32 v20  }
0x339: {  	[tilespmem:s14+$0x10] =	vst v21;
	v18 =	vsel vm14, v33, v47;
	v62 =	vfloor.f32 v24;
	v63 =	vfloor.f32 v25  }
0x33a: {  	[tilespmem:s17+$0xFFFFFFE0] =	vst v18;
	v25 =	vfloor.f32 v26;
	v21 =	vmul.f32 v17, v0;
	v18 =	vadd.f32 v20, v20  }
0x33b: {  	[tilespmem:s16+$0xFFFFFFF0] =	vst v28;
	v20 =	vfloor.f32 v23;
	v23 =	vfloor.f32 v22;
	v22 =	vadd.f32 v62, v62  }
0x33c: {  	[tilespmem:s17+$0xFFFFFFF0] =	vst v27;
	v19 =	vfloor.f32 v19;
	v20 =	vadd.f32 v20, v20;
	v26 =	vfloor.f32 v61  }
0x33d: {  	s18 =	simm.s32 $0x4;
	s19 =	simm.s32 $0x2FA0;
	[tilespmem:s15+$0xFFFFFFE0] =	vst v30;
	v19 =	vadd.f32 v19, v19;
	v24 =	vfloor.f32 v21;
	v21 =	vadd.f32 v63, v63  }
.LBB2_6:
0x33e: {  	v28 =	vld [tilespmem:s19+$0x10];
	v23 =	vadd.f32 v23, v23;
	v32 =	vadd.f32 v25, v25;
	v2 =	vsel vm0, v2, v11  }
0x33f: {  	v33 =	vadd.f32 v24, v24;
	v26 =	vadd.f32 v26, v26;
	v11 =	vld [tilespmem:s19+$0xFFFFFFF0];
	[tilespmem:s15+$0xFFFFFFF0] =	vst v2;
	v2 =	vsel vm2, v3, v10  }
0x340: {  	v31 =	vsub.f32 v14, v19;
	v3 =	vsub.f32 v12, v18;
	v10 =	vld [tilespmem:s19+$0x0];
	[tilespmem:s16+$0x0] =	vst v2;
	v2 =	vsel vm3, v4, v9;
	s16 =	smov.u32 s12  }
0x341: {  	v30 =	vsub.f32 v15, v20;
	v29 =	vsub.f32 v16, v22;
	v4 =	vld [tilespmem:s19+$0xFFFFFFE0];
	[tilespmem:s17+$0x0] =	vst v2;
	v2 =	vsel vm1, v6, v8;
	s17 =	smov.u32 s13  }
0x342: {  	v27 =	vsub.f32 v1, v21;
	v25 =	vsub.f32 v13, v23;
	vm0 =	veq.f32 v3, $2.000000000e+00;
	[tilespmem:s15+$0x0] =	vst v2;
	s15 =	smov.u32 s14  }
0x343: {  	v24 =	vsub.f32 v5, v32;
	v23 =	vsub.f32 v17, v33;
	v1 =	vmul.u32 $0xC, v28  }
0x344: {  	s18 =	sadd.s32 $0x4, s18;
	v2 =	vand.u32 $0x7FFFFFFF, v3;
	v3 =	vsub.f32 v7, v26;
	v19 =	vmul.u32 $0xC, v11  }
0x345: {  	s9 =	sadd.s32 $0x40, s9;
	p0 =	slt.u32 s18, $0x1FC;
	vm1 =	veq.f32 v31, $2.000000000e+00;
	v20 =	vmul.u32 $0xC, v10;
	v5 =	vor.u32 $0x2, v1  }
0x346: {  	s10 =	sadd.s32 $0x40, s10;
	v26 =	vmul.u32 $0xC, v4;
	v32 =	vor.u32 $0x1, v19;
	v4 =	vor.u32 $0x1, v1;
	v13 =	vld [tilespmem:s9+$0x10]  }
0x347: {  	s11 =	sadd.s32 $0x40, s11;
	v6 =	vor.u32 $0x3, v1;
	v33 =	vor.u32 $0x3, v19;
	v34 =	vadd.s32 $0x4, v19;
	v12 =	vld [tilespmem:s10+$0x10]  }
0x348: {  	v8 =	vadd.s32 $0x4, v1;
	v7 =	vor.u32 $0x1, v26;
	v14 =	vor.u32 $0x3, v26;
	v35 =	vld [tilespmem:s11+$0x10]  }
0x349: {  	v9 =	vadd.s32 $0x6, v1;
	v36 =	vadd.s32 $0x4, v26;
	v37 =	vadd.s32 $0x6, v26;
	v38 =	vld.idx.msk [tilespmem:v1+s1+$0x0], $0xffff  }
0x34a: {  	v10 =	vadd.s32 $0x7, v1;
	v40 =	vadd.s32 $0x6, v19;
	v39 =	vadd.s32 $0x7, v26;
	v5 =	vld.idx.msk [tilespmem:v5+s1+$0x0], $0xffff  }
0x34b: {  	v11 =	vadd.s32 $0x5, v1;
	v41 =	vadd.s32 $0x7, v19;
	v42 =	vor.u32 $0x1, v20;
	v43 =	vld.idx.msk [tilespmem:v4+s1+$0x0], $0xffff  }
0x34c: {  	v28 =	vadd.s32 $0x8, v1;
	v44 =	vor.u32 $0x3, v20;
	v45 =	vadd.s32 $0x4, v20;
	v46 =	vld.idx.msk [tilespmem:v6+s1+$0x0], $0xffff  }
0x34d: {  	v47 =	vadd.s32 $0x6, v20;
	v48 =	vadd.s32 $0x7, v20;
	v21 =	vor.u32 $0x2, v26;
	v49 =	vld.idx.msk [tilespmem:v8+s1+$0x0], $0xffff  }
0x34e: {  	v51 =	vadd.s32 $0x9, v1;
	v22 =	vadd.s32 $0x5, v26;
	v18 =	vadd.s32 $0x8, v26;
	v50 =	vld.idx.msk [tilespmem:v9+s1+$0x0], $0xffff  }
0x34f: {  	v53 =	vadd.s32 $0xA, v1;
	v17 =	vor.u32 $0x2, v19;
	v16 =	vadd.s32 $0x5, v19;
	v52 =	vld.idx.msk [tilespmem:v10+s1+$0x0], $0xffff  }
0x350: {  	v55 =	vadd.s32 $0xB, v1;
	v15 =	vadd.s32 $0x8, v19;
	v4 =	vor.u32 $0x2, v20;
	v54 =	vld.idx.msk [tilespmem:v11+s1+$0x0], $0xffff  }
0x351: {  	v6 =	vadd.s32 $0x8, v20;
	v9 =	vadd.s32 $0x9, v26;
	v11 =	vadd.s32 $0x5, v20;
	v56 =	vld.idx.msk [tilespmem:v28+s1+$0x0], $0xffff  }
0x352: {  	v8 =	vadd.s32 $0xB, v26;
	v38 =	vmul.f32 v12, v38;
	v10 =	vadd.s32 $0xA, v26;
	v28 =	vld.idx.msk [tilespmem:v7+s1+$0x0], $0xffff  }
0x353: {  	v1 =	vadd.s32 $0x9, v19;
	v57 =	vmul.f32 v13, v5;
	v43 =	vmul.f32 v35, v43;
	v51 =	vld.idx.msk [tilespmem:v51+s1+$0x0], $0xffff  }
0x354: {  	v5 =	vadd.s32 $0xA, v19;
	v46 =	vmul.f32 v12, v46;
	v49 =	vmul.f32 v35, v49;
	v53 =	vld.idx.msk [tilespmem:v53+s1+$0x0], $0xffff  }
0x355: {  	v7 =	vadd.s32 $0xB, v19;
	v50 =	vmul.f32 v12, v50;
	v35 =	vmul.f32 v35, v52;
	v55 =	vld.idx.msk [tilespmem:v55+s1+$0x0], $0xffff  }
0x356: {  	v52 =	vld.idx.msk [tilespmem:v14+s1+$0x0], $0xffff;
	v14 =	vadd.f32 v43, v38;
	v38 =	vadd.f32 v49, v46;
	v43 =	vmul.f32 v13, v54  }
0x357: {  	v12 =	vadd.s32 $0x9, v20;
	v35 =	vadd.f32 v35, v50;
	v46 =	vmul.f32 v13, v56;
	v36 =	vld.idx.msk [tilespmem:v36+s1+$0x0], $0xffff  }
0x358: {  	v13 =	vadd.s32 $0xA, v20;
	v37 =	vld.idx.msk [tilespmem:v37+s1+$0x0], $0xffff;
	v49 =	vadd.f32 v57, v14;
	v38 =	vadd.f32 v43, v38  }
0x359: {  	v31 =	vand.u32 $0x7FFFFFFF, v31;
	v14 =	vadd.s32 $0xB, v20;
	v35 =	vadd.f32 v46, v35;
	v39 =	vld.idx.msk [tilespmem:v39+s1+$0x0], $0xffff  }
0x35a: {  	vm2 =	veq.f32 v30, $2.000000000e+00;
	v32 =	vld.idx.msk [tilespmem:v32+s1+$0x0], $0xffff;
	v43 =	vadd.f32 v49, v51;
	v38 =	vadd.f32 v38, v53  }
0x35b: {  	v30 =	vand.u32 $0x7FFFFFFF, v30;
	vm4 =	veq.f32 v29, $2.000000000e+00;
	v35 =	vadd.f32 v35, v55;
	v33 =	vld.idx.msk [tilespmem:v33+s1+$0x0], $0xffff  }
0x35c: {  	v29 =	vand.u32 $0x7FFFFFFF, v29;
	v34 =	vld.idx.msk [tilespmem:v34+s1+$0x0], $0xffff;
	v43 =	vand.u32 $0x7FFFFFFF, v43;
	v38 =	vand.u32 $0x7FFFFFFF, v38  }
0x35d: {  	v35 =	vand.u32 $0x7FFFFFFF, v35;
	v40 =	vld.idx.msk [tilespmem:v40+s1+$0x0], $0xffff;
	v46 =	vmul.f32 v43, v0;
	v49 =	vmul.f32 v38, v0  }
0x35e: {  	vm5 =	veq.f32 v27, $2.000000000e+00;
	v27 =	vand.u32 $0x7FFFFFFF, v27;
	v50 =	vmul.f32 v35, v0;
	v41 =	vld.idx.msk [tilespmem:v41+s1+$0x0], $0xffff  }
0x35f: {  	vm6 =	veq.f32 v25, $2.000000000e+00;
	v42 =	vld.idx.msk [tilespmem:v42+s1+$0x0], $0xffff;
	v46 =	vfloor.f32 v46;
	v49 =	vfloor.f32 v49  }
0x360: {  	v50 =	vfloor.f32 v50;
	v44 =	vld.idx.msk [tilespmem:v44+s1+$0x0], $0xffff;
	v46 =	vadd.f32 v46, v46;
	v49 =	vadd.f32 v49, v49  }
0x361: {  	v25 =	vand.u32 $0x7FFFFFFF, v25;
	vm7 =	veq.f32 v24, $2.000000000e+00;
	v50 =	vadd.f32 v50, v50;
	v45 =	vld.idx.msk [tilespmem:v45+s1+$0x0], $0xffff  }
0x362: {  	v47 =	vld.idx.msk [tilespmem:v47+s1+$0x0], $0xffff;
	v43 =	vsub.f32 v43, v46;
	v38 =	vsub.f32 v38, v49;
	v46 =	vand.u32 $0x7FFFFFFF, v24  }
0x363: {  	vm3 =	veq.f32 v23, $2.000000000e+00;
	v24 =	vsub.f32 v35, v50;
	v35 =	vand.u32 $0x7FFFFFFF, v23;
	v48 =	vld.idx.msk [tilespmem:v48+s1+$0x0], $0xffff  }
0x364: {  	v26 =	vld.idx.msk [tilespmem:v26+s1+$0x0], $0xffff;
	vm8 =	veq.f32 v43, $2.000000000e+00;
	v23 =	vand.u32 $0x7FFFFFFF, v43;
	vm9 =	veq.f32 v38, $2.000000000e+00  }
0x365: {  	v43 =	vld.idx.msk [tilespmem:v19+s1+$0x0], $0xffff;
	v19 =	vsel vm8, $0x0, v23;
	v23 =	vand.u32 $0x7FFFFFFF, v38;
	vm8 =	veq.f32 v24, $2.000000000e+00  }
0x366: {  	v24 =	vand.u32 $0x7FFFFFFF, v24;
	v38 =	vld.idx.msk [tilespmem:v20+s1+$0x0], $0xffff;
	v20 =	vsub.f32 $2.000000000e+00, v19;
	v23 =	vsel vm9, $0x0, v23  }
0x367: {  	vm9 =	vle.f32 v19, $1.000000000e+00;
	v24 =	vsel vm8, $0x0, v24;
	v49 =	vld [tilespmem:s10+$0xFFFFFFE0];
	v50 =	vsub.f32 $2.000000000e+00, v23  }
0x368: {  	s12 =	sadd.s32 $0x40, s12;
	vm8 =	vle.f32 v23, $1.000000000e+00;
	v51 =	vld [tilespmem:s11+$0xFFFFFFE0];
	v19 =	vsel vm9, v19, v20;
	v20 =	vsub.f32 $2.000000000e+00, v24  }
0x369: {  	s13 =	sadd.s32 $0x40, s13;
	vm9 =	vle.f32 v24, $1.000000000e+00;
	v53 =	vld [tilespmem:s10+$0xFFFFFFF0];
	[tilespmem:s12+$0x10] =	vst v19;
	v19 =	vsel vm8, v23, v50;
	vm8 =	veq.f32 v3, $2.000000000e+00  }
0x36a: {  	s14 =	sadd.s32 $0x40, s14;
	v54 =	vsel vm0, $0x0, v2;
	v55 =	vand.u32 $0x7FFFFFFF, v3;
	v50 =	vld [tilespmem:s11+$0xFFFFFFF0];
	[tilespmem:s13+$0x10] =	vst v19;
	v19 =	vsel vm9, v24, v20  }
0x36b: {  	v23 =	vsel vm2, $0x0, v30;
	v24 =	vsel vm1, $0x0, v31;
	v56 =	vld [tilespmem:s10+$0x0];
	[tilespmem:s14+$0x10] =	vst v19;
	v19 =	vsel vm4, $0x0, v29  }
0x36c: {  	v20 =	vsel vm5, $0x0, v27;
	v29 =	vmul.f32 v49, v52;
	v30 =	vmul.f32 v49, v37;
	v31 =	vld [tilespmem:s11+$0x0]  }
0x36d: {  	v2 =	vsel vm6, $0x0, v25;
	v21 =	vld.idx.msk [tilespmem:v21+s1+$0x0], $0xffff;
	v27 =	vmul.f32 v51, v28;
	v28 =	vmul.f32 v51, v36  }
0x36e: {  	v3 =	vsel vm7, $0x0, v46;
	v25 =	vmul.f32 v51, v39;
	v22 =	vld.idx.msk [tilespmem:v22+s1+$0x0], $0xffff;
	v33 =	vmul.f32 v53, v33  }
0x36f: {  	v18 =	vld.idx.msk [tilespmem:v18+s1+$0x0], $0xffff;
	v28 =	vadd.f32 v28, v29;
	v29 =	vmul.f32 v50, v32;
	v32 =	vmul.f32 v50, v34  }
0x370: {  	v25 =	vadd.f32 v25, v30;
	v30 =	vmul.f32 v53, v40;
	v34 =	vmul.f32 v50, v41;
	v17 =	vld.idx.msk [tilespmem:v17+s1+$0x0], $0xffff  }
0x371: {  	v36 =	vmul.f32 v56, v44;
	v16 =	vld.idx.msk [tilespmem:v16+s1+$0x0], $0xffff;
	v32 =	vadd.f32 v32, v33;
	v33 =	vmul.f32 v31, v42  }
0x372: {  	v37 =	vmul.f32 v56, v47;
	v30 =	vadd.f32 v34, v30;
	v34 =	vmul.f32 v31, v45;
	v15 =	vld.idx.msk [tilespmem:v15+s1+$0x0], $0xffff  }
0x373: {  	v26 =	vmul.f32 v49, v26;
	v31 =	vmul.f32 v31, v48;
	v39 =	vld.idx.msk [tilespmem:v4+s1+$0x0], $0xffff;
	v4 =	vsel vm3, $0x0, v35  }
0x374: {  	v35 =	vmul.f32 v53, v43;
	v34 =	vadd.f32 v34, v36;
	v40 =	vld.idx.msk [tilespmem:v11+s1+$0x0], $0xffff;
	v11 =	vmul.f32 v56, v38  }
0x375: {  	v26 =	vadd.f32 v27, v26;
	v31 =	vadd.f32 v31, v37;
	v27 =	vld.idx.msk [tilespmem:v6+s1+$0x0], $0xffff;
	v6 =	vsel vm8, $0x0, v55  }
0x376: {  	v29 =	vadd.f32 v29, v35;
	vm8 =	vle.f32 v54, $1.000000000e+00;
	v36 =	vld [tilespmem:s9+$0xFFFFFFE0];
	v33 =	vadd.f32 v33, v11  }
0x377: {  	vm7 =	vle.f32 v24, $1.000000000e+00;
	v37 =	vsub.f32 $2.000000000e+00, v54;
	v38 =	vsub.f32 $2.000000000e+00, v24;
	v35 =	vld [tilespmem:s9+$0xFFFFFFF0]  }
0x378: {  	vm4 =	vle.f32 v23, $1.000000000e+00;
	v42 =	vsub.f32 $2.000000000e+00, v23;
	v43 =	vsub.f32 $2.000000000e+00, v19;
	v41 =	vld [tilespmem:s9+$0x0]  }
0x379: {  	vm5 =	vle.f32 v19, $1.000000000e+00;
	v45 =	vsub.f32 $2.000000000e+00, v20;
	v11 =	vsub.f32 $2.000000000e+00, v2;
	v44 =	vld.idx.msk [tilespmem:v9+s1+$0x0], $0xffff  }
0x37a: {  	vm6 =	vle.f32 v20, $1.000000000e+00;
	v9 =	vsub.f32 $2.000000000e+00, v4;
	v46 =	vld.idx.msk [tilespmem:v10+s1+$0x0], $0xffff;
	v10 =	vsub.f32 $2.000000000e+00, v3  }
0x37b: {  	v47 =	vld.idx.msk [tilespmem:v8+s1+$0x0], $0xffff;
	v21 =	vmul.f32 v36, v21;
	v22 =	vmul.f32 v36, v22;
	v8 =	vsub.f32 $2.000000000e+00, v6  }
0x37c: {  	vm0 =	vle.f32 v2, $1.000000000e+00;
	v18 =	vmul.f32 v36, v18;
	v1 =	vld.idx.msk [tilespmem:v1+s1+$0x0], $0xffff;
	v17 =	vmul.f32 v35, v17  }
0x37d: {  	v16 =	vmul.f32 v35, v16;
	v15 =	vmul.f32 v35, v15;
	v21 =	vadd.f32 v21, v26;
	v5 =	vld.idx.msk [tilespmem:v5+s1+$0x0], $0xffff  }
0x37e: {  	v22 =	vadd.f32 v22, v28;
	v26 =	vmul.f32 v41, v39;
	v28 =	vmul.f32 v41, v40;
	v7 =	vld.idx.msk [tilespmem:v7+s1+$0x0], $0xffff  }
0x37f: {  	v18 =	vadd.f32 v18, v25;
	v17 =	vadd.f32 v17, v29;
	v25 =	vld.idx.msk [tilespmem:v12+s1+$0x0], $0xffff;
	v12 =	vmul.f32 v41, v27  }
0x380: {  	vm2 =	vle.f32 v3, $1.000000000e+00;
	v16 =	vadd.f32 v16, v32;
	v15 =	vadd.f32 v15, v30;
	v13 =	vld.idx.msk [tilespmem:v13+s1+$0x0], $0xffff  }
0x381: {  	vm3 =	vle.f32 v4, $1.000000000e+00;
	v26 =	vadd.f32 v26, v33;
	v28 =	vadd.f32 v28, v34;
	v27 =	vld.idx.msk [tilespmem:v14+s1+$0x0], $0xffff  }
0x382: {  	vm1 =	vle.f32 v6, $1.000000000e+00;
	v14 =	vadd.f32 v21, v44;
	v21 =	vadd.f32 v12, v31  }
0x383: {  	v29 =	vsel vm8, v54, v37;
	v22 =	vadd.f32 v22, v46;
	v18 =	vadd.f32 v18, v47  }
0x384: {  	v1 =	vadd.f32 v17, v1;
	v5 =	vadd.f32 v16, v5;
	v12 =	vand.u32 $0x7FFFFFFF, v14;
	[tilespmem:s16+$0xFFFFFFE0] =	vst v29  }
0x385: {  	v14 =	vand.u32 $0x7FFFFFFF, v22;
	v7 =	vadd.f32 v15, v7;
	v17 =	vadd.f32 v26, v25  }
0x386: {  	v15 =	vand.u32 $0x7FFFFFFF, v18;
	v16 =	vand.u32 $0x7FFFFFFF, v1;
	v18 =	vadd.f32 v28, v13  }
0x387: {  	v1 =	vand.u32 $0x7FFFFFFF, v5;
	v13 =	vand.u32 $0x7FFFFFFF, v7;
	v7 =	vadd.f32 v21, v27  }
0x388: {  	v21 =	vmul.f32 v12, v0;
	v5 =	vand.u32 $0x7FFFFFFF, v17;
	v17 =	vand.u32 $0x7FFFFFFF, v18  }
0x389: {  	v22 =	vmul.f32 v15, v0;
	v18 =	vmul.f32 v14, v0;
	v7 =	vand.u32 $0x7FFFFFFF, v7  }
0x38a: {  	v24 =	vsel vm7, v24, v38;
	v25 =	vmul.f32 v16, v0;
	v26 =	vmul.f32 v1, v0  }
0x38b: {  	v23 =	vsel vm4, v23, v42;
	v27 =	vmul.f32 v13, v0;
	v28 =	vmul.f32 v5, v0;
	[tilespmem:s17+$0xFFFFFFE0] =	vst v24  }
0x38c: {  	v19 =	vsel vm5, v19, v43;
	v29 =	vmul.f32 v7, v0;
	v24 =	vmul.f32 v17, v0;
	[tilespmem:s15+$0xFFFFFFE0] =	vst v23  }
.Ltmp2:
0x38d: {  	v21 =	vfloor.f32 v21;
	v23 =	vfloor.f32 v18;
	[tilespmem:s16+$0xFFFFFFF0] =	vst v19;
	v19 =	vsel vm6, v20, v45;
	(pc) =	sbr.rel @p0 .LBB2_6-.Ltmp2, $4  }
0x38e: {  	v18 =	vadd.f32 v21, v21;
	v21 =	vfloor.f32 v25;
	v20 =	vfloor.f32 v22;
	[tilespmem:s17+$0xFFFFFFF0] =	vst v19  }
0x38f: {  	v26 =	vfloor.f32 v26;
	v19 =	vadd.f32 v23, v23;
	v23 =	vfloor.f32 v27  }
0x390: {  	v25 =	vfloor.f32 v28;
	v24 =	vfloor.f32 v24;
	v20 =	vadd.f32 v20, v20  }
0x391: {  	s19 =	sadd.s32 $0x40, s19;
	v22 =	vadd.f32 v21, v21;
	v21 =	vadd.f32 v26, v26;
	v26 =	vfloor.f32 v29  }
0x392: {  	v23 =	vadd.f32 v23, v23;
	v25 =	vadd.f32 v25, v25  }
0x393: {  	v2 =	vsel vm0, v2, v11;
	v11 =	vadd.f32 v24, v24;
	v24 =	vadd.f32 v26, v26  }
0x394: {  	v3 =	vsel vm2, v3, v10;
	v10 =	vsub.f32 v12, v18;
	v12 =	vsub.f32 v14, v19  }
0x395: {  	v4 =	vsel vm3, v4, v9;
	v9 =	vsub.f32 v15, v20;
	v14 =	vsub.f32 v16, v22  }
0x396: {  	v6 =	vsel vm1, v6, v8;
	v1 =	vsub.f32 v1, v21;
	v8 =	vsub.f32 v13, v23  }
0x397: {  	vm0 =	veq.f32 v10, $2.000000000e+00;
	v5 =	vsub.f32 v5, v25;
	v11 =	vsub.f32 v17, v11  }
0x398: {  	v10 =	vand.u32 $0x7FFFFFFF, v10;
	v7 =	vsub.f32 v7, v24;
	vm1 =	veq.f32 v12, $2.000000000e+00  }
0x399: {  	v12 =	vand.u32 $0x7FFFFFFF, v12;
	vm2 =	veq.f32 v9, $2.000000000e+00;
	v9 =	vand.u32 $0x7FFFFFFF, v9  }
0x39a: {  	vm3 =	veq.f32 v14, $2.000000000e+00;
	v13 =	vand.u32 $0x7FFFFFFF, v14;
	vm4 =	veq.f32 v1, $2.000000000e+00  }
0x39b: {  	v1 =	vand.u32 $0x7FFFFFFF, v1;
	v10 =	vsel vm0, $0x0, v10;
	v12 =	vsel vm1, $0x0, v12  }
0x39c: {  	v9 =	vsel vm2, $0x0, v9;
	vm5 =	veq.f32 v8, $2.000000000e+00;
	v8 =	vand.u32 $0x7FFFFFFF, v8  }
0x39d: {  	vm6 =	veq.f32 v5, $2.000000000e+00;
	v5 =	vand.u32 $0x7FFFFFFF, v5;
	vm7 =	veq.f32 v11, $2.000000000e+00  }
0x39e: {  	v11 =	vand.u32 $0x7FFFFFFF, v11;
	vm8 =	veq.f32 v7, $2.000000000e+00;
	v7 =	vand.u32 $0x7FFFFFFF, v7  }
0x39f: {  	[tilespmem:s15+$0xFFFFFFF0] =	vst v2;
	v2 =	vsel vm3, $0x0, v13;
	v1 =	vsel vm4, $0x0, v1;
	vm0 =	vle.f32 v10, $1.000000000e+00  }
0x3a0: {  	[tilespmem:s16+$0x0] =	vst v3;
	v3 =	vsel vm6, $0x0, v5;
	v5 =	vsel vm7, $0x0, v11;
	v11 =	vsub.f32 $2.000000000e+00, v10  }
0x3a1: {  	[tilespmem:s17+$0x0] =	vst v4;
	vm1 =	vle.f32 v12, $1.000000000e+00;
	v4 =	vsel vm8, $0x0, v7;
	v7 =	vsub.f32 $2.000000000e+00, v12  }
0x3a2: {  	[tilespmem:s15+$0x0] =	vst v6;
	v6 =	vsub.f32 $2.000000000e+00, v9;
	v8 =	vsel vm5, $0x0, v8;
	v10 =	vsel vm0, v10, v11  }
0x3a3: {  	vm0 =	vle.f32 v9, $1.000000000e+00;
	v11 =	vsub.f32 $2.000000000e+00, v2;
	v7 =	vsel vm1, v12, v7;
	[tilespmem:s12+$0xFFFFFFE0] =	vst v10  }
0x3a4: {  	vm1 =	vle.f32 v2, $1.000000000e+00;
	v10 =	vsub.f32 $2.000000000e+00, v1;
	v6 =	vsel vm0, v9, v6;
	[tilespmem:s13+$0xFFFFFFE0] =	vst v7  }
0x3a5: {  	vm0 =	vle.f32 v1, $1.000000000e+00;
	v7 =	vsub.f32 $2.000000000e+00, v8;
	v2 =	vsel vm1, v2, v11;
	[tilespmem:s14+$0xFFFFFFE0] =	vst v6  }
0x3a6: {  	vm1 =	vle.f32 v8, $1.000000000e+00;
	v6 =	vsub.f32 $2.000000000e+00, v3;
	[tilespmem:s12+$0xFFFFFFF0] =	vst v2;
	v1 =	vsel vm0, v1, v10  }
0x3a7: {  	v2 =	vsub.f32 $2.000000000e+00, v5;
	vm0 =	vle.f32 v3, $1.000000000e+00;
	[tilespmem:s13+$0xFFFFFFF0] =	vst v1;
	v1 =	vsel vm1, v8, v7  }
0x3a8: {  	v7 =	vsub.f32 $2.000000000e+00, v4;
	vm1 =	vle.f32 v5, $1.000000000e+00;
	[tilespmem:s14+$0xFFFFFFF0] =	vst v1;
	v1 =	vsel vm0, v3, v6  }
0x3a9: {  	vm0 =	vle.f32 v4, $1.000000000e+00;
	[tilespmem:s12+$0x0] =	vst v1;
	v1 =	vsel vm1, v5, v2  }
0x3aa: {  	[tilespmem:s13+$0x0] =	vst v1;
	v1 =	vsel vm0, v4, v7  }
0x3ab: {  	s9 =	simm.s32 $0x12F00;
	[tilespmem:s14+$0x0] =	vst v1  }
0x3ac: {  	[hbm4b:s25+s1] =	stream.linear.scatter [tilespmem:s9], [sflag:$0x3], $0x2000, $0x38;
	[tilespmem:$0x1EF00] =	vst v63  }
0x3ad: {  	s15 =	simm.s32 $0x16F00  }
0x3ae: {  	[hbm4b:s26+s1] =	stream.linear.scatter [tilespmem:s15], [sflag:$0x3], $0x2000, $0x38;
	[tilespmem:$0x1EF00] =	vst v63  }
0x3af: {  	s16 =	simm.s32 $0x1AF00  }
0x3b0: {  	[hbm4b:s28+s1] =	stream.linear.scatter [tilespmem:s16], [sflag:$0x3], $0x2000, $0x38;
	[tilespmem:$0x1EF00] =	vst v63  }
0x3b1: {  	_ =	swait.ge [sflag:s5], $0x2000  }
0x3b2: {  	[sflag:s5] =	ssyncset.done $0x0  }
0x3b3: {  	[sflag:s5] =	ssyncadd.s32 $0xFFFFE000  }
0x3b4: {  	_ =	swait.ge [sflag:s5], $0x2000  }
0x3b5: {  	[sflag:s5] =	ssyncset.done $0x0  }
0x3b6: {  	[sflag:s5] =	ssyncadd.s32 $0xFFFFE000  }
0x3b7: {  	_ =	swait.ge [sflag:s5], $0x2000  }
0x3b8: {  	[sflag:s5] =	ssyncset.done $0x0  }
0x3b9: {  	[sflag:s5] =	ssyncadd.s32 $0xFFFFE000  }
0x3ba: {  	_ =	swait.ge [sflag:s5], $0x2000  }
0x3bb: {  	[sflag:s5] =	ssyncset.done $0x0  }
0x3bc: {  	[sflag:s5] =	ssyncadd.s32 $0xFFFFE000  }
0x3bd: {  	_ =	swait.ge [sflag:s7], $0x2000  }
0x3be: {  	[sflag:s7] =	ssyncset.done $0x0  }
0x3bf: {  	[sflag:s7] =	ssyncadd.s32 $0xFFFFE000  }
0x3c0: {  	_ =	swait.ge [sflag:s7], $0x2000  }
0x3c1: {  	[sflag:s7] =	ssyncset.done $0x0  }
0x3c2: {  	[sflag:s7] =	ssyncadd.s32 $0xFFFFE000  }
0x3c3: {  	_ =	swait.ge [sflag:s7], $0x2000  }
0x3c4: {  	[sflag:s7] =	ssyncset.done $0x0  }
0x3c5: {  	s10 =	simm.s32 $0x4F20;
	[sflag:s7] =	ssyncadd.s32 $0xFFFFE000  }
0x3c6: {  	v1 =	vld [tilespmem:s10+$0x10]  }
0x3c7: {  	v2 =	vld [tilespmem:s10+$0xFFFFFFF0]  }
0x3c8: {  	v3 =	vld [tilespmem:s10+$0x0]  }
0x3c9: {  	s17 =	simm.s32 $0x10F20;
	v4 =	vld [tilespmem:s10+$0xFFFFFFE0]  }
0x3ca: {  	s11 =	simm.s32 $0x8F20;
	v7 =	vld [tilespmem:s17+$0x10]  }
0x3cb: {  	s18 =	simm.s32 $0xCF20;
	v9 =	vld [tilespmem:s11+$0x10]  }
0x3cc: {  	v11 =	vld [tilespmem:s18+$0x10]  }
0x3cd: {  	v38 =	vld [tilespmem:s11+$0xFFFFFFE0];
	v1 =	vmul.u32 $0xC, v1  }
0x3ce: {  	v40 =	vld [tilespmem:s18+$0xFFFFFFE0];
	v3 =	vmul.u32 $0xC, v3  }
0x3cf: {  	v42 =	vld [tilespmem:s11+$0xFFFFFFF0]  }
0x3d0: {  	v44 =	vld [tilespmem:s18+$0xFFFFFFF0];
	v5 =	vor.u32 $0x2, v1  }
0x3d1: {  	v54 =	vld [tilespmem:s11+$0x0];
	v6 =	vor.u32 $0x1, v1  }
0x3d2: {  	v55 =	vld [tilespmem:s18+$0x0];
	v8 =	vor.u32 $0x3, v1  }
0x3d3: {  	v10 =	vadd.s32 $0x4, v1;
	v12 =	vld.idx.msk [tilespmem:v1+s1+$0x0], $0xffff  }
0x3d4: {  	v13 =	vadd.s32 $0x6, v1;
	v53 =	vld.idx.msk [tilespmem:v3+s1+$0x0], $0xffff  }
0x3d5: {  	v14 =	vadd.s32 $0x7, v1;
	v5 =	vld.idx.msk [tilespmem:v5+s1+$0x0], $0xffff  }
0x3d6: {  	v4 =	vmul.u32 $0xC, v4;
	v15 =	vadd.s32 $0x5, v1;
	v6 =	vld.idx.msk [tilespmem:v6+s1+$0x0], $0xffff  }
0x3d7: {  	v16 =	vadd.s32 $0x8, v1;
	v8 =	vld.idx.msk [tilespmem:v8+s1+$0x0], $0xffff  }
0x3d8: {  	v17 =	vor.u32 $0x1, v4;
	v10 =	vld.idx.msk [tilespmem:v10+s1+$0x0], $0xffff  }
0x3d9: {  	v18 =	vadd.s32 $0x9, v1;
	v13 =	vld.idx.msk [tilespmem:v13+s1+$0x0], $0xffff  }
0x3da: {  	v19 =	vadd.s32 $0xA, v1;
	v14 =	vld.idx.msk [tilespmem:v14+s1+$0x0], $0xffff  }
0x3db: {  	v20 =	vor.u32 $0x3, v4;
	v15 =	vld.idx.msk [tilespmem:v15+s1+$0x0], $0xffff  }
0x3dc: {  	v21 =	vadd.s32 $0x4, v4;
	v16 =	vld.idx.msk [tilespmem:v16+s1+$0x0], $0xffff  }
0x3dd: {  	v2 =	vmul.u32 $0xC, v2;
	v22 =	vadd.s32 $0x6, v4;
	v17 =	vld.idx.msk [tilespmem:v17+s1+$0x0], $0xffff  }
0x3de: {  	v23 =	vadd.s32 $0x7, v4;
	v18 =	vld.idx.msk [tilespmem:v18+s1+$0x0], $0xffff  }
0x3df: {  	v24 =	vor.u32 $0x1, v2;
	v25 =	vor.u32 $0x3, v2;
	v26 =	vadd.s32 $0x4, v2;
	v19 =	vld.idx.msk [tilespmem:v19+s1+$0x0], $0xffff  }
0x3e0: {  	v27 =	vadd.s32 $0x6, v2;
	v28 =	vadd.s32 $0x7, v2;
	v29 =	vor.u32 $0x1, v3;
	v20 =	vld.idx.msk [tilespmem:v20+s1+$0x0], $0xffff  }
0x3e1: {  	v30 =	vor.u32 $0x3, v3;
	v31 =	vadd.s32 $0x4, v3;
	v32 =	vor.u32 $0x2, v4;
	v21 =	vld.idx.msk [tilespmem:v21+s1+$0x0], $0xffff  }
0x3e2: {  	v33 =	vadd.s32 $0x6, v3;
	v34 =	vadd.s32 $0x7, v3;
	v35 =	vadd.s32 $0x5, v4;
	v22 =	vld.idx.msk [tilespmem:v22+s1+$0x0], $0xffff  }
0x3e3: {  	v49 =	vadd.s32 $0x9, v4;
	v50 =	vadd.s32 $0x5, v3;
	v51 =	vadd.s32 $0x8, v3;
	v23 =	vld.idx.msk [tilespmem:v23+s1+$0x0], $0xffff  }
0x3e4: {  	v36 =	vadd.s32 $0xA, v4;
	v24 =	vld.idx.msk [tilespmem:v24+s1+$0x0], $0xffff;
	v12 =	vmul.f32 v9, v12;
	v6 =	vmul.f32 v11, v6  }
0x3e5: {  	v1 =	vadd.s32 $0xB, v1;
	v25 =	vld.idx.msk [tilespmem:v25+s1+$0x0], $0xffff;
	v5 =	vmul.f32 v7, v5;
	v8 =	vmul.f32 v9, v8  }
0x3e6: {  	v41 =	vadd.s32 $0x9, v2;
	v26 =	vld.idx.msk [tilespmem:v26+s1+$0x0], $0xffff;
	v10 =	vmul.f32 v11, v10;
	v9 =	vmul.f32 v9, v13  }
0x3e7: {  	v43 =	vadd.s32 $0xA, v2;
	v27 =	vld.idx.msk [tilespmem:v27+s1+$0x0], $0xffff;
	v11 =	vmul.f32 v11, v14;
	v20 =	vmul.f32 v38, v20  }
0x3e8: {  	v45 =	vadd.s32 $0x9, v3;
	v32 =	vld.idx.msk [tilespmem:v32+s1+$0x0], $0xffff;
	v22 =	vmul.f32 v38, v22;
	v17 =	vmul.f32 v40, v17  }
0x3e9: {  	v46 =	vadd.s32 $0xA, v3;
	v35 =	vld.idx.msk [tilespmem:v35+s1+$0x0], $0xffff;
	v21 =	vmul.f32 v40, v21;
	v23 =	vmul.f32 v40, v23  }
0x3ea: {  	v1 =	vld.idx.msk [tilespmem:v1+s1+$0x0], $0xffff;
	v13 =	vadd.s32 $0x8, v4;
	v25 =	vmul.f32 v42, v25;
	v24 =	vmul.f32 v44, v24  }
0x3eb: {  	v14 =	vld.idx.msk [tilespmem:v30+s1+$0x0], $0xffff;
	v26 =	vmul.f32 v44, v26;
	v6 =	vadd.f32 v6, v12;
	v8 =	vadd.f32 v10, v8  }
0x3ec: {  	v12 =	vld.idx.msk [tilespmem:v29+s1+$0x0], $0xffff;
	v10 =	vmul.f32 v7, v15;
	v9 =	vadd.f32 v11, v9;
	v7 =	vmul.f32 v7, v16  }
0x3ed: {  	v11 =	vor.u32 $0x2, v2;
	v20 =	vadd.f32 v21, v20;
	v21 =	vld [tilespmem:s17+$0xFFFFFFE0];
	v22 =	vadd.f32 v23, v22  }
0x3ee: {  	v15 =	vadd.s32 $0x5, v2;
	v5 =	vadd.f32 v5, v6;
	v6 =	vld.idx.msk [tilespmem:v31+s1+$0x0], $0xffff;
	v8 =	vadd.f32 v10, v8  }
0x3ef: {  	v16 =	vadd.s32 $0x8, v2;
	v25 =	vadd.f32 v26, v25;
	v10 =	vld.idx.msk [tilespmem:v33+s1+$0x0], $0xffff;
	v7 =	vadd.f32 v7, v9  }
0x3f0: {  	v9 =	vld.idx.msk [tilespmem:v34+s1+$0x0], $0xffff;
	v14 =	vmul.f32 v54, v14;
	v5 =	vadd.f32 v5, v18;
	v8 =	vadd.f32 v8, v19  }
0x3f1: {  	v13 =	vld.idx.msk [tilespmem:v13+s1+$0x0], $0xffff;
	v18 =	vor.u32 $0x2, v3;
	v1 =	vadd.f32 v7, v1;
	v12 =	vmul.f32 v55, v12  }
0x3f2: {  	v23 =	vld [tilespmem:s17+$0xFFFFFFF0];
	v59 =	vmul.f32 v21, v35;
	v5 =	vand.u32 $0x7FFFFFFF, v5;
	v8 =	vand.u32 $0x7FFFFFFF, v8  }
0x3f3: {  	v19 =	vld.idx.msk [tilespmem:v4+s1+$0x0], $0xffff;
	v1 =	vand.u32 $0x7FFFFFFF, v1;
	v52 =	vmul.f32 v5, v0;
	v37 =	vmul.f32 v8, v0  }
0x3f4: {  	v7 =	vld.idx.msk [tilespmem:v2+s1+$0x0], $0xffff;
	v4 =	vadd.s32 $0xB, v4;
	v39 =	vmul.f32 v1, v0;
	v6 =	vmul.f32 v55, v6  }
0x3f5: {  	v2 =	vadd.s32 $0xB, v2;
	v11 =	vld.idx.msk [tilespmem:v11+s1+$0x0], $0xffff;
	v10 =	vmul.f32 v54, v10;
	v9 =	vmul.f32 v55, v9  }
0x3f6: {  	v58 =	vld.idx.msk [tilespmem:v50+s1+$0x0], $0xffff;
	v3 =	vadd.s32 $0xB, v3;
	v13 =	vmul.f32 v21, v13;
	v33 =	vfloor.f32 v52  }
0x3f7: {  	v15 =	vld.idx.msk [tilespmem:v15+s1+$0x0], $0xffff;
	v20 =	vadd.f32 v59, v20;
	v37 =	vfloor.f32 v37;
	v39 =	vfloor.f32 v39  }
0x3f8: {  	v16 =	vld.idx.msk [tilespmem:v16+s1+$0x0], $0xffff;
	v19 =	vmul.f32 v38, v19;
	v6 =	vadd.f32 v6, v14;
	v9 =	vadd.f32 v9, v10  }
0x3f9: {  	v26 =	vld.idx.msk [tilespmem:v51+s1+$0x0], $0xffff;
	v7 =	vmul.f32 v42, v7;
	v33 =	vadd.f32 v33, v33;
	v37 =	vadd.f32 v37, v37  }
0x3fa: {  	v18 =	vld.idx.msk [tilespmem:v18+s1+$0x0], $0xffff;
	v39 =	vadd.f32 v39, v39;
	v11 =	vmul.f32 v23, v11;
	v13 =	vadd.f32 v13, v22  }
0x3fb: {  	v14 =	vld [tilespmem:s17+$0x0];
	v17 =	vadd.f32 v17, v19;
	v7 =	vadd.f32 v24, v7;
	v24 =	vmul.f32 v21, v32  }
0x3fc: {  	v4 =	vld.idx.msk [tilespmem:v4+s1+$0x0], $0xffff;
	v15 =	vmul.f32 v23, v15;
	v5 =	vsub.f32 v5, v33;
	v8 =	vsub.f32 v8, v37  }
0x3fd: {  	v10 =	vld.idx.msk [tilespmem:v49+s1+$0x0], $0xffff;
	v16 =	vmul.f32 v23, v16;
	v1 =	vsub.f32 v1, v39;
	v17 =	vadd.f32 v24, v17  }
0x3fe: {  	v23 =	vld.idx.msk [tilespmem:v43+s1+$0x0], $0xffff;
	v7 =	vadd.f32 v11, v7;
	v11 =	vadd.f32 v15, v25;
	vm0 =	veq.f32 v5, $2.000000000e+00  }
0x3ff: {  	v28 =	vld.idx.msk [tilespmem:v28+s1+$0x0], $0xffff;
	v5 =	vand.u32 $0x7FFFFFFF, v5;
	vm1 =	veq.f32 v8, $2.000000000e+00;
	v8 =	vand.u32 $0x7FFFFFFF, v8  }
0x400: {  	v19 =	vld.idx.msk [tilespmem:v36+s1+$0x0], $0xffff;
	vm2 =	veq.f32 v1, $2.000000000e+00;
	v1 =	vand.u32 $0x7FFFFFFF, v1;
	v18 =	vmul.f32 v14, v18  }
0x401: {  	v21 =	vld.idx.msk [tilespmem:v41+s1+$0x0], $0xffff;
	v22 =	vmul.f32 v14, v58;
	v14 =	vmul.f32 v14, v26;
	v4 =	vadd.f32 v13, v4  }
0x402: {  	v5 =	vsel vm0, $0x0, v5;
	v8 =	vsel vm1, $0x0, v8;
	v47 =	vsel vm2, $0x0, v1  }
0x403: {  	v1 =	vmul.f32 v42, v27;
	v10 =	vadd.f32 v17, v10;
	v11 =	vadd.f32 v11, v23  }
0x404: {  	v3 =	vld.idx.msk [tilespmem:v3+s1+$0x0], $0xffff;
	v27 =	vmul.f32 v44, v28;
	v56 =	vsub.f32 $2.000000000e+00, v5;
	v57 =	vsub.f32 $2.000000000e+00, v8  }
0x405: {  	vm0 =	vle.f32 v5, $1.000000000e+00;
	v6 =	vadd.f32 v22, v6;
	v9 =	vadd.f32 v14, v9  }
0x406: {  	v14 =	vadd.f32 v20, v19;
	v7 =	vadd.f32 v7, v21;
	v4 =	vand.u32 $0x7FFFFFFF, v4  }
0x407: {  	v2 =	vld.idx.msk [tilespmem:v2+s1+$0x0], $0xffff;
	v20 =	vsub.f32 $2.000000000e+00, v47;
	v1 =	vadd.f32 v27, v1;
	v27 =	vmul.f32 v54, v53  }
0x408: {  	v10 =	vand.u32 $0x7FFFFFFF, v10;
	v13 =	vand.u32 $0x7FFFFFFF, v14;
	v14 =	vand.u32 $0x7FFFFFFF, v7  }
0x409: {  	v15 =	vld.idx.msk [tilespmem:v45+s1+$0x0], $0xffff;
	v3 =	vadd.f32 v9, v3;
	v7 =	vmul.f32 v10, v0;
	v12 =	vadd.f32 v12, v27  }
0x40a: {  	v16 =	vadd.f32 v16, v1;
	v1 =	vsel vm0, v5, v56;
	v5 =	vld.idx.msk [tilespmem:v46+s1+$0x0], $0xffff;
	v9 =	vmul.f32 v13, v0  }
0x40b: {  	vm0 =	vle.f32 v8, $1.000000000e+00;
	v3 =	vand.u32 $0x7FFFFFFF, v3;
	v7 =	vfloor.f32 v7  }
0x40c: {  	v12 =	vadd.f32 v18, v12;
	v2 =	vadd.f32 v16, v2;
	v9 =	vfloor.f32 v9  }
0x40d: {  	v21 =	vmul.f32 v3, v0;
	v7 =	vadd.f32 v7, v7;
	v9 =	vadd.f32 v9, v9  }
0x40e: {  	v12 =	vadd.f32 v12, v15;
	v2 =	vand.u32 $0x7FFFFFFF, v2;
	v15 =	vmul.f32 v14, v0  }
0x40f: {  	v21 =	vfloor.f32 v21;
	v26 =	vsub.f32 v10, v7;
	v5 =	vadd.f32 v6, v5  }
0x410: {  	v6 =	vand.u32 $0x7FFFFFFF, v11;
	v17 =	vmul.f32 v2, v0;
	v24 =	vadd.f32 v21, v21  }
0x411: {  	v28 =	vsub.f32 v13, v9;
	v11 =	vand.u32 $0x7FFFFFFF, v12;
	v12 =	vmul.f32 v4, v0  }
0x412: {  	s19 =	simm.s32 $0x4F60;
	v15 =	vfloor.f32 v15;
	v16 =	vand.u32 $0x7FFFFFFF, v5;
	v5 =	vmul.f32 v6, v0  }
0x413: {  	v25 =	vld [tilespmem:s19+$0x0];
	v18 =	vmul.f32 v11, v0;
	v17 =	vfloor.f32 v17;
	v15 =	vadd.f32 v15, v15  }
0x414: {  	v9 =	vld [tilespmem:s19+$0xFFFFFFE0];
	v3 =	vsub.f32 v3, v24;
	vm1 =	veq.f32 v28, $2.000000000e+00;
	v28 =	vand.u32 $0x7FFFFFFF, v28  }
0x415: {  	v23 =	vld [tilespmem:s19+$0x10];
	v19 =	vmul.f32 v16, v0;
	v12 =	vfloor.f32 v12;
	v17 =	vadd.f32 v17, v17  }
0x416: {  	v5 =	vfloor.f32 v5;
	v12 =	vadd.f32 v12, v12;
	v18 =	vfloor.f32 v18  }
0x417: {  	v30 =	vsub.f32 v14, v15;
	v19 =	vfloor.f32 v19;
	v22 =	vadd.f32 v5, v5  }
0x418: {  	v18 =	vadd.f32 v18, v18;
	v5 =	vsel vm0, v8, v57;
	vm0 =	vle.f32 v47, $1.000000000e+00  }
0x419: {  	v33 =	vsub.f32 v2, v17;
	v2 =	vmul.u32 $0xC, v25;
	v24 =	vmul.u32 $0xC, v9  }
0x41a: {  	v19 =	vadd.f32 v19, v19;
	v29 =	vsub.f32 v4, v12;
	v12 =	vmul.u32 $0xC, v23  }
0x41b: {  	v7 =	vsel vm0, v47, v20;
	vm0 =	veq.f32 v26, $2.000000000e+00;
	vm3 =	veq.f32 v30, $2.000000000e+00  }
0x41c: {  	s9 =	simm.s32 $0x10F60;
	v8 =	vld [tilespmem:s19+$0xFFFFFFF0];
	v22 =	vsub.f32 v6, v22;
	v10 =	vsub.f32 v11, v18;
	v37 =	vadd.s32 $0x4, v24  }
0x41d: {  	s10 =	simm.s32 $0x8F60;
	v14 =	vld [tilespmem:s9+$0x10];
	v6 =	vand.u32 $0x7FFFFFFF, v26;
	v18 =	vor.u32 $0x3, v24;
	v38 =	vadd.s32 $0x6, v24  }
0x41e: {  	s11 =	simm.s32 $0xCF60;
	v15 =	vld [tilespmem:s10+$0x10];
	v39 =	vadd.s32 $0x7, v24;
	v43 =	vor.u32 $0x1, v2;
	v9 =	vor.u32 $0x1, v12  }
0x41f: {  	v17 =	vld [tilespmem:s11+$0x10];
	v45 =	vor.u32 $0x3, v2;
	v46 =	vadd.s32 $0x4, v2;
	v11 =	vor.u32 $0x3, v12  }
0x420: {  	v31 =	vor.u32 $0x2, v24;
	v4 =	vsub.f32 v16, v19;
	v13 =	vadd.s32 $0x4, v12;
	v19 =	vld.idx.msk [tilespmem:v12+s1+$0x0], $0xffff  }
0x421: {  	v49 =	vadd.s32 $0x6, v2;
	v21 =	vmul.u32 $0xC, v8;
	v8 =	vor.u32 $0x2, v12;
	v37 =	vld.idx.msk [tilespmem:v37+s1+$0x0], $0xffff  }
0x422: {  	v50 =	vadd.s32 $0x7, v2;
	v32 =	vadd.s32 $0x5, v24;
	v20 =	vadd.s32 $0x6, v12;
	v38 =	vld.idx.msk [tilespmem:v38+s1+$0x0], $0xffff  }
0x423: {  	v27 =	vadd.s32 $0x8, v24;
	vm5 =	veq.f32 v33, $2.000000000e+00;
	v48 =	vadd.s32 $0x8, v12;
	v61 =	vld.idx.msk [tilespmem:v9+s1+$0x0], $0xffff  }
0x424: {  	v16 =	vor.u32 $0x1, v24;
	v52 =	vadd.s32 $0x9, v12;
	v9 =	vadd.s32 $0x5, v12;
	v62 =	vld.idx.msk [tilespmem:v11+s1+$0x0], $0xffff  }
0x425: {  	v54 =	vadd.s32 $0xA, v12;
	v56 =	vadd.s32 $0xB, v12;
	vm2 =	veq.f32 v29, $2.000000000e+00;
	v13 =	vld.idx.msk [tilespmem:v13+s1+$0x0], $0xffff  }
0x426: {  	v29 =	vand.u32 $0x7FFFFFFF, v29;
	vm4 =	veq.f32 v22, $2.000000000e+00;
	v60 =	vld.idx.msk [tilespmem:v8+s1+$0x0], $0xffff;
	v8 =	vadd.s32 $0x7, v12  }
0x427: {  	vm6 =	veq.f32 v10, $2.000000000e+00;
	v10 =	vand.u32 $0x7FFFFFFF, v10;
	v34 =	vor.u32 $0x1, v21;
	v51 =	vld.idx.msk [tilespmem:v20+s1+$0x0], $0xffff  }
0x428: {  	v35 =	vor.u32 $0x3, v21;
	v36 =	vadd.s32 $0x4, v21;
	v40 =	vadd.s32 $0x6, v21;
	v48 =	vld.idx.msk [tilespmem:v48+s1+$0x0], $0xffff  }
0x429: {  	v42 =	vadd.s32 $0x7, v21;
	v26 =	vor.u32 $0x2, v21;
	v25 =	vadd.s32 $0x5, v21;
	v55 =	vld.idx.msk [tilespmem:v9+s1+$0x0], $0xffff  }
0x42a: {  	v23 =	vadd.s32 $0x8, v21;
	v52 =	vld.idx.msk [tilespmem:v52+s1+$0x0], $0xffff;
	v19 =	vmul.f32 v15, v19;
	v44 =	vmul.f32 v17, v61  }
0x42b: {  	v11 =	vor.u32 $0x2, v2;
	v20 =	vadd.s32 $0x5, v2;
	v47 =	vmul.f32 v15, v62;
	v53 =	vld.idx.msk [tilespmem:v8+s1+$0x0], $0xffff  }
0x42c: {  	v39 =	vld.idx.msk [tilespmem:v39+s1+$0x0], $0xffff;
	v57 =	vmul.f32 v17, v13;
	v41 =	vmul.f32 v14, v60;
	v44 =	vadd.f32 v44, v19  }
0x42d: {  	v54 =	vld.idx.msk [tilespmem:v54+s1+$0x0], $0xffff;
	v12 =	vadd.s32 $0xA, v24;
	v9 =	vadd.s32 $0x8, v2;
	v13 =	vadd.s32 $0xB, v24  }
0x42e: {  	v63 =	vld.idx.msk [tilespmem:v56+s1+$0x0], $0xffff;
	v47 =	vadd.f32 v57, v47;
	v41 =	vadd.f32 v41, v44;
	v58 =	vmul.f32 v14, v55  }
0x42f: {  	v15 =	vmul.f32 v15, v51;
	v8 =	vadd.s32 $0x9, v24;
	v55 =	vld.idx.msk [tilespmem:v16+s1+$0x0], $0xffff;
	v14 =	vmul.f32 v14, v48  }
0x430: {  	v48 =	vld.idx.msk [tilespmem:v18+s1+$0x0], $0xffff;
	v41 =	vadd.f32 v41, v52;
	v17 =	vmul.f32 v17, v53;
	v59 =	vadd.f32 v58, v47  }
0x431: {  	v19 =	vadd.s32 $0x9, v21;
	v18 =	vadd.s32 $0xB, v21;
	v16 =	vadd.s32 $0x9, v2;
	v52 =	vld [tilespmem:s10+$0xFFFFFFE0]  }
0x432: {  	v45 =	vld.idx.msk [tilespmem:v45+s1+$0x0], $0xffff;
	v41 =	vand.u32 $0x7FFFFFFF, v41;
	v15 =	vadd.f32 v17, v15;
	v44 =	vadd.f32 v59, v54  }
0x433: {  	v31 =	vld.idx.msk [tilespmem:v31+s1+$0x0], $0xffff;
	v53 =	vand.u32 $0x7FFFFFFF, v22;
	v17 =	vadd.s32 $0xA, v21;
	v61 =	vmul.f32 v41, v0  }
0x434: {  	v32 =	vld.idx.msk [tilespmem:v32+s1+$0x0], $0xffff;
	v54 =	vand.u32 $0x7FFFFFFF, v30;
	v60 =	vadd.f32 v14, v15;
	v44 =	vand.u32 $0x7FFFFFFF, v44  }
0x435: {  	v27 =	vld.idx.msk [tilespmem:v27+s1+$0x0], $0xffff;
	v14 =	vadd.s32 $0xA, v2;
	v56 =	vfloor.f32 v61;
	v62 =	vmul.f32 v44, v0  }
0x436: {  	v34 =	vld.idx.msk [tilespmem:v34+s1+$0x0], $0xffff;
	v48 =	vmul.f32 v52, v48;
	v30 =	vadd.f32 v56, v56;
	v47 =	vadd.f32 v60, v63  }
0x437: {  	v15 =	vadd.s32 $0xB, v2;
	v38 =	vmul.f32 v52, v38;
	v56 =	vld [tilespmem:s9+$0xFFFFFFE0];
	v57 =	vfloor.f32 v62  }
0x438: {  	v35 =	vld.idx.msk [tilespmem:v35+s1+$0x0], $0xffff;
	v30 =	vsub.f32 v41, v30;
	v47 =	vand.u32 $0x7FFFFFFF, v47;
	v51 =	vadd.f32 v57, v57  }
0x439: {  	v36 =	vld.idx.msk [tilespmem:v36+s1+$0x0], $0xffff;
	v57 =	vsel vm0, $0x0, v6;
	vm0 =	veq.f32 v3, $2.000000000e+00;
	v63 =	vmul.f32 v47, v0  }
0x43a: {  	v41 =	vld.idx.msk [tilespmem:v24+s1+$0x0], $0xffff;
	vm12 =	veq.f32 v30, $2.000000000e+00;
	v30 =	vand.u32 $0x7FFFFFFF, v30;
	v59 =	vsub.f32 v44, v51  }
0x43b: {  	v44 =	vld.idx.msk [tilespmem:v46+s1+$0x0], $0xffff;
	v46 =	vand.u32 $0x7FFFFFFF, v33;
	v30 =	vsel vm12, $0x0, v30;
	vm12 =	veq.f32 v4, $2.000000000e+00  }
0x43c: {  	v42 =	vld.idx.msk [tilespmem:v42+s1+$0x0], $0xffff;
	v4 =	vand.u32 $0x7FFFFFFF, v4;
	v31 =	vmul.f32 v56, v31;
	v32 =	vmul.f32 v56, v32  }
0x43d: {  	v6 =	vld [tilespmem:s11+$0xFFFFFFF0];
	v27 =	vmul.f32 v56, v27;
	v58 =	vfloor.f32 v63;
	v24 =	vsub.f32 $2.000000000e+00, v30  }
0x43e: {  	v51 =	vld [tilespmem:s10+$0xFFFFFFF0];
	vm15 =	vle.f32 v30, $1.000000000e+00;
	v4 =	vsel vm12, $0x0, v4;
	v22 =	vadd.f32 v58, v58  }
0x43f: {  	v63 =	vld [tilespmem:s11+$0xFFFFFFE0];
	vm13 =	veq.f32 v59, $2.000000000e+00;
	v60 =	vand.u32 $0x7FFFFFFF, v59;
	v58 =	vand.u32 $0x7FFFFFFF, v3  }
0x440: {  	v59 =	vld [tilespmem:s10+$0x0];
	v3 =	vsel vm6, $0x0, v10;
	v41 =	vmul.f32 v52, v41;
	v33 =	vsel vm13, $0x0, v60  }
0x441: {  	v24 =	vsel vm15, v30, v24;
	v30 =	vsel vm2, $0x0, v29;
	v29 =	vsel vm4, $0x0, v53;
	v53 =	vld.idx.msk [tilespmem:v2+s1+$0x0], $0xffff  }
0x442: {  	v2 =	vsel vm5, $0x0, v46;
	v10 =	vmul.f32 v6, v34;
	v22 =	vsub.f32 v47, v22;
	v47 =	vld.idx.msk [tilespmem:v49+s1+$0x0], $0xffff  }
0x443: {  	v60 =	vmul.f32 v6, v36;
	v6 =	vmul.f32 v6, v42;
	vm13 =	vle.f32 v57, $1.000000000e+00;
	v49 =	vld.idx.msk [tilespmem:v50+s1+$0x0], $0xffff  }
0x444: {  	v46 =	vsub.f32 $2.000000000e+00, v57;
	vm2 =	vle.f32 v3, $1.000000000e+00;
	v50 =	vld.idx.msk [tilespmem:v21+s1+$0x0], $0xffff;
	v21 =	vsub.f32 $2.000000000e+00, v33  }
0x445: {  	v43 =	vld.idx.msk [tilespmem:v43+s1+$0x0], $0xffff;
	vm10 =	vle.f32 v33, $1.000000000e+00;
	vm4 =	vle.f32 v30, $1.000000000e+00;
	vm15 =	vle.f32 v29, $1.000000000e+00  }
0x446: {  	v40 =	vld.idx.msk [tilespmem:v40+s1+$0x0], $0xffff;
	v35 =	vmul.f32 v51, v35;
	vm14 =	veq.f32 v22, $2.000000000e+00;
	v55 =	vmul.f32 v63, v55  }
0x447: {  	v26 =	vld.idx.msk [tilespmem:v26+s1+$0x0], $0xffff;
	v22 =	vand.u32 $0x7FFFFFFF, v22;
	v37 =	vmul.f32 v63, v37;
	v39 =	vmul.f32 v63, v39  }
0x448: {  	v25 =	vld.idx.msk [tilespmem:v25+s1+$0x0], $0xffff;
	v61 =	vsel vm14, $0x0, v22;
	v22 =	vsel vm10, v33, v21;
	v33 =	vsel vm1, $0x0, v28  }
0x449: {  	v28 =	vsel vm3, $0x0, v54;
	v54 =	vld [tilespmem:s11+$0x0];
	v34 =	vadd.f32 v60, v35;
	v63 =	vmul.f32 v59, v45  }
0x44a: {  	v60 =	vld.idx.msk [tilespmem:v9+s1+$0x0], $0xffff;
	v9 =	vsub.f32 $2.000000000e+00, v4;
	vm3 =	vle.f32 v4, $1.000000000e+00;
	v62 =	vsub.f32 $2.000000000e+00, v61  }
0x44b: {  	v23 =	vld.idx.msk [tilespmem:v23+s1+$0x0], $0xffff;
	vm11 =	vle.f32 v61, $1.000000000e+00;
	v37 =	vadd.f32 v37, v48;
	v41 =	vadd.f32 v55, v41  }
0x44c: {  	v13 =	vld.idx.msk [tilespmem:v13+s1+$0x0], $0xffff;
	v36 =	vadd.f32 v39, v38;
	v48 =	vmul.f32 v59, v47;
	v47 =	vsub.f32 $2.000000000e+00, v33  }
0x44d: {  	v20 =	vld.idx.msk [tilespmem:v20+s1+$0x0], $0xffff;
	v21 =	vsel vm11, v61, v62;
	v61 =	vmul.f32 v51, v40;
	v31 =	vadd.f32 v31, v41  }
0x44e: {  	v12 =	vld.idx.msk [tilespmem:v12+s1+$0x0], $0xffff;
	vm14 =	vle.f32 v33, $1.000000000e+00;
	v32 =	vadd.f32 v32, v37;
	v27 =	vadd.f32 v27, v36  }
0x44f: {  	v62 =	vmul.f32 v54, v43;
	v38 =	vadd.f32 v6, v61;
	v6 =	vmul.f32 v54, v44;
	v43 =	vld.idx.msk [tilespmem:v11+s1+$0x0], $0xffff  }
0x450: {  	v52 =	vmul.f32 v54, v49;
	v54 =	vmul.f32 v59, v53;
	v59 =	vld [tilespmem:s9+$0xFFFFFFF0];
	v49 =	vsub.f32 $2.000000000e+00, v30  }
0x451: {  	v11 =	vmul.f32 v51, v50;
	v50 =	vsub.f32 $2.000000000e+00, v28;
	v61 =	vld [tilespmem:s9+$0x0];
	v13 =	vadd.f32 v27, v13  }
0x452: {  	v19 =	vld.idx.msk [tilespmem:v19+s1+$0x0], $0xffff;
	vm5 =	vle.f32 v28, $1.000000000e+00;
	v39 =	vadd.f32 v6, v63;
	v40 =	vadd.f32 v52, v48  }
0x453: {  	v18 =	vld.idx.msk [tilespmem:v18+s1+$0x0], $0xffff;
	v6 =	vsel vm0, $0x0, v58;
	v58 =	vadd.f32 v10, v11;
	v35 =	vadd.f32 v62, v54  }
0x454: {  	v16 =	vld.idx.msk [tilespmem:v16+s1+$0x0], $0xffff;
	v27 =	vsel vm13, v57, v46;
	v62 =	vsub.f32 $2.000000000e+00, v29;
	v11 =	vsub.f32 $2.000000000e+00, v2  }
0x455: {  	v63 =	vld.idx.msk [tilespmem:v8+s1+$0x0], $0xffff;
	v10 =	vsub.f32 $2.000000000e+00, v3;
	v26 =	vmul.f32 v59, v26;
	v25 =	vmul.f32 v59, v25  }
0x456: {  	v17 =	vld.idx.msk [tilespmem:v17+s1+$0x0], $0xffff;
	v8 =	vsub.f32 $2.000000000e+00, v6;
	v23 =	vmul.f32 v59, v23;
	v55 =	vmul.f32 v61, v43  }
0x457: {  	v20 =	vmul.f32 v61, v20;
	v59 =	vld.idx.msk [tilespmem:v15+s1+$0x0], $0xffff;
	v15 =	vadd.f32 v32, v12;
	v26 =	vadd.f32 v26, v58  }
0x458: {  	v56 =	vmul.f32 v61, v60;
	v25 =	vadd.f32 v25, v34;
	v23 =	vadd.f32 v23, v38  }
0x459: {  	vm0 =	vle.f32 v2, $1.000000000e+00;
	v35 =	vadd.f32 v55, v35;
	v20 =	vadd.f32 v20, v39  }
0x45a: {  	v30 =	vsel vm4, v30, v49;
	v58 =	vld.idx.msk [tilespmem:v14+s1+$0x0], $0xffff;
	v14 =	vadd.f32 v31, v63;
	v60 =	vadd.f32 v56, v40  }
0x45b: {  	v28 =	vsel vm5, v28, v50;
	v19 =	vadd.f32 v26, v19;
	v17 =	vadd.f32 v25, v17  }
0x45c: {  	s16 =	simm.s32 $0x14F20;
	v12 =	vand.u32 $0x7FFFFFFF, v14;
	v18 =	vadd.f32 v23, v18;
	v23 =	vadd.f32 v35, v16  }
0x45d: {  	s17 =	simm.s32 $0x18F20;
	[tilespmem:s16+$0x10] =	vst v1;
	v14 =	vand.u32 $0x7FFFFFFF, v15;
	v15 =	vand.u32 $0x7FFFFFFF, v13;
	v16 =	vand.u32 $0x7FFFFFFF, v19  }
0x45e: {  	[tilespmem:s17+$0x10] =	vst v5;
	v1 =	vand.u32 $0x7FFFFFFF, v17;
	v13 =	vand.u32 $0x7FFFFFFF, v18;
	v5 =	vand.u32 $0x7FFFFFFF, v23  }
0x45f: {  	s12 =	simm.s32 $0x14F60;
	v23 =	vmul.f32 v15, v0;
	v19 =	vadd.f32 v20, v58;
	v20 =	vmul.f32 v12, v0  }
0x460: {  	s13 =	simm.s32 $0x18F60;
	[tilespmem:s12+$0x10] =	vst v24;
	v18 =	vadd.f32 v60, v59;
	v24 =	vmul.f32 v16, v0;
	v25 =	vmul.f32 v1, v0  }
0x461: {  	s15 =	simm.s32 $0x1CF20;
	[tilespmem:s13+$0x10] =	vst v22;
	vm1 =	vle.f32 v6, $1.000000000e+00;
	v22 =	vmul.f32 v13, v0;
	v26 =	vmul.f32 v5, v0  }
0x462: {  	[tilespmem:s15+$0x10] =	vst v7;
	v7 =	vand.u32 $0x7FFFFFFF, v18;
	v17 =	vand.u32 $0x7FFFFFFF, v19;
	v19 =	vmul.f32 v14, v0  }
0x463: {  	s14 =	simm.s32 $0x1CF60;
	[tilespmem:s16+$0xFFFFFFE0] =	vst v27;
	v27 =	vsel vm15, v29, v62;
	v61 =	vmul.f32 v7, v0;
	v20 =	vfloor.f32 v20  }
0x464: {  	[tilespmem:s14+$0x10] =	vst v21;
	v18 =	vsel vm14, v33, v47;
	v62 =	vfloor.f32 v24;
	v63 =	vfloor.f32 v25  }
0x465: {  	[tilespmem:s17+$0xFFFFFFE0] =	vst v18;
	v25 =	vfloor.f32 v26;
	v21 =	vmul.f32 v17, v0;
	v18 =	vadd.f32 v20, v20  }
0x466: {  	[tilespmem:s16+$0xFFFFFFF0] =	vst v28;
	v20 =	vfloor.f32 v23;
	v23 =	vfloor.f32 v22;
	v22 =	vadd.f32 v62, v62  }
0x467: {  	[tilespmem:s17+$0xFFFFFFF0] =	vst v27;
	v19 =	vfloor.f32 v19;
	v20 =	vadd.f32 v20, v20;
	v26 =	vfloor.f32 v61  }
0x468: {  	s18 =	simm.s32 $0x4;
	s19 =	simm.s32 $0x4FA0;
	[tilespmem:s15+$0xFFFFFFE0] =	vst v30;
	v19 =	vadd.f32 v19, v19;
	v24 =	vfloor.f32 v21;
	v21 =	vadd.f32 v63, v63  }
.LBB2_8:
0x469: {  	v28 =	vld [tilespmem:s19+$0x10];
	v23 =	vadd.f32 v23, v23;
	v32 =	vadd.f32 v25, v25;
	v2 =	vsel vm0, v2, v11  }
0x46a: {  	v33 =	vadd.f32 v24, v24;
	v26 =	vadd.f32 v26, v26;
	v11 =	vld [tilespmem:s19+$0xFFFFFFF0];
	[tilespmem:s15+$0xFFFFFFF0] =	vst v2;
	v2 =	vsel vm2, v3, v10  }
0x46b: {  	v31 =	vsub.f32 v14, v19;
	v3 =	vsub.f32 v12, v18;
	v10 =	vld [tilespmem:s19+$0x0];
	[tilespmem:s16+$0x0] =	vst v2;
	v2 =	vsel vm3, v4, v9;
	s16 =	smov.u32 s12  }
0x46c: {  	v30 =	vsub.f32 v15, v20;
	v29 =	vsub.f32 v16, v22;
	v4 =	vld [tilespmem:s19+$0xFFFFFFE0];
	[tilespmem:s17+$0x0] =	vst v2;
	v2 =	vsel vm1, v6, v8;
	s17 =	smov.u32 s13  }
0x46d: {  	v27 =	vsub.f32 v1, v21;
	v25 =	vsub.f32 v13, v23;
	vm0 =	veq.f32 v3, $2.000000000e+00;
	[tilespmem:s15+$0x0] =	vst v2;
	s15 =	smov.u32 s14  }
0x46e: {  	v24 =	vsub.f32 v5, v32;
	v23 =	vsub.f32 v17, v33;
	v1 =	vmul.u32 $0xC, v28  }
0x46f: {  	s18 =	sadd.s32 $0x4, s18;
	v2 =	vand.u32 $0x7FFFFFFF, v3;
	v3 =	vsub.f32 v7, v26;
	v19 =	vmul.u32 $0xC, v11  }
0x470: {  	s9 =	sadd.s32 $0x40, s9;
	p0 =	slt.u32 s18, $0x1FC;
	vm1 =	veq.f32 v31, $2.000000000e+00;
	v20 =	vmul.u32 $0xC, v10;
	v5 =	vor.u32 $0x2, v1  }
0x471: {  	s10 =	sadd.s32 $0x40, s10;
	v26 =	vmul.u32 $0xC, v4;
	v32 =	vor.u32 $0x1, v19;
	v4 =	vor.u32 $0x1, v1;
	v13 =	vld [tilespmem:s9+$0x10]  }
0x472: {  	s11 =	sadd.s32 $0x40, s11;
	v6 =	vor.u32 $0x3, v1;
	v33 =	vor.u32 $0x3, v19;
	v34 =	vadd.s32 $0x4, v19;
	v12 =	vld [tilespmem:s10+$0x10]  }
0x473: {  	v8 =	vadd.s32 $0x4, v1;
	v7 =	vor.u32 $0x1, v26;
	v14 =	vor.u32 $0x3, v26;
	v35 =	vld [tilespmem:s11+$0x10]  }
0x474: {  	v9 =	vadd.s32 $0x6, v1;
	v36 =	vadd.s32 $0x4, v26;
	v37 =	vadd.s32 $0x6, v26;
	v38 =	vld.idx.msk [tilespmem:v1+s1+$0x0], $0xffff  }
0x475: {  	v10 =	vadd.s32 $0x7, v1;
	v40 =	vadd.s32 $0x6, v19;
	v39 =	vadd.s32 $0x7, v26;
	v5 =	vld.idx.msk [tilespmem:v5+s1+$0x0], $0xffff  }
0x476: {  	v11 =	vadd.s32 $0x5, v1;
	v41 =	vadd.s32 $0x7, v19;
	v42 =	vor.u32 $0x1, v20;
	v43 =	vld.idx.msk [tilespmem:v4+s1+$0x0], $0xffff  }
0x477: {  	v28 =	vadd.s32 $0x8, v1;
	v44 =	vor.u32 $0x3, v20;
	v45 =	vadd.s32 $0x4, v20;
	v46 =	vld.idx.msk [tilespmem:v6+s1+$0x0], $0xffff  }
0x478: {  	v47 =	vadd.s32 $0x6, v20;
	v48 =	vadd.s32 $0x7, v20;
	v21 =	vor.u32 $0x2, v26;
	v49 =	vld.idx.msk [tilespmem:v8+s1+$0x0], $0xffff  }
0x479: {  	v51 =	vadd.s32 $0x9, v1;
	v22 =	vadd.s32 $0x5, v26;
	v18 =	vadd.s32 $0x8, v26;
	v50 =	vld.idx.msk [tilespmem:v9+s1+$0x0], $0xffff  }
0x47a: {  	v53 =	vadd.s32 $0xA, v1;
	v17 =	vor.u32 $0x2, v19;
	v16 =	vadd.s32 $0x5, v19;
	v52 =	vld.idx.msk [tilespmem:v10+s1+$0x0], $0xffff  }
0x47b: {  	v55 =	vadd.s32 $0xB, v1;
	v15 =	vadd.s32 $0x8, v19;
	v4 =	vor.u32 $0x2, v20;
	v54 =	vld.idx.msk [tilespmem:v11+s1+$0x0], $0xffff  }
0x47c: {  	v6 =	vadd.s32 $0x8, v20;
	v9 =	vadd.s32 $0x9, v26;
	v11 =	vadd.s32 $0x5, v20;
	v56 =	vld.idx.msk [tilespmem:v28+s1+$0x0], $0xffff  }
0x47d: {  	v8 =	vadd.s32 $0xB, v26;
	v38 =	vmul.f32 v12, v38;
	v10 =	vadd.s32 $0xA, v26;
	v28 =	vld.idx.msk [tilespmem:v7+s1+$0x0], $0xffff  }
0x47e: {  	v1 =	vadd.s32 $0x9, v19;
	v57 =	vmul.f32 v13, v5;
	v43 =	vmul.f32 v35, v43;
	v51 =	vld.idx.msk [tilespmem:v51+s1+$0x0], $0xffff  }
0x47f: {  	v5 =	vadd.s32 $0xA, v19;
	v46 =	vmul.f32 v12, v46;
	v49 =	vmul.f32 v35, v49;
	v53 =	vld.idx.msk [tilespmem:v53+s1+$0x0], $0xffff  }
0x480: {  	v7 =	vadd.s32 $0xB, v19;
	v50 =	vmul.f32 v12, v50;
	v35 =	vmul.f32 v35, v52;
	v55 =	vld.idx.msk [tilespmem:v55+s1+$0x0], $0xffff  }
0x481: {  	v52 =	vld.idx.msk [tilespmem:v14+s1+$0x0], $0xffff;
	v14 =	vadd.f32 v43, v38;
	v38 =	vadd.f32 v49, v46;
	v43 =	vmul.f32 v13, v54  }
0x482: {  	v12 =	vadd.s32 $0x9, v20;
	v35 =	vadd.f32 v35, v50;
	v46 =	vmul.f32 v13, v56;
	v36 =	vld.idx.msk [tilespmem:v36+s1+$0x0], $0xffff  }
0x483: {  	v13 =	vadd.s32 $0xA, v20;
	v37 =	vld.idx.msk [tilespmem:v37+s1+$0x0], $0xffff;
	v49 =	vadd.f32 v57, v14;
	v38 =	vadd.f32 v43, v38  }
0x484: {  	v31 =	vand.u32 $0x7FFFFFFF, v31;
	v14 =	vadd.s32 $0xB, v20;
	v35 =	vadd.f32 v46, v35;
	v39 =	vld.idx.msk [tilespmem:v39+s1+$0x0], $0xffff  }
0x485: {  	vm2 =	veq.f32 v30, $2.000000000e+00;
	v32 =	vld.idx.msk [tilespmem:v32+s1+$0x0], $0xffff;
	v43 =	vadd.f32 v49, v51;
	v38 =	vadd.f32 v38, v53  }
0x486: {  	v30 =	vand.u32 $0x7FFFFFFF, v30;
	vm4 =	veq.f32 v29, $2.000000000e+00;
	v35 =	vadd.f32 v35, v55;
	v33 =	vld.idx.msk [tilespmem:v33+s1+$0x0], $0xffff  }
0x487: {  	v29 =	vand.u32 $0x7FFFFFFF, v29;
	v34 =	vld.idx.msk [tilespmem:v34+s1+$0x0], $0xffff;
	v43 =	vand.u32 $0x7FFFFFFF, v43;
	v38 =	vand.u32 $0x7FFFFFFF, v38  }
0x488: {  	v35 =	vand.u32 $0x7FFFFFFF, v35;
	v40 =	vld.idx.msk [tilespmem:v40+s1+$0x0], $0xffff;
	v46 =	vmul.f32 v43, v0;
	v49 =	vmul.f32 v38, v0  }
0x489: {  	vm5 =	veq.f32 v27, $2.000000000e+00;
	v27 =	vand.u32 $0x7FFFFFFF, v27;
	v50 =	vmul.f32 v35, v0;
	v41 =	vld.idx.msk [tilespmem:v41+s1+$0x0], $0xffff  }
0x48a: {  	vm6 =	veq.f32 v25, $2.000000000e+00;
	v42 =	vld.idx.msk [tilespmem:v42+s1+$0x0], $0xffff;
	v46 =	vfloor.f32 v46;
	v49 =	vfloor.f32 v49  }
0x48b: {  	v50 =	vfloor.f32 v50;
	v44 =	vld.idx.msk [tilespmem:v44+s1+$0x0], $0xffff;
	v46 =	vadd.f32 v46, v46;
	v49 =	vadd.f32 v49, v49  }
0x48c: {  	v25 =	vand.u32 $0x7FFFFFFF, v25;
	vm7 =	veq.f32 v24, $2.000000000e+00;
	v50 =	vadd.f32 v50, v50;
	v45 =	vld.idx.msk [tilespmem:v45+s1+$0x0], $0xffff  }
0x48d: {  	v47 =	vld.idx.msk [tilespmem:v47+s1+$0x0], $0xffff;
	v43 =	vsub.f32 v43, v46;
	v38 =	vsub.f32 v38, v49;
	v46 =	vand.u32 $0x7FFFFFFF, v24  }
0x48e: {  	vm3 =	veq.f32 v23, $2.000000000e+00;
	v24 =	vsub.f32 v35, v50;
	v35 =	vand.u32 $0x7FFFFFFF, v23;
	v48 =	vld.idx.msk [tilespmem:v48+s1+$0x0], $0xffff  }
0x48f: {  	v26 =	vld.idx.msk [tilespmem:v26+s1+$0x0], $0xffff;
	vm8 =	veq.f32 v43, $2.000000000e+00;
	v23 =	vand.u32 $0x7FFFFFFF, v43;
	vm9 =	veq.f32 v38, $2.000000000e+00  }
0x490: {  	v43 =	vld.idx.msk [tilespmem:v19+s1+$0x0], $0xffff;
	v19 =	vsel vm8, $0x0, v23;
	v23 =	vand.u32 $0x7FFFFFFF, v38;
	vm8 =	veq.f32 v24, $2.000000000e+00  }
0x491: {  	v24 =	vand.u32 $0x7FFFFFFF, v24;
	v38 =	vld.idx.msk [tilespmem:v20+s1+$0x0], $0xffff;
	v20 =	vsub.f32 $2.000000000e+00, v19;
	v23 =	vsel vm9, $0x0, v23  }
0x492: {  	vm9 =	vle.f32 v19, $1.000000000e+00;
	v24 =	vsel vm8, $0x0, v24;
	v49 =	vld [tilespmem:s10+$0xFFFFFFE0];
	v50 =	vsub.f32 $2.000000000e+00, v23  }
0x493: {  	s12 =	sadd.s32 $0x40, s12;
	vm8 =	vle.f32 v23, $1.000000000e+00;
	v51 =	vld [tilespmem:s11+$0xFFFFFFE0];
	v19 =	vsel vm9, v19, v20;
	v20 =	vsub.f32 $2.000000000e+00, v24  }
0x494: {  	s13 =	sadd.s32 $0x40, s13;
	vm9 =	vle.f32 v24, $1.000000000e+00;
	v53 =	vld [tilespmem:s10+$0xFFFFFFF0];
	[tilespmem:s12+$0x10] =	vst v19;
	v19 =	vsel vm8, v23, v50;
	vm8 =	veq.f32 v3, $2.000000000e+00  }
0x495: {  	s14 =	sadd.s32 $0x40, s14;
	v54 =	vsel vm0, $0x0, v2;
	v55 =	vand.u32 $0x7FFFFFFF, v3;
	v50 =	vld [tilespmem:s11+$0xFFFFFFF0];
	[tilespmem:s13+$0x10] =	vst v19;
	v19 =	vsel vm9, v24, v20  }
0x496: {  	v23 =	vsel vm2, $0x0, v30;
	v24 =	vsel vm1, $0x0, v31;
	v56 =	vld [tilespmem:s10+$0x0];
	[tilespmem:s14+$0x10] =	vst v19;
	v19 =	vsel vm4, $0x0, v29  }
0x497: {  	v20 =	vsel vm5, $0x0, v27;
	v29 =	vmul.f32 v49, v52;
	v30 =	vmul.f32 v49, v37;
	v31 =	vld [tilespmem:s11+$0x0]  }
0x498: {  	v2 =	vsel vm6, $0x0, v25;
	v21 =	vld.idx.msk [tilespmem:v21+s1+$0x0], $0xffff;
	v27 =	vmul.f32 v51, v28;
	v28 =	vmul.f32 v51, v36  }
0x499: {  	v3 =	vsel vm7, $0x0, v46;
	v25 =	vmul.f32 v51, v39;
	v22 =	vld.idx.msk [tilespmem:v22+s1+$0x0], $0xffff;
	v33 =	vmul.f32 v53, v33  }
0x49a: {  	v18 =	vld.idx.msk [tilespmem:v18+s1+$0x0], $0xffff;
	v28 =	vadd.f32 v28, v29;
	v29 =	vmul.f32 v50, v32;
	v32 =	vmul.f32 v50, v34  }
0x49b: {  	v25 =	vadd.f32 v25, v30;
	v30 =	vmul.f32 v53, v40;
	v34 =	vmul.f32 v50, v41;
	v17 =	vld.idx.msk [tilespmem:v17+s1+$0x0], $0xffff  }
0x49c: {  	v36 =	vmul.f32 v56, v44;
	v16 =	vld.idx.msk [tilespmem:v16+s1+$0x0], $0xffff;
	v32 =	vadd.f32 v32, v33;
	v33 =	vmul.f32 v31, v42  }
0x49d: {  	v37 =	vmul.f32 v56, v47;
	v30 =	vadd.f32 v34, v30;
	v34 =	vmul.f32 v31, v45;
	v15 =	vld.idx.msk [tilespmem:v15+s1+$0x0], $0xffff  }
0x49e: {  	v26 =	vmul.f32 v49, v26;
	v31 =	vmul.f32 v31, v48;
	v39 =	vld.idx.msk [tilespmem:v4+s1+$0x0], $0xffff;
	v4 =	vsel vm3, $0x0, v35  }
0x49f: {  	v35 =	vmul.f32 v53, v43;
	v34 =	vadd.f32 v34, v36;
	v40 =	vld.idx.msk [tilespmem:v11+s1+$0x0], $0xffff;
	v11 =	vmul.f32 v56, v38  }
0x4a0: {  	v26 =	vadd.f32 v27, v26;
	v31 =	vadd.f32 v31, v37;
	v27 =	vld.idx.msk [tilespmem:v6+s1+$0x0], $0xffff;
	v6 =	vsel vm8, $0x0, v55  }
0x4a1: {  	v29 =	vadd.f32 v29, v35;
	vm8 =	vle.f32 v54, $1.000000000e+00;
	v36 =	vld [tilespmem:s9+$0xFFFFFFE0];
	v33 =	vadd.f32 v33, v11  }
0x4a2: {  	vm7 =	vle.f32 v24, $1.000000000e+00;
	v37 =	vsub.f32 $2.000000000e+00, v54;
	v38 =	vsub.f32 $2.000000000e+00, v24;
	v35 =	vld [tilespmem:s9+$0xFFFFFFF0]  }
0x4a3: {  	vm4 =	vle.f32 v23, $1.000000000e+00;
	v42 =	vsub.f32 $2.000000000e+00, v23;
	v43 =	vsub.f32 $2.000000000e+00, v19;
	v41 =	vld [tilespmem:s9+$0x0]  }
0x4a4: {  	vm5 =	vle.f32 v19, $1.000000000e+00;
	v45 =	vsub.f32 $2.000000000e+00, v20;
	v11 =	vsub.f32 $2.000000000e+00, v2;
	v44 =	vld.idx.msk [tilespmem:v9+s1+$0x0], $0xffff  }
0x4a5: {  	vm6 =	vle.f32 v20, $1.000000000e+00;
	v9 =	vsub.f32 $2.000000000e+00, v4;
	v46 =	vld.idx.msk [tilespmem:v10+s1+$0x0], $0xffff;
	v10 =	vsub.f32 $2.000000000e+00, v3  }
0x4a6: {  	v47 =	vld.idx.msk [tilespmem:v8+s1+$0x0], $0xffff;
	v21 =	vmul.f32 v36, v21;
	v22 =	vmul.f32 v36, v22;
	v8 =	vsub.f32 $2.000000000e+00, v6  }
0x4a7: {  	vm0 =	vle.f32 v2, $1.000000000e+00;
	v18 =	vmul.f32 v36, v18;
	v1 =	vld.idx.msk [tilespmem:v1+s1+$0x0], $0xffff;
	v17 =	vmul.f32 v35, v17  }
0x4a8: {  	v16 =	vmul.f32 v35, v16;
	v15 =	vmul.f32 v35, v15;
	v21 =	vadd.f32 v21, v26;
	v5 =	vld.idx.msk [tilespmem:v5+s1+$0x0], $0xffff  }
0x4a9: {  	v22 =	vadd.f32 v22, v28;
	v26 =	vmul.f32 v41, v39;
	v28 =	vmul.f32 v41, v40;
	v7 =	vld.idx.msk [tilespmem:v7+s1+$0x0], $0xffff  }
0x4aa: {  	v18 =	vadd.f32 v18, v25;
	v17 =	vadd.f32 v17, v29;
	v25 =	vld.idx.msk [tilespmem:v12+s1+$0x0], $0xffff;
	v12 =	vmul.f32 v41, v27  }
0x4ab: {  	vm2 =	vle.f32 v3, $1.000000000e+00;
	v16 =	vadd.f32 v16, v32;
	v15 =	vadd.f32 v15, v30;
	v13 =	vld.idx.msk [tilespmem:v13+s1+$0x0], $0xffff  }
0x4ac: {  	vm3 =	vle.f32 v4, $1.000000000e+00;
	v26 =	vadd.f32 v26, v33;
	v28 =	vadd.f32 v28, v34;
	v27 =	vld.idx.msk [tilespmem:v14+s1+$0x0], $0xffff  }
0x4ad: {  	vm1 =	vle.f32 v6, $1.000000000e+00;
	v14 =	vadd.f32 v21, v44;
	v21 =	vadd.f32 v12, v31  }
0x4ae: {  	v29 =	vsel vm8, v54, v37;
	v22 =	vadd.f32 v22, v46;
	v18 =	vadd.f32 v18, v47  }
0x4af: {  	v1 =	vadd.f32 v17, v1;
	v5 =	vadd.f32 v16, v5;
	v12 =	vand.u32 $0x7FFFFFFF, v14;
	[tilespmem:s16+$0xFFFFFFE0] =	vst v29  }
0x4b0: {  	v14 =	vand.u32 $0x7FFFFFFF, v22;
	v7 =	vadd.f32 v15, v7;
	v17 =	vadd.f32 v26, v25  }
0x4b1: {  	v15 =	vand.u32 $0x7FFFFFFF, v18;
	v16 =	vand.u32 $0x7FFFFFFF, v1;
	v18 =	vadd.f32 v28, v13  }
0x4b2: {  	v1 =	vand.u32 $0x7FFFFFFF, v5;
	v13 =	vand.u32 $0x7FFFFFFF, v7;
	v7 =	vadd.f32 v21, v27  }
0x4b3: {  	v21 =	vmul.f32 v12, v0;
	v5 =	vand.u32 $0x7FFFFFFF, v17;
	v17 =	vand.u32 $0x7FFFFFFF, v18  }
0x4b4: {  	v22 =	vmul.f32 v15, v0;
	v18 =	vmul.f32 v14, v0;
	v7 =	vand.u32 $0x7FFFFFFF, v7  }
0x4b5: {  	v24 =	vsel vm7, v24, v38;
	v25 =	vmul.f32 v16, v0;
	v26 =	vmul.f32 v1, v0  }
0x4b6: {  	v23 =	vsel vm4, v23, v42;
	v27 =	vmul.f32 v13, v0;
	v28 =	vmul.f32 v5, v0;
	[tilespmem:s17+$0xFFFFFFE0] =	vst v24  }
0x4b7: {  	v19 =	vsel vm5, v19, v43;
	v29 =	vmul.f32 v7, v0;
	v24 =	vmul.f32 v17, v0;
	[tilespmem:s15+$0xFFFFFFE0] =	vst v23  }
.Ltmp3:
0x4b8: {  	v21 =	vfloor.f32 v21;
	v23 =	vfloor.f32 v18;
	[tilespmem:s16+$0xFFFFFFF0] =	vst v19;
	v19 =	vsel vm6, v20, v45;
	(pc) =	sbr.rel @p0 .LBB2_8-.Ltmp3, $4  }
0x4b9: {  	v18 =	vadd.f32 v21, v21;
	v21 =	vfloor.f32 v25;
	v20 =	vfloor.f32 v22;
	[tilespmem:s17+$0xFFFFFFF0] =	vst v19  }
0x4ba: {  	v26 =	vfloor.f32 v26;
	v19 =	vadd.f32 v23, v23;
	v23 =	vfloor.f32 v27  }
0x4bb: {  	v25 =	vfloor.f32 v28;
	v24 =	vfloor.f32 v24;
	v20 =	vadd.f32 v20, v20  }
0x4bc: {  	s19 =	sadd.s32 $0x40, s19;
	v22 =	vadd.f32 v21, v21;
	v21 =	vadd.f32 v26, v26;
	v26 =	vfloor.f32 v29  }
0x4bd: {  	v23 =	vadd.f32 v23, v23;
	v25 =	vadd.f32 v25, v25  }
0x4be: {  	v2 =	vsel vm0, v2, v11;
	v46 =	vadd.f32 v24, v24;
	v47 =	vadd.f32 v26, v26  }
0x4bf: {  	v3 =	vsel vm2, v3, v10;
	v48 =	vsub.f32 v12, v18;
	v49 =	vsub.f32 v14, v19  }
0x4c0: {  	v4 =	vsel vm3, v4, v9;
	v50 =	vsub.f32 v15, v20;
	v51 =	vsub.f32 v16, v22  }
0x4c1: {  	v6 =	vsel vm1, v6, v8;
	v1 =	vsub.f32 v1, v21;
	v52 =	vsub.f32 v13, v23  }
0x4c2: {  	vm12 =	veq.f32 v48, $2.000000000e+00;
	v5 =	vsub.f32 v5, v25;
	v11 =	vsub.f32 v17, v46  }
0x4c3: {  	v10 =	vand.u32 $0x7FFFFFFF, v48;
	v7 =	vsub.f32 v7, v47;
	vm13 =	veq.f32 v49, $2.000000000e+00  }
0x4c4: {  	v12 =	vand.u32 $0x7FFFFFFF, v49;
	vm14 =	veq.f32 v50, $2.000000000e+00;
	v9 =	vand.u32 $0x7FFFFFFF, v50  }
0x4c5: {  	vm15 =	veq.f32 v51, $2.000000000e+00;
	v53 =	vand.u32 $0x7FFFFFFF, v51;
	vm4 =	veq.f32 v1, $2.000000000e+00  }
0x4c6: {  	v1 =	vand.u32 $0x7FFFFFFF, v1;
	v10 =	vsel vm12, $0x0, v10;
	v12 =	vsel vm13, $0x0, v12  }
0x4c7: {  	v9 =	vsel vm14, $0x0, v9;
	vm5 =	veq.f32 v52, $2.000000000e+00;
	v8 =	vand.u32 $0x7FFFFFFF, v52  }
0x4c8: {  	vm6 =	veq.f32 v5, $2.000000000e+00;
	v5 =	vand.u32 $0x7FFFFFFF, v5;
	vm7 =	veq.f32 v11, $2.000000000e+00  }
0x4c9: {  	v11 =	vand.u32 $0x7FFFFFFF, v11;
	vm8 =	veq.f32 v7, $2.000000000e+00;
	v7 =	vand.u32 $0x7FFFFFFF, v7  }
0x4ca: {  	[tilespmem:s15+$0xFFFFFFF0] =	vst v2;
	v2 =	vsel vm15, $0x0, v53;
	v1 =	vsel vm4, $0x0, v1;
	v55 =	vsub.f32 $2.000000000e+00, v10  }
0x4cb: {  	[tilespmem:s16+$0x0] =	vst v3;
	vm0 =	vle.f32 v10, $1.000000000e+00;
	v57 =	vsub.f32 $2.000000000e+00, v12;
	vm1 =	vle.f32 v12, $1.000000000e+00  }
0x4cc: {  	[tilespmem:s17+$0x0] =	vst v4;
	v58 =	vsub.f32 $2.000000000e+00, v9;
	vm9 =	vle.f32 v9, $1.000000000e+00;
	v8 =	vsel vm5, $0x0, v8  }
0x4cd: {  	[tilespmem:s15+$0x0] =	vst v6;
	v3 =	vsel vm6, $0x0, v5;
	v59 =	vsub.f32 $2.000000000e+00, v2;
	v10 =	vsel vm0, v10, v55  }
0x4ce: {  	v56 =	vsel vm8, $0x0, v7;
	vm10 =	vle.f32 v2, $1.000000000e+00;
	v7 =	vsel vm1, v12, v57;
	[tilespmem:s12+$0xFFFFFFE0] =	vst v10  }
0x4cf: {  	v54 =	vsel vm7, $0x0, v11;
	v60 =	vsub.f32 $2.000000000e+00, v1;
	v2 =	vsel vm10, v2, v59;
	[tilespmem:s13+$0xFFFFFFE0] =	vst v7  }
0x4d0: {  	vm11 =	vle.f32 v1, $1.000000000e+00;
	v6 =	vsel vm9, v9, v58;
	v61 =	vsub.f32 $2.000000000e+00, v8;
	[tilespmem:s12+$0xFFFFFFF0] =	vst v2  }
0x4d1: {  	v62 =	vsub.f32 $2.000000000e+00, v3;
	vm12 =	vle.f32 v8, $1.000000000e+00;
	v1 =	vsel vm11, v1, v60;
	[tilespmem:s14+$0xFFFFFFE0] =	vst v6  }
0x4d2: {  	vm13 =	vle.f32 v3, $1.000000000e+00;
	v2 =	vsub.f32 $2.000000000e+00, v54;
	[tilespmem:s13+$0xFFFFFFF0] =	vst v1;
	v1 =	vsel vm12, v8, v61  }
0x4d3: {  	v63 =	vsub.f32 $2.000000000e+00, v56;
	vm14 =	vle.f32 v54, $1.000000000e+00;
	[tilespmem:s14+$0xFFFFFFF0] =	vst v1;
	v1 =	vsel vm13, v3, v62  }
0x4d4: {  	vm15 =	vle.f32 v56, $1.000000000e+00;
	[tilespmem:s12+$0x0] =	vst v1;
	v1 =	vsel vm14, v54, v2  }
0x4d5: {  	[tilespmem:s13+$0x0] =	vst v1;
	v1 =	vsel vm15, v56, v63  }
0x4d6: {  	s9 =	simm.s32 $0x14F00;
	[tilespmem:s14+$0x0] =	vst v1  }
0x4d7: {  	[hbm4b:s29+s1] =	stream.linear.scatter [tilespmem:s9], [sflag:$0x4], $0x2000, $0x38;
	[tilespmem:$0x1EF00] =	vst v63  }
0x4d8: {  	s18 =	simm.s32 $0x18F00  }
0x4d9: {  	[hbm4b:s30+s1] =	stream.linear.scatter [tilespmem:s18], [sflag:$0x4], $0x2000, $0x38;
	[tilespmem:$0x1EF00] =	vst v63  }
0x4da: {  	s19 =	simm.s32 $0x1CF00  }
0x4db: {  	[hbm4b:s31+s1] =	stream.linear.scatter [tilespmem:s19], [sflag:$0x4], $0x2000, $0x38;
	[tilespmem:$0x1EF00] =	vst v63  }
0x4dc: {  	_ =	swait.ge [sflag:s6], $0x2000  }
0x4dd: {  	[sflag:s6] =	ssyncset.done $0x0  }
0x4de: {  	[sflag:s6] =	ssyncadd.s32 $0xFFFFE000  }
0x4df: {  	_ =	swait.ge [sflag:s6], $0x2000  }
0x4e0: {  	[sflag:s6] =	ssyncset.done $0x0  }
0x4e1: {  	[sflag:s6] =	ssyncadd.s32 $0xFFFFE000  }
0x4e2: {  	_ =	swait.ge [sflag:s6], $0x2000  }
0x4e3: {  	[sflag:s6] =	ssyncset.done $0x0  }
0x4e4: {  	[sflag:s6] =	ssyncadd.s32 $0xFFFFE000  }
0x4e5: {  	_ =	swait.ge [sflag:s7], $0x2000  }
0x4e6: {  	[sflag:s7] =	ssyncset.done $0x0  }
0x4e7: {  	s8 =	sadd.s32 $0x1, s8;
	[sflag:s7] =	ssyncadd.s32 $0xFFFFE000  }
0x4e8: {  	p0 =	sne.s32 s8, s2;
	_ =	swait.ge [sflag:s7], $0x2000  }
.Ltmp4:
0x4e9: {  	[sflag:s7] =	ssyncset.done $0x0;
	(pc) =	sbr.rel @p0 .LBB2_1-.Ltmp4, $4  }
0x4ea: {  	[sflag:s7] =	ssyncadd.s32 $0xFFFFE000  }
0x4eb: {  	_ =	swait.ge [sflag:s7], $0x2000  }
0x4ec: {  	[sflag:s7] =	ssyncset.done $0x0  }
0x4ed: {  	[sflag:s7] =	ssyncadd.s32 $0xFFFFE000  }
0x4ee: {  	_ =	sfence.sel $0x180000  }
0x4ef: {  	[bflag:$0x0] =	sbarrier.arrive $0xFFFF  }
0x4f0: {  	_ =	strace $0x90000047  }
0x4f1: {  	s0 =	stileid.u32;
	[bflag:$0x2] =	sbarrier.arrive $0xFFFF  }
0x4f2: {  	p0 =	sne.s32 s0, $0x0;
	s0 =	rddreg [dreg:$0x3]  }
0x4f3: {  	s0 =	sadd.s32 @!p0 $0x100000, s0  }
0x4f4: {  	[sflag:s0] =	ssyncadd.tile.s32 @!p0 $0x1;
	_ =	shalt  }
.Lfunc_end2:
_tile_overlayer_lowered:
.L_overlay_start_2:
0x4f5: {  	(tag) =	ssettag $0x2  }
0x4f6: {  	s0 =	rddreg [dreg:$0x0];
	s2 =	stileid.u32  }
0x4f7: {  	s1 =	rddreg [dreg:$0x1];
	p0 =	sne.s32 s2, $0x0  }
0x4f8: {  	s3 =	rddreg [dreg:$0x2];
	[bflag:$0x3] =	sbarrier.arrive $0xFFFF;
	s2 =	simm.s32 @!p0 $0x1C05  }
0x4f9: {  	[timem:s3], [sflag:s2] =	dma.local @!p0 [hbm:s0], s1  }
0x4fa: {  	s0 =	simm.s32 @!p0 $0x5  }
0x4fb: {  	_ =	swait.ge @!p0 [sflag:s0], s1  }
0x4fc: {  	s1 =	ssub.s32 @!p0 $0x0, s1;
	[sflag:s0] =	ssyncset.done @!p0 $0x0  }
0x4fd: {  	[sflag:s0] =	ssyncadd.s32 @!p0 s1  }
0x4fe: {  	[bflag:$0x3] =	sbarrier.arrive $0xFFFF  }
0x4ff: {  	_ =	shalt  }

</sc_bundles>
